<compile_context>
chip_gen: v7x
topology: tpu7x:2x2x1
jax: 0.10.2.dev20260603
libtpu: 0.0.44.dev20260713+nightly
codegen_flags: <defaults>
</compile_context>

<pallas_src>
import jax
import jax.numpy as jnp
from jax.experimental import pallas as pl

N_BANDS = 64
OUT_CH = 32
WIN = 128
F = 1025
F_PAD = 1152
T_TILE = 256

BAND_STARTS = (
    0, 1, 3, 6, 9, 12, 15, 18, 21, 24, 27, 30, 33, 36, 39, 42, 45, 48, 51,
    54, 58, 62, 66, 70, 75, 80, 86, 91, 97, 104, 111, 119, 127, 135, 144,
    154, 164, 175, 187, 200, 213, 228, 243, 259, 277, 296, 316, 337, 360,
    384, 410, 438, 467, 499, 533, 569, 607, 648, 692, 739, 789, 842, 899,
    959,
)


def _band_kernel(x_ref, w_ref, b_ref, z_ref):
    tt = x_ref.shape[2]
    pad = jnp.zeros((tt, F_PAD - F), dtype=x_ref.dtype)
    x0 = jnp.concatenate([x_ref[0, 0], pad], axis=1)
    x1 = jnp.concatenate([x_ref[0, 1], pad], axis=1)
    for k in range(N_BANDS):
        s = BAND_STARTS[k]
        acc = jnp.dot(x0[:, s:s + WIN], w_ref[k, :WIN],
                      preferred_element_type=jnp.float32)
        acc = acc + jnp.dot(x1[:, s:s + WIN], w_ref[k, WIN:],
                            preferred_element_type=jnp.float32)
        z_ref[0, k] = acc + b_ref[k][None, :]


def kernel(x, *args):
    B, C, T, _ = x.shape
    ws = [args[3 * k + 1] for k in range(N_BANDS)]
    bs = [args[3 * k + 2] for k in range(N_BANDS)]
    w_pad = jnp.zeros((N_BANDS, 2 * WIN, OUT_CH), dtype=jnp.float32)
    for k in range(N_BANDS):
        L = ws[k].shape[0] // 2
        w_pad = w_pad.at[k, :L].set(ws[k][:L])
        w_pad = w_pad.at[k, WIN:WIN + L].set(ws[k][L:])
    b_pack = jnp.stack(bs)

    grid = (B, T // T_TILE)
    z = pl.pallas_call(
        _band_kernel,
        grid=grid,
        in_specs=[
            pl.BlockSpec((1, C, T_TILE, F), lambda b, t: (b, 0, t, 0)),
            pl.BlockSpec((N_BANDS, 2 * WIN, OUT_CH), lambda b, t: (0, 0, 0)),
            pl.BlockSpec((N_BANDS, OUT_CH), lambda b, t: (0, 0)),
        ],
        out_specs=pl.BlockSpec((1, N_BANDS, T_TILE, OUT_CH),
                               lambda b, t: (b, 0, t, 0)),
        out_shape=jax.ShapeDtypeStruct((B, N_BANDS, T, OUT_CH), jnp.float32),
    )(x, w_pad, b_pack)
    return jnp.transpose(z, (0, 3, 2, 1))

# --- scband reference (transcript-rebuilt; emitter-appended) ---
"""Pipeline reference for scband-band-split-91173565760184 (READ-ONLY COPY).

The authoritative reference and input builder live on the scoring server;
editing this copy changes nothing except your own understanding.
"""

import jax, jax.numpy as jnp
import numpy as np

SR = 44100.0
N_FFT = 2048
N_BANDS = 64
IN_CH = 2
OUT_CH = 32
B = 8
T = 1024


def _hz_to_mel(f):
    f = np.asarray(f, dtype=np.float64)
    f_sp = 200.0 / 3.0
    mels = f / f_sp
    min_log_hz = 1000.0
    min_log_mel = min_log_hz / f_sp
    logstep = np.log(6.4) / 27.0
    log_t = f >= min_log_hz
    mels = np.where(log_t, min_log_mel + np.log(np.maximum(f, 1e-10) / min_log_hz) / logstep, mels)
    return mels


def _mel_to_hz(m):
    m = np.asarray(m, dtype=np.float64)
    f_sp = 200.0 / 3.0
    freqs = f_sp * m
    min_log_hz = 1000.0
    min_log_mel = min_log_hz / f_sp
    logstep = np.log(6.4) / 27.0
    log_t = m >= min_log_mel
    freqs = np.where(log_t, min_log_hz * np.exp(logstep * (m - min_log_mel)), freqs)
    return freqs


def _mel_filters(sr, n_fft, n_mels):
    # librosa.filters.mel(sr, n_fft, n_mels, norm=None), slaney mel scale, fmin=0, fmax=sr/2
    n_f = n_fft // 2 + 1
    fftfreqs = np.linspace(0.0, sr / 2.0, n_f)
    mel_pts = _mel_to_hz(np.linspace(_hz_to_mel(0.0), _hz_to_mel(sr / 2.0), n_mels + 2))
    fdiff = np.diff(mel_pts)
    ramps = mel_pts[:, None] - fftfreqs[None, :]
    weights = np.zeros((n_mels, n_f))
    for i in range(n_mels):
        lower = -ramps[i] / fdiff[i]
        upper = ramps[i + 2] / fdiff[i + 1]
        weights[i] = np.maximum(0.0, np.minimum(lower, upper))
    return weights


def _init_melbanks():
    mel = _mel_filters(SR, N_FFT, N_BANDS - 2)
    F = N_FFT // 2 + 1
    mb0 = np.zeros(F)
    idx = int(np.argmax(mel[0]))
    mb0[:idx] = 1.0 - mel[0, :idx]
    mbl = np.zeros(F)
    idx = int(np.argmax(mel[-1]))
    mbl[idx:] = 1.0 - mel[-1, idx:]
    melbanks = np.concatenate([mb0[None, :], mel, mbl[None, :]], axis=0)
    ola = melbanks.sum(axis=0)
    assert ola.max() >= 0.5
    return melbanks, ola


def setup_inputs(seed=0) -> dict:
    key = jax.random.key(seed)
    melbanks, _ola = _init_melbanks()
    inp = {}
    kx, key = jax.random.split(key)
    inp["x"] = jax.random.normal(kx, (B, IN_CH, T, N_FFT // 2 + 1), dtype=jnp.float32)
    for i in range(N_BANDS):
        idx = np.nonzero(np.abs(melbanks[i]) > 1e-6)[0]
        inp[f"indices_{i}"] = jnp.asarray(idx, dtype=jnp.int32)
        n_in = IN_CH * len(idx)
        bound = 1.0 / np.sqrt(n_in)
        k1, k2, key = jax.random.split(key, 3)
        inp[f"pre_w_{i}"] = jax.random.uniform(k1, (n_in, OUT_CH), minval=-bound, maxval=bound, dtype=jnp.float32)
        inp[f"pre_b_{i}"] = jax.random.uniform(k2, (OUT_CH,), minval=-bound, maxval=bound, dtype=jnp.float32)
    return inp


def reference(
    x,
    indices_0, pre_w_0, pre_b_0,
    indices_1, pre_w_1, pre_b_1,
    indices_2, pre_w_2, pre_b_2,
    indices_3, pre_w_3, pre_b_3,
    indices_4, pre_w_4, pre_b_4,
    indices_5, pre_w_5, pre_b_5,
    indices_6, pre_w_6, pre_b_6,
    indices_7, pre_w_7, pre_b_7,
    indices_8, pre_w_8, pre_b_8,
    indices_9, pre_w_9, pre_b_9,
    indices_10, pre_w_10, pre_b_10,
    indices_11, pre_w_11, pre_b_11,
    indices_12, pre_w_12, pre_b_12,
    indices_13, pre_w_13, pre_b_13,
    indices_14, pre_w_14, pre_b_14,
    indices_15, pre_w_15, pre_b_15,
    indices_16, pre_w_16, pre_b_16,
    indices_17, pre_w_17, pre_b_17,
    indices_18, pre_w_18, pre_b_18,
    indices_19, pre_w_19, pre_b_19,
    indices_20, pre_w_20, pre_b_20,
    indices_21, pre_w_21, pre_b_21,
    indices_22, pre_w_22, pre_b_22,
    indices_23, pre_w_23, pre_b_23,
    indices_24, pre_w_24, pre_b_24,
    indices_25, pre_w_25, pre_b_25,
    indices_26, pre_w_26, pre_b_26,
    indices_27, pre_w_27, pre_b_27,
    indices_28, pre_w_28, pre_b_28,
    indices_29, pre_w_29, pre_b_29,
    indices_30, pre_w_30, pre_b_30,
    indices_31, pre_w_31, pre_b_31,
    indices_32, pre_w_32, pre_b_32,
    indices_33, pre_w_33, pre_b_33,
    indices_34, pre_w_34, pre_b_34,
    indices_35, pre_w_35, pre_b_35,
    indices_36, pre_w_36, pre_b_36,
    indices_37, pre_w_37, pre_b_37,
    indices_38, pre_w_38, pre_b_38,
    indices_39, pre_w_39, pre_b_39,
    indices_40, pre_w_40, pre_b_40,
    indices_41, pre_w_41, pre_b_41,
    indices_42, pre_w_42, pre_b_42,
    indices_43, pre_w_43, pre_b_43,
    indices_44, pre_w_44, pre_b_44,
    indices_45, pre_w_45, pre_b_45,
    indices_46, pre_w_46, pre_b_46,
    indices_47, pre_w_47, pre_b_47,
    indices_48, pre_w_48, pre_b_48,
    indices_49, pre_w_49, pre_b_49,
    indices_50, pre_w_50, pre_b_50,
    indices_51, pre_w_51, pre_b_51,
    indices_52, pre_w_52, pre_b_52,
    indices_53, pre_w_53, pre_b_53,
    indices_54, pre_w_54, pre_b_54,
    indices_55, pre_w_55, pre_b_55,
    indices_56, pre_w_56, pre_b_56,
    indices_57, pre_w_57, pre_b_57,
    indices_58, pre_w_58, pre_b_58,
    indices_59, pre_w_59, pre_b_59,
    indices_60, pre_w_60, pre_b_60,
    indices_61, pre_w_61, pre_b_61,
    indices_62, pre_w_62, pre_b_62,
    indices_63, pre_w_63, pre_b_63,
):
    # BandSplit.transform: per-band frequency gather + linear projection, stacked over bands
    kw = dict(locals())
    Bb, C, Tt, _ = x.shape
    outs = []
    for i in range(N_BANDS):
        idx = kw[f"indices_{i}"]
        xi = jnp.take(x, idx, axis=3)                      # (B, C, T, L_i) ragged gather
        xi = jnp.transpose(xi, (0, 2, 1, 3)).reshape(Bb, Tt, -1)  # b c t f -> b t (c f)
        y = jnp.einsum('bti,io->bto', xi, kw[f"pre_w_{i}"]) + kw[f"pre_b_{i}"]
        outs.append(jnp.transpose(y, (0, 2, 1)))           # (B, D, T)
    return jnp.stack(outs, axis=-1)                        # (B, D, T, K)

if __name__ == "__main__":
    import jax
    _d = setup_inputs()
    print(jax.jit(kernel)(*tuple(_d.values())))

</pallas_src>

<mosaic_0001>
module attributes {stable_mosaic.version = 14 : i64} {
  func.func @_band_kernel(%arg0: i32, %arg1: i32, %arg2: memref<1x2x256x1025xf32, #tpu.memory_space<vmem>>, %arg3: memref<64x256x32xf32, #tpu.memory_space<vmem>>, %arg4: memref<64x32xf32, #tpu.memory_space<vmem>>, %arg5: memref<1x64x256x32xf32, #tpu.memory_space<vmem>>) attributes {dimension_semantics = [#tpu.dimension_semantics<arbitrary>, #tpu.dimension_semantics<arbitrary>], iteration_bounds = array<i64: 8, 4>, scalar_prefetch = 0 : i64, scratch_operands = 0 : i64, tpu.core_type = #tpu.core_type<tc>, window_params = [{transform_indices = @transform_0, window_bounds = array<i64: 1, 2, 256, 1025>}, {pipeline_mode = #tpu.pipeline_mode<synchronous>, transform_indices = @transform_1, window_bounds = array<i64: 64, 256, 32>}, {pipeline_mode = #tpu.pipeline_mode<synchronous>, transform_indices = @transform_2, window_bounds = array<i64: 64, 32>}, {transform_indices = @transform_3, window_bounds = array<i64: 1, 64, 256, 32>}]} {
    %broadcast_in_dim3A = arith.constant 0.000000e+00 : f32
    %broadcast_in_dim3A_0 = vector.broadcast %broadcast_in_dim3A : f32 to vector<256x127xf32>
    %get3A = arith.constant 0 : index
    %get3A_1 = arith.constant 0 : index
    %get3A_2 = arith.constant 0 : index
    %get3A_3 = arith.constant 0 : index
    %get3A_4 = vector.load %arg2[%get3A, %get3A_1, %get3A_2, %get3A_3] : memref<1x2x256x1025xf32, #tpu.memory_space<vmem>>, vector<1x1x256x1025xf32>
    %get3A_5 = vector.shape_cast %get3A_4 : vector<1x1x256x1025xf32> to vector<256x1025xf32>
    %concatenate3A = tpu.concatenate %get3A_5, %broadcast_in_dim3A_0 in 1 : vector<256x1025xf32>, vector<256x127xf32> -> vector<256x1152xf32>
    %get3A_6 = arith.constant 0 : index
    %get3A_7 = arith.constant 1 : index
    %get3A_8 = arith.constant 0 : index
    %get3A_9 = arith.constant 0 : index
    %get3A_10 = vector.load %arg2[%get3A_6, %get3A_7, %get3A_8, %get3A_9] : memref<1x2x256x1025xf32, #tpu.memory_space<vmem>>, vector<1x1x256x1025xf32>
    %get3A_11 = vector.shape_cast %get3A_10 : vector<1x1x256x1025xf32> to vector<256x1025xf32>
    %concatenate3A_12 = tpu.concatenate %get3A_11, %broadcast_in_dim3A_0 in 1 : vector<256x1025xf32>, vector<256x127xf32> -> vector<256x1152xf32>
    %slice3A = vector.extract_strided_slice %concatenate3A {offsets = [0, 0], sizes = [256, 128], strides = [1, 1]} : vector<256x1152xf32> to vector<256x128xf32>
    %get3A_13 = arith.constant 0 : index
    %get3A_14 = arith.constant 0 : index
    %get3A_15 = arith.constant 0 : index
    %get3A_16 = vector.load %arg3[%get3A_13, %get3A_14, %get3A_15] : memref<64x256x32xf32, #tpu.memory_space<vmem>>, vector<1x128x32xf32>
    %get3A_17 = vector.shape_cast %get3A_16 : vector<1x128x32xf32> to vector<128x32xf32>
    %dot_general3A = arith.constant dense<0.000000e+00> : vector<256x32xf32>
    %dot_general3A_18 = tpu.matmul %slice3A, %get3A_17, %dot_general3A {dimension_numbers = #tpu.dot_dimension_numbers<[1], [0], [0], [1], [0, 0, 1, 1], [], []>, transpose_lhs_hint = false} : vector<256x128xf32>, vector<128x32xf32>, vector<256x32xf32> -> vector<256x32xf32>
    %slice3A_19 = vector.extract_strided_slice %concatenate3A_12 {offsets = [0, 0], sizes = [256, 128], strides = [1, 1]} : vector<256x1152xf32> to vector<256x128xf32>
    %get3A_20 = arith.constant 0 : index
    %get3A_21 = arith.constant 128 : index
    %get3A_22 = arith.constant 0 : index
    %get3A_23 = vector.load %arg3[%get3A_20, %get3A_21, %get3A_22] : memref<64x256x32xf32, #tpu.memory_space<vmem>>, vector<1x128x32xf32>
    %get3A_24 = vector.shape_cast %get3A_23 : vector<1x128x32xf32> to vector<128x32xf32>
    %dot_general3A_25 = arith.constant dense<0.000000e+00> : vector<256x32xf32>
    %dot_general3A_26 = tpu.matmul %slice3A_19, %get3A_24, %dot_general3A_25 {dimension_numbers = #tpu.dot_dimension_numbers<[1], [0], [0], [1], [0, 0, 1, 1], [], []>, transpose_lhs_hint = false} : vector<256x128xf32>, vector<128x32xf32>, vector<256x32xf32> -> vector<256x32xf32>
    %add3A = arith.addf %dot_general3A_18, %dot_general3A_26 : vector<256x32xf32>
    %get3A_27 = arith.constant 0 : index
    %get3A_28 = arith.constant 0 : index
    %get3A_29 = vector.load %arg4[%get3A_27, %get3A_28] : memref<64x32xf32, #tpu.memory_space<vmem>>, vector<1x32xf32>
    %get3A_30 = vector.shape_cast %get3A_29 : vector<1x32xf32> to vector<32xf32>
    %broadcast_in_dim3A_31 = vector.shape_cast %get3A_30 : vector<32xf32> to vector<1x32xf32>
    %add3A_32 = vector.broadcast %broadcast_in_dim3A_31 : vector<1x32xf32> to vector<256x32xf32>
    %add3A_33 = arith.addf %add3A, %add3A_32 : vector<256x32xf32>
    %swap3A = arith.constant 0 : index
    %swap3A_34 = arith.constant 0 : index
    %swap3A_35 = arith.constant 0 : index
    %swap3A_36 = arith.constant 0 : index
    %swap3A_37 = vector.load %arg5[%swap3A, %swap3A_34, %swap3A_35, %swap3A_36] : memref<1x64x256x32xf32, #tpu.memory_space<vmem>>, vector<1x1x256x32xf32>
    %swap3A_38 = vector.shape_cast %swap3A_37 : vector<1x1x256x32xf32> to vector<256x32xf32>
    %swap3A_39 = vector.shape_cast %add3A_33 : vector<256x32xf32> to vector<1x1x256x32xf32>
    tpu.vector_store %arg5[%swap3A, %swap3A_34, %swap3A_35, %swap3A_36], %swap3A_39 {strides = array<i32>} : memref<1x64x256x32xf32, #tpu.memory_space<vmem>>, vector<1x1x256x32xf32>,
    %slice3A_40 = vector.extract_strided_slice %concatenate3A {offsets = [0, 1], sizes = [256, 128], strides = [1, 1]} : vector<256x1152xf32> to vector<256x128xf32>
    %get3A_41 = arith.constant 1 : index
    %get3A_42 = arith.constant 0 : index
    %get3A_43 = arith.constant 0 : index
    %get3A_44 = vector.load %arg3[%get3A_41, %get3A_42, %get3A_43] : memref<64x256x32xf32, #tpu.memory_space<vmem>>, vector<1x128x32xf32>
    %get3A_45 = vector.shape_cast %get3A_44 : vector<1x128x32xf32> to vector<128x32xf32>
    %dot_general3A_46 = arith.constant dense<0.000000e+00> : vector<256x32xf32>
    %dot_general3A_47 = tpu.matmul %slice3A_40, %get3A_45, %dot_general3A_46 {dimension_numbers = #tpu.dot_dimension_numbers<[1], [0], [0], [1], [0, 0, 1, 1], [], []>, transpose_lhs_hint = false} : vector<256x128xf32>, vector<128x32xf32>, vector<256x32xf32> -> vector<256x32xf32>
    %slice3A_48 = vector.extract_strided_slice %concatenate3A_12 {offsets = [0, 1], sizes = [256, 128], strides = [1, 1]} : vector<256x1152xf32> to vector<256x128xf32>
    %get3A_49 = arith.constant 1 : index
    %get3A_50 = arith.constant 128 : index
    %get3A_51 = arith.constant 0 : index
    %get3A_52 = vector.load %arg3[%get3A_49, %get3A_50, %get3A_51] : memref<64x256x32xf32, #tpu.memory_space<vmem>>, vector<1x128x32xf32>
    %get3A_53 = vector.shape_cast %get3A_52 : vector<1x128x32xf32> to vector<128x32xf32>
    %dot_general3A_54 = arith.constant dense<0.000000e+00> : vector<256x32xf32>
    %dot_general3A_55 = tpu.matmul %slice3A_48, %get3A_53, %dot_general3A_54 {dimension_numbers = #tpu.dot_dimension_numbers<[1], [0], [0], [1], [0, 0, 1, 1], [], []>, transpose_lhs_hint = false} : vector<256x128xf32>, vector<128x32xf32>, vector<256x32xf32> -> vector<256x32xf32>
    %add3A_56 = arith.addf %dot_general3A_47, %dot_general3A_55 : vector<256x32xf32>
    %get3A_57 = arith.constant 1 : index
    %get3A_58 = arith.constant 0 : index
    %get3A_59 = vector.load %arg4[%get3A_57, %get3A_58] : memref<64x32xf32, #tpu.memory_space<vmem>>, vector<1x32xf32>
    %get3A_60 = vector.shape_cast %get3A_59 : vector<1x32xf32> to vector<32xf32>
    %broadcast_in_dim3A_61 = vector.shape_cast %get3A_60 : vector<32xf32> to vector<1x32xf32>
    %add3A_62 = vector.broadcast %broadcast_in_dim3A_61 : vector<1x32xf32> to vector<256x32xf32>
    %add3A_63 = arith.addf %add3A_56, %add3A_62 : vector<256x32xf32>
    %swap3A_64 = arith.constant 0 : index
    %swap3A_65 = arith.constant 1 : index
    %swap3A_66 = arith.constant 0 : index
    %swap3A_67 = arith.constant 0 : index
    %swap3A_68 = vector.load %arg5[%swap3A_64, %swap3A_65, %swap3A_66, %swap3A_67] : memref<1x64x256x32xf32, #tpu.memory_space<vmem>>, vector<1x1x256x32xf32>
    %swap3A_69 = vector.shape_cast %swap3A_68 : vector<1x1x256x32xf32> to vector<256x32xf32>
    %swap3A_70 = vector.shape_cast %add3A_63 : vector<256x32xf32> to vector<1x1x256x32xf32>
    tpu.vector_store %arg5[%swap3A_64, %swap3A_65, %swap3A_66, %swap3A_67], %swap3A_70 {strides = array<i32>} : memref<1x64x256x32xf32, #tpu.memory_space<vmem>>, vector<1x1x256x32xf32>,
    %slice3A_71 = vector.extract_strided_slice %concatenate3A {offsets = [0, 3], sizes = [256, 128], strides = [1, 1]} : vector<256x1152xf32> to vector<256x128xf32>
    %get3A_72 = arith.constant 2 : index
    %get3A_73 = arith.constant 0 : index
    %get3A_74 = arith.constant 0 : index
    %get3A_75 = vector.load %arg3[%get3A_72, %get3A_73, %get3A_74] : memref<64x256x32xf32, #tpu.memory_space<vmem>>, vector<1x128x32xf32>
    %get3A_76 = vector.shape_cast %get3A_75 : vector<1x128x32xf32> to vector<128x32xf32>
    %dot_general3A_77 = arith.constant dense<0.000000e+00> : vector<256x32xf32>
    %dot_general3A_78 = tpu.matmul %slice3A_71, %get3A_76, %dot_general3A_77 {dimension_numbers = #tpu.dot_dimension_numbers<[1], [0], [0], [1], [0, 0, 1, 1], [], []>, transpose_lhs_hint = false} : vector<256x128xf32>, vector<128x32xf32>, vector<256x32xf32> -> vector<256x32xf32>
    %slice3A_79 = vector.extract_strided_slice %concatenate3A_12 {offsets = [0, 3], sizes = [256, 128], strides = [1, 1]} : vector<256x1152xf32> to vector<256x128xf32>
    %get3A_80 = arith.constant 2 : index
    %get3A_81 = arith.constant 128 : index
    %get3A_82 = arith.constant 0 : index
    %get3A_83 = vector.load %arg3[%get3A_80, %get3A_81, %get3A_82] : memref<64x256x32xf32, #tpu.memory_space<vmem>>, vector<1x128x32xf32>
    %get3A_84 = vector.shape_cast %get3A_83 : vector<1x128x32xf32> to vector<128x32xf32>
    %dot_general3A_85 = arith.constant dense<0.000000e+00> : vector<256x32xf32>
    %dot_general3A_86 = tpu.matmul %slice3A_79, %get3A_84, %dot_general3A_85 {dimension_numbers = #tpu.dot_dimension_numbers<[1], [0], [0], [1], [0, 0, 1, 1], [], []>, transpose_lhs_hint = false} : vector<256x128xf32>, vector<128x32xf32>, vector<256x32xf32> -> vector<256x32xf32>
    %add3A_87 = arith.addf %dot_general3A_78, %dot_general3A_86 : vector<256x32xf32>
    %get3A_88 = arith.constant 2 : index
    %get3A_89 = arith.constant 0 : index
    %get3A_90 = vector.load %arg4[%get3A_88, %get3A_89] : memref<64x32xf32, #tpu.memory_space<vmem>>, vector<1x32xf32>
    %get3A_91 = vector.shape_cast %get3A_90 : vector<1x32xf32> to vector<32xf32>
    %broadcast_in_dim3A_92 = vector.shape_cast %get3A_91 : vector<32xf32> to vector<1x32xf32>
    %add3A_93 = vector.broadcast %broadcast_in_dim3A_92 : vector<1x32xf32> to vector<256x32xf32>
    %add3A_94 = arith.addf %add3A_87, %add3A_93 : vector<256x32xf32>
    %swap3A_95 = arith.constant 0 : index
    %swap3A_96 = arith.constant 2 : index
    %swap3A_97 = arith.constant 0 : index
    %swap3A_98 = arith.constant 0 : index
    %swap3A_99 = vector.load %arg5[%swap3A_95, %swap3A_96, %swap3A_97, %swap3A_98] : memref<1x64x256x32xf32, #tpu.memory_space<vmem>>, vector<1x1x256x32xf32>
    %swap3A_100 = vector.shape_cast %swap3A_99 : vector<1x1x256x32xf32> to vector<256x32xf32>
    %swap3A_101 = vector.shape_cast %add3A_94 : vector<256x32xf32> to vector<1x1x256x32xf32>
    tpu.vector_store %arg5[%swap3A_95, %swap3A_96, %swap3A_97, %swap3A_98], %swap3A_101 {strides = array<i32>} : memref<1x64x256x32xf32, #tpu.memory_space<vmem>>, vector<1x1x256x32xf32>,
    %slice3A_102 = vector.extract_strided_slice %concatenate3A {offsets = [0, 6], sizes = [256, 128], strides = [1, 1]} : vector<256x1152xf32> to vector<256x128xf32>
    %get3A_103 = arith.constant 3 : index
    %get3A_104 = arith.constant 0 : index
    %get3A_105 = arith.constant 0 : index
    %get3A_106 = vector.load %arg3[%get3A_103, %get3A_104, %get3A_105] : memref<64x256x32xf32, #tpu.memory_space<vmem>>, vector<1x128x32xf32>
    %get3A_107 = vector.shape_cast %get3A_106 : vector<1x128x32xf32> to vector<128x32xf32>
    %dot_general3A_108 = arith.constant dense<0.000000e+00> : vector<256x32xf32>
    %dot_general3A_109 = tpu.matmul %slice3A_102, %get3A_107, %dot_general3A_108 {dimension_numbers = #tpu.dot_dimension_numbers<[1], [0], [0], [1], [0, 0, 1, 1], [], []>, transpose_lhs_hint = false} : vector<256x128xf32>, vector<128x32xf32>, vector<256x32xf32> -> vector<256x32xf32>
    %slice3A_110 = vector.extract_strided_slice %concatenate3A_12 {offsets = [0, 6], sizes = [256, 128], strides = [1, 1]} : vector<256x1152xf32> to vector<256x128xf32>
    %get3A_111 = arith.constant 3 : index
    %get3A_112 = arith.constant 128 : index
    %get3A_113 = arith.constant 0 : index
    %get3A_114 = vector.load %arg3[%get3A_111, %get3A_112, %get3A_113] : memref<64x256x32xf32, #tpu.memory_space<vmem>>, vector<1x128x32xf32>
    %get3A_115 = vector.shape_cast %get3A_114 : vector<1x128x32xf32> to vector<128x32xf32>
    %dot_general3A_116 = arith.constant dense<0.000000e+00> : vector<256x32xf32>
    %dot_general3A_117 = tpu.matmul %slice3A_110, %get3A_115, %dot_general3A_116 {dimension_numbers = #tpu.dot_dimension_numbers<[1], [0], [0], [1], [0, 0, 1, 1], [], []>, transpose_lhs_hint = false} : vector<256x128xf32>, vector<128x32xf32>, vector<256x32xf32> -> vector<256x32xf32>
    %add3A_118 = arith.addf %dot_general3A_109, %dot_general3A_117 : vector<256x32xf32>
    %get3A_119 = arith.constant 3 : index
    %get3A_120 = arith.constant 0 : index
    %get3A_121 = vector.load %arg4[%get3A_119, %get3A_120] : memref<64x32xf32, #tpu.memory_space<vmem>>, vector<1x32xf32>
    %get3A_122 = vector.shape_cast %get3A_121 : vector<1x32xf32> to vector<32xf32>
    %broadcast_in_dim3A_123 = vector.shape_cast %get3A_122 : vector<32xf32> to vector<1x32xf32>
    %add3A_124 = vector.broadcast %broadcast_in_dim3A_123 : vector<1x32xf32> to vector<256x32xf32>
    %add3A_125 = arith.addf %add3A_118, %add3A_124 : vector<256x32xf32>
    %swap3A_126 = arith.constant 0 : index
    %swap3A_127 = arith.constant 3 : index
    %swap3A_128 = arith.constant 0 : index
    %swap3A_129 = arith.constant 0 : index
    %swap3A_130 = vector.load %arg5[%swap3A_126, %swap3A_127, %swap3A_128, %swap3A_129] : memref<1x64x256x32xf32, #tpu.memory_space<vmem>>, vector<1x1x256x32xf32>
    %swap3A_131 = vector.shape_cast %swap3A_130 : vector<1x1x256x32xf32> to vector<256x32xf32>
    %swap3A_132 = vector.shape_cast %add3A_125 : vector<256x32xf32> to vector<1x1x256x32xf32>
    tpu.vector_store %arg5[%swap3A_126, %swap3A_127, %swap3A_128, %swap3A_129], %swap3A_132 {strides = array<i32>} : memref<1x64x256x32xf32, #tpu.memory_space<vmem>>, vector<1x1x256x32xf32>,
    %slice3A_133 = vector.extract_strided_slice %concatenate3A {offsets = [0, 9], sizes = [256, 128], strides = [1, 1]} : vector<256x1152xf32> to vector<256x128xf32>
    %get3A_134 = arith.constant 4 : index
    %get3A_135 = arith.constant 0 : index
    %get3A_136 = arith.constant 0 : index
    %get3A_137 = vector.load %arg3[%get3A_134, %get3A_135, %get3A_136] : memref<64x256x32xf32, #tpu.memory_space<vmem>>, vector<1x128x32xf32>
    %get3A_138 = vector.shape_cast %get3A_137 : vector<1x128x32xf32> to vector<128x32xf32>
    %dot_general3A_139 = arith.constant dense<0.000000e+00> : vector<256x32xf32>
    %dot_general3A_140 = tpu.matmul %slice3A_133, %get3A_138, %dot_general3A_139 {dimension_numbers = #tpu.dot_dimension_numbers<[1], [0], [0], [1], [0, 0, 1, 1], [], []>, transpose_lhs_hint = false} : vector<256x128xf32>, vector<128x32xf32>, vector<256x32xf32> -> vector<256x32xf32>
    %slice3A_141 = vector.extract_strided_slice %concatenate3A_12 {offsets = [0, 9], sizes = [256, 128], strides = [1, 1]} : vector<256x1152xf32> to vector<256x128xf32>
    %get3A_142 = arith.constant 4 : index
    %get3A_143 = arith.constant 128 : index
    %get3A_144 = arith.constant 0 : index
    %get3A_145 = vector.load %arg3[%get3A_142, %get3A_143, %get3A_144] : memref<64x256x32xf32, #tpu.memory_space<vmem>>, vector<1x128x32xf32>
    %get3A_146 = vector.shape_cast %get3A_145 : vector<1x128x32xf32> to vector<128x32xf32>
    %dot_general3A_147 = arith.constant dense<0.000000e+00> : vector<256x32xf32>
    %dot_general3A_148 = tpu.matmul %slice3A_141, %get3A_146, %dot_general3A_147 {dimension_numbers = #tpu.dot_dimension_numbers<[1], [0], [0], [1], [0, 0, 1, 1], [], []>, transpose_lhs_hint = false} : vector<256x128xf32>, vector<128x32xf32>, vector<256x32xf32> -> vector<256x32xf32>
    %add3A_149 = arith.addf %dot_general3A_140, %dot_general3A_148 : vector<256x32xf32>
    %get3A_150 = arith.constant 4 : index
    %get3A_151 = arith.constant 0 : index
    %get3A_152 = vector.load %arg4[%get3A_150, %get3A_151] : memref<64x32xf32, #tpu.memory_space<vmem>>, vector<1x32xf32>
    %get3A_153 = vector.shape_cast %get3A_152 : vector<1x32xf32> to vector<32xf32>
    %broadcast_in_dim3A_154 = vector.shape_cast %get3A_153 : vector<32xf32> to vector<1x32xf32>
    %add3A_155 = vector.broadcast %broadcast_in_dim3A_154 : vector<1x32xf32> to vector<256x32xf32>
    %add3A_156 = arith.addf %add3A_149, %add3A_155 : vector<256x32xf32>
    %swap3A_157 = arith.constant 0 : index
    %swap3A_158 = arith.constant 4 : index
    %swap3A_159 = arith.constant 0 : index
    %swap3A_160 = arith.constant 0 : index
    %swap3A_161 = vector.load %arg5[%swap3A_157, %swap3A_158, %swap3A_159, %swap3A_160] : memref<1x64x256x32xf32, #tpu.memory_space<vmem>>, vector<1x1x256x32xf32>
    %swap3A_162 = vector.shape_cast %swap3A_161 : vector<1x1x256x32xf32> to vector<256x32xf32>
    %swap3A_163 = vector.shape_cast %add3A_156 : vector<256x32xf32> to vector<1x1x256x32xf32>
    tpu.vector_store %arg5[%swap3A_157, %swap3A_158, %swap3A_159, %swap3A_160], %swap3A_163 {strides = array<i32>} : memref<1x64x256x32xf32, #tpu.memory_space<vmem>>, vector<1x1x256x32xf32>,
    %slice3A_164 = vector.extract_strided_slice %concatenate3A {offsets = [0, 12], sizes = [256, 128], strides = [1, 1]} : vector<256x1152xf32> to vector<256x128xf32>
    %get3A_165 = arith.constant 5 : index
    %get3A_166 = arith.constant 0 : index
    %get3A_167 = arith.constant 0 : index
    %get3A_168 = vector.load %arg3[%get3A_165, %get3A_166, %get3A_167] : memref<64x256x32xf32, #tpu.memory_space<vmem>>, vector<1x128x32xf32>
    %get3A_169 = vector.shape_cast %get3A_168 : vector<1x128x32xf32> to vector<128x32xf32>
    %dot_general3A_170 = arith.constant dense<0.000000e+00> : vector<256x32xf32>
    %dot_general3A_171 = tpu.matmul %slice3A_164, %get3A_169, %dot_general3A_170 {dimension_numbers = #tpu.dot_dimension_numbers<[1], [0], [0], [1], [0, 0, 1, 1], [], []>, transpose_lhs_hint = false} : vector<256x128xf32>, vector<128x32xf32>, vector<256x32xf32> -> vector<256x32xf32>
    %slice3A_172 = vector.extract_strided_slice %concatenate3A_12 {offsets = [0, 12], sizes = [256, 128], strides = [1, 1]} : vector<256x1152xf32> to vector<256x128xf32>
    %get3A_173 = arith.constant 5 : index
    %get3A_174 = arith.constant 128 : index
    %get3A_175 = arith.constant 0 : index
    %get3A_176 = vector.load %arg3[%get3A_173, %get3A_174, %get3A_175] : memref<64x256x32xf32, #tpu.memory_space<vmem>>, vector<1x128x32xf32>
    %get3A_177 = vector.shape_cast %get3A_176 : vector<1x128x32xf32> to vector<128x32xf32>
    %dot_general3A_178 = arith.constant dense<0.000000e+00> : vector<256x32xf32>
    %dot_general3A_179 = tpu.matmul %slice3A_172, %get3A_177, %dot_general3A_178 {dimension_numbers = #tpu.dot_dimension_numbers<[1], [0], [0], [1], [0, 0, 1, 1], [], []>, transpose_lhs_hint = false} : vector<256x128xf32>, vector<128x32xf32>, vector<256x32xf32> -> vector<256x32xf32>
    %add3A_180 = arith.addf %dot_general3A_171, %dot_general3A_179 : vector<256x32xf32>
    %get3A_181 = arith.constant 5 : index
    %get3A_182 = arith.constant 0 : index
    %get3A_183 = vector.load %arg4[%get3A_181, %get3A_182] : memref<64x32xf32, #tpu.memory_space<vmem>>, vector<1x32xf32>
    %get3A_184 = vector.shape_cast %get3A_183 : vector<1x32xf32> to vector<32xf32>
    %broadcast_in_dim3A_185 = vector.shape_cast %get3A_184 : vector<32xf32> to vector<1x32xf32>
    %add3A_186 = vector.broadcast %broadcast_in_dim3A_185 : vector<1x32xf32> to vector<256x32xf32>
    %add3A_187 = arith.addf %add3A_180, %add3A_186 : vector<256x32xf32>
    %swap3A_188 = arith.constant 0 : index
    %swap3A_189 = arith.constant 5 : index
    %swap3A_190 = arith.constant 0 : index
    %swap3A_191 = arith.constant 0 : index
    %swap3A_192 = vector.load %arg5[%swap3A_188, %swap3A_189, %swap3A_190, %swap3A_191] : memref<1x64x256x32xf32, #tpu.memory_space<vmem>>, vector<1x1x256x32xf32>
    %swap3A_193 = vector.shape_cast %swap3A_192 : vector<1x1x256x32xf32> to vector<256x32xf32>
    %swap3A_194 = vector.shape_cast %add3A_187 : vector<256x32xf32> to vector<1x1x256x32xf32>
    tpu.vector_store %arg5[%swap3A_188, %swap3A_189, %swap3A_190, %swap3A_191], %swap3A_194 {strides = array<i32>} : memref<1x64x256x32xf32, #tpu.memory_space<vmem>>, vector<1x1x256x32xf32>,
    %slice3A_195 = vector.extract_strided_slice %concatenate3A {offsets = [0, 15], sizes = [256, 128], strides = [1, 1]} : vector<256x1152xf32> to vector<256x128xf32>
    %get3A_196 = arith.constant 6 : index
    %get3A_197 = arith.constant 0 : index
    %get3A_198 = arith.constant 0 : index
    %get3A_199 = vector.load %arg3[%get3A_196, %get3A_197, %get3A_198] : memref<64x256x32xf32, #tpu.memory_space<vmem>>, vector<1x128x32xf32>
    %get3A_200 = vector.shape_cast %get3A_199 : vector<1x128x32xf32> to vector<128x32xf32>
    %dot_general3A_201 = arith.constant dense<0.000000e+00> : vector<256x32xf32>
    %dot_general3A_202 = tpu.matmul %slice3A_195, %get3A_200, %dot_general3A_201 {dimension_numbers = #tpu.dot_dimension_numbers<[1], [0], [0], [1], [0, 0, 1, 1], [], []>, transpose_lhs_hint = false} : vector<256x128xf32>, vector<128x32xf32>, vector<256x32xf32> -> vector<256x32xf32>
    %slice3A_203 = vector.extract_strided_slice %concatenate3A_12 {offsets = [0, 15], sizes = [256, 128], strides = [1, 1]} : vector<256x1152xf32> to vector<256x128xf32>
    %get3A_204 = arith.constant 6 : index
    %get3A_205 = arith.constant 128 : index
    %get3A_206 = arith.constant 0 : index
    %get3A_207 = vector.load %arg3[%get3A_204, %get3A_205, %get3A_206] : memref<64x256x32xf32, #tpu.memory_space<vmem>>, vector<1x128x32xf32>
    %get3A_208 = vector.shape_cast %get3A_207 : vector<1x128x32xf32> to vector<128x32xf32>
    %dot_general3A_209 = arith.constant dense<0.000000e+00> : vector<256x32xf32>
    %dot_general3A_210 = tpu.matmul %slice3A_203, %get3A_208, %dot_general3A_209 {dimension_numbers = #tpu.dot_dimension_numbers<[1], [0], [0], [1], [0, 0, 1, 1], [], []>, transpose_lhs_hint = false} : vector<256x128xf32>, vector<128x32xf32>, vector<256x32xf32> -> vector<256x32xf32>
    %add3A_211 = arith.addf %dot_general3A_202, %dot_general3A_210 : vector<256x32xf32>
    %get3A_212 = arith.constant 6 : index
    %get3A_213 = arith.constant 0 : index
    %get3A_214 = vector.load %arg4[%get3A_212, %get3A_213] : memref<64x32xf32, #tpu.memory_space<vmem>>, vector<1x32xf32>
    %get3A_215 = vector.shape_cast %get3A_214 : vector<1x32xf32> to vector<32xf32>
    %broadcast_in_dim3A_216 = vector.shape_cast %get3A_215 : vector<32xf32> to vector<1x32xf32>
    %add3A_217 = vector.broadcast %broadcast_in_dim3A_216 : vector<1x32xf32> to vector<256x32xf32>
    %add3A_218 = arith.addf %add3A_211, %add3A_217 : vector<256x32xf32>
    %swap3A_219 = arith.constant 0 : index
    %swap3A_220 = arith.constant 6 : index
    %swap3A_221 = arith.constant 0 : index
    %swap3A_222 = arith.constant 0 : index
    %swap3A_223 = vector.load %arg5[%swap3A_219, %swap3A_220, %swap3A_221, %swap3A_222] : memref<1x64x256x32xf32, #tpu.memory_space<vmem>>, vector<1x1x256x32xf32>
    %swap3A_224 = vector.shape_cast %swap3A_223 : vector<1x1x256x32xf32> to vector<256x32xf32>
    %swap3A_225 = vector.shape_cast %add3A_218 : vector<256x32xf32> to vector<1x1x256x32xf32>
    tpu.vector_store %arg5[%swap3A_219, %swap3A_220, %swap3A_221, %swap3A_222], %swap3A_225 {strides = array<i32>} : memref<1x64x256x32xf32, #tpu.memory_space<vmem>>, vector<1x1x256x32xf32>,
    %slice3A_226 = vector.extract_strided_slice %concatenate3A {offsets = [0, 18], sizes = [256, 128], strides = [1, 1]} : vector<256x1152xf32> to vector<256x128xf32>
    %get3A_227 = arith.constant 7 : index
    %get3A_228 = arith.constant 0 : index
    %get3A_229 = arith.constant 0 : index
    %get3A_230 = vector.load %arg3[%get3A_227, %get3A_228, %get3A_229] : memref<64x256x32xf32, #tpu.memory_space<vmem>>, vector<1x128x32xf32>
    %get3A_231 = vector.shape_cast %get3A_230 : vector<1x128x32xf32> to vector<128x32xf32>
    %dot_general3A_232 = arith.constant dense<0.000000e+00> : vector<256x32xf32>
    %dot_general3A_233 = tpu.matmul %slice3A_226, %get3A_231, %dot_general3A_232 {dimension_numbers = #tpu.dot_dimension_numbers<[1], [0], [0], [1], [0, 0, 1, 1], [], []>, transpose_lhs_hint = false} : vector<256x128xf32>, vector<128x32xf32>, vector<256x32xf32> -> vector<256x32xf32>
    %slice3A_234 = vector.extract_strided_slice %concatenate3A_12 {offsets = [0, 18], sizes = [256, 128], strides = [1, 1]} : vector<256x1152xf32> to vector<256x128xf32>
    %get3A_235 = arith.constant 7 : index
    %get3A_236 = arith.constant 128 : index
    %get3A_237 = arith.constant 0 : index
    %get3A_238 = vector.load %arg3[%get3A_235, %get3A_236, %get3A_237] : memref<64x256x32xf32, #tpu.memory_space<vmem>>, vector<1x128x32xf32>
    %get3A_239 = vector.shape_cast %get3A_238 : vector<1x128x32xf32> to vector<128x32xf32>
    %dot_general3A_240 = arith.constant dense<0.000000e+00> : vector<256x32xf32>
    %dot_general3A_241 = tpu.matmul %slice3A_234, %get3A_239, %dot_general3A_240 {dimension_numbers = #tpu.dot_dimension_numbers<[1], [0], [0], [1], [0, 0, 1, 1], [], []>, transpose_lhs_hint = false} : vector<256x128xf32>, vector<128x32xf32>, vector<256x32xf32> -> vector<256x32xf32>
    %add3A_242 = arith.addf %dot_general3A_233, %dot_general3A_241 : vector<256x32xf32>
    %get3A_243 = arith.constant 7 : index
    %get3A_244 = arith.constant 0 : index
    %get3A_245 = vector.load %arg4[%get3A_243, %get3A_244] : memref<64x32xf32, #tpu.memory_space<vmem>>, vector<1x32xf32>
    %get3A_246 = vector.shape_cast %get3A_245 : vector<1x32xf32> to vector<32xf32>
    %broadcast_in_dim3A_247 = vector.shape_cast %get3A_246 : vector<32xf32> to vector<1x32xf32>
    %add3A_248 = vector.broadcast %broadcast_in_dim3A_247 : vector<1x32xf32> to vector<256x32xf32>
    %add3A_249 = arith.addf %add3A_242, %add3A_248 : vector<256x32xf32>
    %swap3A_250 = arith.constant 0 : index
    %swap3A_251 = arith.constant 7 : index
    %swap3A_252 = arith.constant 0 : index
    %swap3A_253 = arith.constant 0 : index
    %swap3A_254 = vector.load %arg5[%swap3A_250, %swap3A_251, %swap3A_252, %swap3A_253] : memref<1x64x256x32xf32, #tpu.memory_space<vmem>>, vector<1x1x256x32xf32>
    %swap3A_255 = vector.shape_cast %swap3A_254 : vector<1x1x256x32xf32> to vector<256x32xf32>
    %swap3A_256 = vector.shape_cast %add3A_249 : vector<256x32xf32> to vector<1x1x256x32xf32>
    tpu.vector_store %arg5[%swap3A_250, %swap3A_251, %swap3A_252, %swap3A_253], %swap3A_256 {strides = array<i32>} : memref<1x64x256x32xf32, #tpu.memory_space<vmem>>, vector<1x1x256x32xf32>,
    %slice3A_257 = vector.extract_strided_slice %concatenate3A {offsets = [0, 21], sizes = [256, 128], strides = [1, 1]} : vector<256x1152xf32> to vector<256x128xf32>
    %get3A_258 = arith.constant 8 : index
    %get3A_259 = arith.constant 0 : index
    %get3A_260 = arith.constant 0 : index
    %get3A_261 = vector.load %arg3[%get3A_258, %get3A_259, %get3A_260] : memref<64x256x32xf32, #tpu.memory_space<vmem>>, vector<1x128x32xf32>
    %get3A_262 = vector.shape_cast %get3A_261 : vector<1x128x32xf32> to vector<128x32xf32>
    %dot_general3A_263 = arith.constant dense<0.000000e+00> : vector<256x32xf32>
    %dot_general3A_264 = tpu.matmul %slice3A_257, %get3A_262, %dot_general3A_263 {dimension_numbers = #tpu.dot_dimension_numbers<[1], [0], [0], [1], [0, 0, 1, 1], [], []>, transpose_lhs_hint = false} : vector<256x128xf32>, vector<128x32xf32>, vector<256x32xf32> -> vector<256x32xf32>
    %slice3A_265 = vector.extract_strided_slice %concatenate3A_12 {offsets = [0, 21], sizes = [256, 128], strides = [1, 1]} : vector<256x1152xf32> to vector<256x128xf32>
    %get3A_266 = arith.constant 8 : index
    %get3A_267 = arith.constant 128 : index
    %get3A_268 = arith.constant 0 : index
    %get3A_269 = vector.load %arg3[%get3A_266, %get3A_267, %get3A_268] : memref<64x256x32xf32, #tpu.memory_space<vmem>>, vector<1x128x32xf32>
    %get3A_270 = vector.shape_cast %get3A_269 : vector<1x128x32xf32> to vector<128x32xf32>
    %dot_general3A_271 = arith.constant dense<0.000000e+00> : vector<256x32xf32>
    %dot_general3A_272 = tpu.matmul %slice3A_265, %get3A_270, %dot_general3A_271 {dimension_numbers = #tpu.dot_dimension_numbers<[1], [0], [0], [1], [0, 0, 1, 1], [], []>, transpose_lhs_hint = false} : vector<256x128xf32>, vector<128x32xf32>, vector<256x32xf32> -> vector<256x32xf32>
    %add3A_273 = arith.addf %dot_general3A_264, %dot_general3A_272 : vector<256x32xf32>
    %get3A_274 = arith.constant 8 : index
    %get3A_275 = arith.constant 0 : index
    %get3A_276 = vector.load %arg4[%get3A_274, %get3A_275] : memref<64x32xf32, #tpu.memory_space<vmem>>, vector<1x32xf32>
    %get3A_277 = vector.shape_cast %get3A_276 : vector<1x32xf32> to vector<32xf32>
    %broadcast_in_dim3A_278 = vector.shape_cast %get3A_277 : vector<32xf32> to vector<1x32xf32>
    %add3A_279 = vector.broadcast %broadcast_in_dim3A_278 : vector<1x32xf32> to vector<256x32xf32>
    %add3A_280 = arith.addf %add3A_273, %add3A_279 : vector<256x32xf32>
    %swap3A_281 = arith.constant 0 : index
    %swap3A_282 = arith.constant 8 : index
    %swap3A_283 = arith.constant 0 : index
    %swap3A_284 = arith.constant 0 : index
    %swap3A_285 = vector.load %arg5[%swap3A_281, %swap3A_282, %swap3A_283, %swap3A_284] : memref<1x64x256x32xf32, #tpu.memory_space<vmem>>, vector<1x1x256x32xf32>
    %swap3A_286 = vector.shape_cast %swap3A_285 : vector<1x1x256x32xf32> to vector<256x32xf32>
    %swap3A_287 = vector.shape_cast %add3A_280 : vector<256x32xf32> to vector<1x1x256x32xf32>
    tpu.vector_store %arg5[%swap3A_281, %swap3A_282, %swap3A_283, %swap3A_284], %swap3A_287 {strides = array<i32>} : memref<1x64x256x32xf32, #tpu.memory_space<vmem>>, vector<1x1x256x32xf32>,
    %slice3A_288 = vector.extract_strided_slice %concatenate3A {offsets = [0, 24], sizes = [256, 128], strides = [1, 1]} : vector<256x1152xf32> to vector<256x128xf32>
    %get3A_289 = arith.constant 9 : index
    %get3A_290 = arith.constant 0 : index
    %get3A_291 = arith.constant 0 : index
    %get3A_292 = vector.load %arg3[%get3A_289, %get3A_290, %get3A_291] : memref<64x256x32xf32, #tpu.memory_space<vmem>>, vector<1x128x32xf32>
    %get3A_293 = vector.shape_cast %get3A_292 : vector<1x128x32xf32> to vector<128x32xf32>
    %dot_general3A_294 = arith.constant dense<0.000000e+00> : vector<256x32xf32>
    %dot_general3A_295 = tpu.matmul %slice3A_288, %get3A_293, %dot_general3A_294 {dimension_numbers = #tpu.dot_dimension_numbers<[1], [0], [0], [1], [0, 0, 1, 1], [], []>, transpose_lhs_hint = false} : vector<256x128xf32>, vector<128x32xf32>, vector<256x32xf32> -> vector<256x32xf32>
    %slice3A_296 = vector.extract_strided_slice %concatenate3A_12 {offsets = [0, 24], sizes = [256, 128], strides = [1, 1]} : vector<256x1152xf32> to vector<256x128xf32>
    %get3A_297 = arith.constant 9 : index
    %get3A_298 = arith.constant 128 : index
    %get3A_299 = arith.constant 0 : index
    %get3A_300 = vector.load %arg3[%get3A_297, %get3A_298, %get3A_299] : memref<64x256x32xf32, #tpu.memory_space<vmem>>, vector<1x128x32xf32>
    %get3A_301 = vector.shape_cast %get3A_300 : vector<1x128x32xf32> to vector<128x32xf32>
    %dot_general3A_302 = arith.constant dense<0.000000e+00> : vector<256x32xf32>
    %dot_general3A_303 = tpu.matmul %slice3A_296, %get3A_301, %dot_general3A_302 {dimension_numbers = #tpu.dot_dimension_numbers<[1], [0], [0], [1], [0, 0, 1, 1], [], []>, transpose_lhs_hint = false} : vector<256x128xf32>, vector<128x32xf32>, vector<256x32xf32> -> vector<256x32xf32>
    %add3A_304 = arith.addf %dot_general3A_295, %dot_general3A_303 : vector<256x32xf32>
    %get3A_305 = arith.constant 9 : index
    %get3A_306 = arith.constant 0 : index
    %get3A_307 = vector.load %arg4[%get3A_305, %get3A_306] : memref<64x32xf32, #tpu.memory_space<vmem>>, vector<1x32xf32>
    %get3A_308 = vector.shape_cast %get3A_307 : vector<1x32xf32> to vector<32xf32>
    %broadcast_in_dim3A_309 = vector.shape_cast %get3A_308 : vector<32xf32> to vector<1x32xf32>
    %add3A_310 = vector.broadcast %broadcast_in_dim3A_309 : vector<1x32xf32> to vector<256x32xf32>
    %add3A_311 = arith.addf %add3A_304, %add3A_310 : vector<256x32xf32>
    %swap3A_312 = arith.constant 0 : index
    %swap3A_313 = arith.constant 9 : index
    %swap3A_314 = arith.constant 0 : index
    %swap3A_315 = arith.constant 0 : index
    %swap3A_316 = vector.load %arg5[%swap3A_312, %swap3A_313, %swap3A_314, %swap3A_315] : memref<1x64x256x32xf32, #tpu.memory_space<vmem>>, vector<1x1x256x32xf32>
    %swap3A_317 = vector.shape_cast %swap3A_316 : vector<1x1x256x32xf32> to vector<256x32xf32>
    %swap3A_318 = vector.shape_cast %add3A_311 : vector<256x32xf32> to vector<1x1x256x32xf32>
    tpu.vector_store %arg5[%swap3A_312, %swap3A_313, %swap3A_314, %swap3A_315], %swap3A_318 {strides = array<i32>} : memref<1x64x256x32xf32, #tpu.memory_space<vmem>>, vector<1x1x256x32xf32>,
    %slice3A_319 = vector.extract_strided_slice %concatenate3A {offsets = [0, 27], sizes = [256, 128], strides = [1, 1]} : vector<256x1152xf32> to vector<256x128xf32>
    %get3A_320 = arith.constant 10 : index
    %get3A_321 = arith.constant 0 : index
    %get3A_322 = arith.constant 0 : index
    %get3A_323 = vector.load %arg3[%get3A_320, %get3A_321, %get3A_322] : memref<64x256x32xf32, #tpu.memory_space<vmem>>, vector<1x128x32xf32>
    %get3A_324 = vector.shape_cast %get3A_323 : vector<1x128x32xf32> to vector<128x32xf32>
    %dot_general3A_325 = arith.constant dense<0.000000e+00> : vector<256x32xf32>
    %dot_general3A_326 = tpu.matmul %slice3A_319, %get3A_324, %dot_general3A_325 {dimension_numbers = #tpu.dot_dimension_numbers<[1], [0], [0], [1], [0, 0, 1, 1], [], []>, transpose_lhs_hint = false} : vector<256x128xf32>, vector<128x32xf32>, vector<256x32xf32> -> vector<256x32xf32>
    %slice3A_327 = vector.extract_strided_slice %concatenate3A_12 {offsets = [0, 27], sizes = [256, 128], strides = [1, 1]} : vector<256x1152xf32> to vector<256x128xf32>
    %get3A_328 = arith.constant 10 : index
    %get3A_329 = arith.constant 128 : index
    %get3A_330 = arith.constant 0 : index
    %get3A_331 = vector.load %arg3[%get3A_328, %get3A_329, %get3A_330] : memref<64x256x32xf32, #tpu.memory_space<vmem>>, vector<1x128x32xf32>
    %get3A_332 = vector.shape_cast %get3A_331 : vector<1x128x32xf32> to vector<128x32xf32>
    %dot_general3A_333 = arith.constant dense<0.000000e+00> : vector<256x32xf32>
    %dot_general3A_334 = tpu.matmul %slice3A_327, %get3A_332, %dot_general3A_333 {dimension_numbers = #tpu.dot_dimension_numbers<[1], [0], [0], [1], [0, 0, 1, 1], [], []>, transpose_lhs_hint = false} : vector<256x128xf32>, vector<128x32xf32>, vector<256x32xf32> -> vector<256x32xf32>
    %add3A_335 = arith.addf %dot_general3A_326, %dot_general3A_334 : vector<256x32xf32>
    %get3A_336 = arith.constant 10 : index
    %get3A_337 = arith.constant 0 : index
    %get3A_338 = vector.load %arg4[%get3A_336, %get3A_337] : memref<64x32xf32, #tpu.memory_space<vmem>>, vector<1x32xf32>
    %get3A_339 = vector.shape_cast %get3A_338 : vector<1x32xf32> to vector<32xf32>
    %broadcast_in_dim3A_340 = vector.shape_cast %get3A_339 : vector<32xf32> to vector<1x32xf32>
    %add3A_341 = vector.broadcast %broadcast_in_dim3A_340 : vector<1x32xf32> to vector<256x32xf32>
    %add3A_342 = arith.addf %add3A_335, %add3A_341 : vector<256x32xf32>
    %swap3A_343 = arith.constant 0 : index
    %swap3A_344 = arith.constant 10 : index
    %swap3A_345 = arith.constant 0 : index
    %swap3A_346 = arith.constant 0 : index
    %swap3A_347 = vector.load %arg5[%swap3A_343, %swap3A_344, %swap3A_345, %swap3A_346] : memref<1x64x256x32xf32, #tpu.memory_space<vmem>>, vector<1x1x256x32xf32>
    %swap3A_348 = vector.shape_cast %swap3A_347 : vector<1x1x256x32xf32> to vector<256x32xf32>
    %swap3A_349 = vector.shape_cast %add3A_342 : vector<256x32xf32> to vector<1x1x256x32xf32>
    tpu.vector_store %arg5[%swap3A_343, %swap3A_344, %swap3A_345, %swap3A_346], %swap3A_349 {strides = array<i32>} : memref<1x64x256x32xf32, #tpu.memory_space<vmem>>, vector<1x1x256x32xf32>,
    %slice3A_350 = vector.extract_strided_slice %concatenate3A {offsets = [0, 30], sizes = [256, 128], strides = [1, 1]} : vector<256x1152xf32> to vector<256x128xf32>
    %get3A_351 = arith.constant 11 : index
    %get3A_352 = arith.constant 0 : index
    %get3A_353 = arith.constant 0 : index
    %get3A_354 = vector.load %arg3[%get3A_351, %get3A_352, %get3A_353] : memref<64x256x32xf32, #tpu.memory_space<vmem>>, vector<1x128x32xf32>
    %get3A_355 = vector.shape_cast %get3A_354 : vector<1x128x32xf32> to vector<128x32xf32>
    %dot_general3A_356 = arith.constant dense<0.000000e+00> : vector<256x32xf32>
    %dot_general3A_357 = tpu.matmul %slice3A_350, %get3A_355, %dot_general3A_356 {dimension_numbers = #tpu.dot_dimension_numbers<[1], [0], [0], [1], [0, 0, 1, 1], [], []>, transpose_lhs_hint = false} : vector<256x128xf32>, vector<128x32xf32>, vector<256x32xf32> -> vector<256x32xf32>
    %slice3A_358 = vector.extract_strided_slice %concatenate3A_12 {offsets = [0, 30], sizes = [256, 128], strides = [1, 1]} : vector<256x1152xf32> to vector<256x128xf32>
    %get3A_359 = arith.constant 11 : index
    %get3A_360 = arith.constant 128 : index
    %get3A_361 = arith.constant 0 : index
    %get3A_362 = vector.load %arg3[%get3A_359, %get3A_360, %get3A_361] : memref<64x256x32xf32, #tpu.memory_space<vmem>>, vector<1x128x32xf32>
    %get3A_363 = vector.shape_cast %get3A_362 : vector<1x128x32xf32> to vector<128x32xf32>
    %dot_general3A_364 = arith.constant dense<0.000000e+00> : vector<256x32xf32>
    %dot_general3A_365 = tpu.matmul %slice3A_358, %get3A_363, %dot_general3A_364 {dimension_numbers = #tpu.dot_dimension_numbers<[1], [0], [0], [1], [0, 0, 1, 1], [], []>, transpose_lhs_hint = false} : vector<256x128xf32>, vector<128x32xf32>, vector<256x32xf32> -> vector<256x32xf32>
    %add3A_366 = arith.addf %dot_general3A_357, %dot_general3A_365 : vector<256x32xf32>
    %get3A_367 = arith.constant 11 : index
    %get3A_368 = arith.constant 0 : index
    %get3A_369 = vector.load %arg4[%get3A_367, %get3A_368] : memref<64x32xf32, #tpu.memory_space<vmem>>, vector<1x32xf32>
    %get3A_370 = vector.shape_cast %get3A_369 : vector<1x32xf32> to vector<32xf32>
    %broadcast_in_dim3A_371 = vector.shape_cast %get3A_370 : vector<32xf32> to vector<1x32xf32>
    %add3A_372 = vector.broadcast %broadcast_in_dim3A_371 : vector<1x32xf32> to vector<256x32xf32>
    %add3A_373 = arith.addf %add3A_366, %add3A_372 : vector<256x32xf32>
    %swap3A_374 = arith.constant 0 : index
    %swap3A_375 = arith.constant 11 : index
    %swap3A_376 = arith.constant 0 : index
    %swap3A_377 = arith.constant 0 : index
    %swap3A_378 = vector.load %arg5[%swap3A_374, %swap3A_375, %swap3A_376, %swap3A_377] : memref<1x64x256x32xf32, #tpu.memory_space<vmem>>, vector<1x1x256x32xf32>
    %swap3A_379 = vector.shape_cast %swap3A_378 : vector<1x1x256x32xf32> to vector<256x32xf32>
    %swap3A_380 = vector.shape_cast %add3A_373 : vector<256x32xf32> to vector<1x1x256x32xf32>
    tpu.vector_store %arg5[%swap3A_374, %swap3A_375, %swap3A_376, %swap3A_377], %swap3A_380 {strides = array<i32>} : memref<1x64x256x32xf32, #tpu.memory_space<vmem>>, vector<1x1x256x32xf32>,
    %slice3A_381 = vector.extract_strided_slice %concatenate3A {offsets = [0, 33], sizes = [256, 128], strides = [1, 1]} : vector<256x1152xf32> to vector<256x128xf32>
    %get3A_382 = arith.constant 12 : index
    %get3A_383 = arith.constant 0 : index
    %get3A_384 = arith.constant 0 : index
    %get3A_385 = vector.load %arg3[%get3A_382, %get3A_383, %get3A_384] : memref<64x256x32xf32, #tpu.memory_space<vmem>>, vector<1x128x32xf32>
    %get3A_386 = vector.shape_cast %get3A_385 : vector<1x128x32xf32> to vector<128x32xf32>
    %dot_general3A_387 = arith.constant dense<0.000000e+00> : vector<256x32xf32>
    %dot_general3A_388 = tpu.matmul %slice3A_381, %get3A_386, %dot_general3A_387 {dimension_numbers = #tpu.dot_dimension_numbers<[1], [0], [0], [1], [0, 0, 1, 1], [], []>, transpose_lhs_hint = false} : vector<256x128xf32>, vector<128x32xf32>, vector<256x32xf32> -> vector<256x32xf32>
    %slice3A_389 = vector.extract_strided_slice %concatenate3A_12 {offsets = [0, 33], sizes = [256, 128], strides = [1, 1]} : vector<256x1152xf32> to vector<256x128xf32>
    %get3A_390 = arith.constant 12 : index
    %get3A_391 = arith.constant 128 : index
    %get3A_392 = arith.constant 0 : index
    %get3A_393 = vector.load %arg3[%get3A_390, %get3A_391, %get3A_392] : memref<64x256x32xf32, #tpu.memory_space<vmem>>, vector<1x128x32xf32>
    %get3A_394 = vector.shape_cast %get3A_393 : vector<1x128x32xf32> to vector<128x32xf32>
    %dot_general3A_395 = arith.constant dense<0.000000e+00> : vector<256x32xf32>
    %dot_general3A_396 = tpu.matmul %slice3A_389, %get3A_394, %dot_general3A_395 {dimension_numbers = #tpu.dot_dimension_numbers<[1], [0], [0], [1], [0, 0, 1, 1], [], []>, transpose_lhs_hint = false} : vector<256x128xf32>, vector<128x32xf32>, vector<256x32xf32> -> vector<256x32xf32>
    %add3A_397 = arith.addf %dot_general3A_388, %dot_general3A_396 : vector<256x32xf32>
    %get3A_398 = arith.constant 12 : index
    %get3A_399 = arith.constant 0 : index
    %get3A_400 = vector.load %arg4[%get3A_398, %get3A_399] : memref<64x32xf32, #tpu.memory_space<vmem>>, vector<1x32xf32>
    %get3A_401 = vector.shape_cast %get3A_400 : vector<1x32xf32> to vector<32xf32>
    %broadcast_in_dim3A_402 = vector.shape_cast %get3A_401 : vector<32xf32> to vector<1x32xf32>
    %add3A_403 = vector.broadcast %broadcast_in_dim3A_402 : vector<1x32xf32> to vector<256x32xf32>
    %add3A_404 = arith.addf %add3A_397, %add3A_403 : vector<256x32xf32>
    %swap3A_405 = arith.constant 0 : index
    %swap3A_406 = arith.constant 12 : index
    %swap3A_407 = arith.constant 0 : index
    %swap3A_408 = arith.constant 0 : index
    %swap3A_409 = vector.load %arg5[%swap3A_405, %swap3A_406, %swap3A_407, %swap3A_408] : memref<1x64x256x32xf32, #tpu.memory_space<vmem>>, vector<1x1x256x32xf32>
    %swap3A_410 = vector.shape_cast %swap3A_409 : vector<1x1x256x32xf32> to vector<256x32xf32>
    %swap3A_411 = vector.shape_cast %add3A_404 : vector<256x32xf32> to vector<1x1x256x32xf32>
    tpu.vector_store %arg5[%swap3A_405, %swap3A_406, %swap3A_407, %swap3A_408], %swap3A_411 {strides = array<i32>} : memref<1x64x256x32xf32, #tpu.memory_space<vmem>>, vector<1x1x256x32xf32>,
    %slice3A_412 = vector.extract_strided_slice %concatenate3A {offsets = [0, 36], sizes = [256, 128], strides = [1, 1]} : vector<256x1152xf32> to vector<256x128xf32>
    %get3A_413 = arith.constant 13 : index
    %get3A_414 = arith.constant 0 : index
    %get3A_415 = arith.constant 0 : index
    %get3A_416 = vector.load %arg3[%get3A_413, %get3A_414, %get3A_415] : memref<64x256x32xf32, #tpu.memory_space<vmem>>, vector<1x128x32xf32>
    %get3A_417 = vector.shape_cast %get3A_416 : vector<1x128x32xf32> to vector<128x32xf32>
    %dot_general3A_418 = arith.constant dense<0.000000e+00> : vector<256x32xf32>
    %dot_general3A_419 = tpu.matmul %slice3A_412, %get3A_417, %dot_general3A_418 {dimension_numbers = #tpu.dot_dimension_numbers<[1], [0], [0], [1], [0, 0, 1, 1], [], []>, transpose_lhs_hint = false} : vector<256x128xf32>, vector<128x32xf32>, vector<256x32xf32> -> vector<256x32xf32>
    %slice3A_420 = vector.extract_strided_slice %concatenate3A_12 {offsets = [0, 36], sizes = [256, 128], strides = [1, 1]} : vector<256x1152xf32> to vector<256x128xf32>
    %get3A_421 = arith.constant 13 : index
    %get3A_422 = arith.constant 128 : index
    %get3A_423 = arith.constant 0 : index
    %get3A_424 = vector.load %arg3[%get3A_421, %get3A_422, %get3A_423] : memref<64x256x32xf32, #tpu.memory_space<vmem>>, vector<1x128x32xf32>
    %get3A_425 = vector.shape_cast %get3A_424 : vector<1x128x32xf32> to vector<128x32xf32>
    %dot_general3A_426 = arith.constant dense<0.000000e+00> : vector<256x32xf32>
    %dot_general3A_427 = tpu.matmul %slice3A_420, %get3A_425, %dot_general3A_426 {dimension_numbers = #tpu.dot_dimension_numbers<[1], [0], [0], [1], [0, 0, 1, 1], [], []>, transpose_lhs_hint = false} : vector<256x128xf32>, vector<128x32xf32>, vector<256x32xf32> -> vector<256x32xf32>
    %add3A_428 = arith.addf %dot_general3A_419, %dot_general3A_427 : vector<256x32xf32>
    %get3A_429 = arith.constant 13 : index
    %get3A_430 = arith.constant 0 : index
    %get3A_431 = vector.load %arg4[%get3A_429, %get3A_430] : memref<64x32xf32, #tpu.memory_space<vmem>>, vector<1x32xf32>
    %get3A_432 = vector.shape_cast %get3A_431 : vector<1x32xf32> to vector<32xf32>
    %broadcast_in_dim3A_433 = vector.shape_cast %get3A_432 : vector<32xf32> to vector<1x32xf32>
    %add3A_434 = vector.broadcast %broadcast_in_dim3A_433 : vector<1x32xf32> to vector<256x32xf32>
    %add3A_435 = arith.addf %add3A_428, %add3A_434 : vector<256x32xf32>
    %swap3A_436 = arith.constant 0 : index
    %swap3A_437 = arith.constant 13 : index
    %swap3A_438 = arith.constant 0 : index
    %swap3A_439 = arith.constant 0 : index
    %swap3A_440 = vector.load %arg5[%swap3A_436, %swap3A_437, %swap3A_438, %swap3A_439] : memref<1x64x256x32xf32, #tpu.memory_space<vmem>>, vector<1x1x256x32xf32>
    %swap3A_441 = vector.shape_cast %swap3A_440 : vector<1x1x256x32xf32> to vector<256x32xf32>
    %swap3A_442 = vector.shape_cast %add3A_435 : vector<256x32xf32> to vector<1x1x256x32xf32>
    tpu.vector_store %arg5[%swap3A_436, %swap3A_437, %swap3A_438, %swap3A_439], %swap3A_442 {strides = array<i32>} : memref<1x64x256x32xf32, #tpu.memory_space<vmem>>, vector<1x1x256x32xf32>,
    %slice3A_443 = vector.extract_strided_slice %concatenate3A {offsets = [0, 39], sizes = [256, 128], strides = [1, 1]} : vector<256x1152xf32> to vector<256x128xf32>
    %get3A_444 = arith.constant 14 : index
    %get3A_445 = arith.constant 0 : index
    %get3A_446 = arith.constant 0 : index
    %get3A_447 = vector.load %arg3[%get3A_444, %get3A_445, %get3A_446] : memref<64x256x32xf32, #tpu.memory_space<vmem>>, vector<1x128x32xf32>
    %get3A_448 = vector.shape_cast %get3A_447 : vector<1x128x32xf32> to vector<128x32xf32>
    %dot_general3A_449 = arith.constant dense<0.000000e+00> : vector<256x32xf32>
    %dot_general3A_450 = tpu.matmul %slice3A_443, %get3A_448, %dot_general3A_449 {dimension_numbers = #tpu.dot_dimension_numbers<[1], [0], [0], [1], [0, 0, 1, 1], [], []>, transpose_lhs_hint = false} : vector<256x128xf32>, vector<128x32xf32>, vector<256x32xf32> -> vector<256x32xf32>
    %slice3A_451 = vector.extract_strided_slice %concatenate3A_12 {offsets = [0, 39], sizes = [256, 128], strides = [1, 1]} : vector<256x1152xf32> to vector<256x128xf32>
    %get3A_452 = arith.constant 14 : index
    %get3A_453 = arith.constant 128 : index
    %get3A_454 = arith.constant 0 : index
    %get3A_455 = vector.load %arg3[%get3A_452, %get3A_453, %get3A_454] : memref<64x256x32xf32, #tpu.memory_space<vmem>>, vector<1x128x32xf32>
    %get3A_456 = vector.shape_cast %get3A_455 : vector<1x128x32xf32> to vector<128x32xf32>
    %dot_general3A_457 = arith.constant dense<0.000000e+00> : vector<256x32xf32>
    %dot_general3A_458 = tpu.matmul %slice3A_451, %get3A_456, %dot_general3A_457 {dimension_numbers = #tpu.dot_dimension_numbers<[1], [0], [0], [1], [0, 0, 1, 1], [], []>, transpose_lhs_hint = false} : vector<256x128xf32>, vector<128x32xf32>, vector<256x32xf32> -> vector<256x32xf32>
    %add3A_459 = arith.addf %dot_general3A_450, %dot_general3A_458 : vector<256x32xf32>
    %get3A_460 = arith.constant 14 : index
    %get3A_461 = arith.constant 0 : index
    %get3A_462 = vector.load %arg4[%get3A_460, %get3A_461] : memref<64x32xf32, #tpu.memory_space<vmem>>, vector<1x32xf32>
    %get3A_463 = vector.shape_cast %get3A_462 : vector<1x32xf32> to vector<32xf32>
    %broadcast_in_dim3A_464 = vector.shape_cast %get3A_463 : vector<32xf32> to vector<1x32xf32>
    %add3A_465 = vector.broadcast %broadcast_in_dim3A_464 : vector<1x32xf32> to vector<256x32xf32>
    %add3A_466 = arith.addf %add3A_459, %add3A_465 : vector<256x32xf32>
    %swap3A_467 = arith.constant 0 : index
    %swap3A_468 = arith.constant 14 : index
    %swap3A_469 = arith.constant 0 : index
    %swap3A_470 = arith.constant 0 : index
    %swap3A_471 = vector.load %arg5[%swap3A_467, %swap3A_468, %swap3A_469, %swap3A_470] : memref<1x64x256x32xf32, #tpu.memory_space<vmem>>, vector<1x1x256x32xf32>
    %swap3A_472 = vector.shape_cast %swap3A_471 : vector<1x1x256x32xf32> to vector<256x32xf32>
    %swap3A_473 = vector.shape_cast %add3A_466 : vector<256x32xf32> to vector<1x1x256x32xf32>
    tpu.vector_store %arg5[%swap3A_467, %swap3A_468, %swap3A_469, %swap3A_470], %swap3A_473 {strides = array<i32>} : memref<1x64x256x32xf32, #tpu.memory_space<vmem>>, vector<1x1x256x32xf32>,
    %slice3A_474 = vector.extract_strided_slice %concatenate3A {offsets = [0, 42], sizes = [256, 128], strides = [1, 1]} : vector<256x1152xf32> to vector<256x128xf32>
    %get3A_475 = arith.constant 15 : index
    %get3A_476 = arith.constant 0 : index
    %get3A_477 = arith.constant 0 : index
    %get3A_478 = vector.load %arg3[%get3A_475, %get3A_476, %get3A_477] : memref<64x256x32xf32, #tpu.memory_space<vmem>>, vector<1x128x32xf32>
    %get3A_479 = vector.shape_cast %get3A_478 : vector<1x128x32xf32> to vector<128x32xf32>
    %dot_general3A_480 = arith.constant dense<0.000000e+00> : vector<256x32xf32>
    %dot_general3A_481 = tpu.matmul %slice3A_474, %get3A_479, %dot_general3A_480 {dimension_numbers = #tpu.dot_dimension_numbers<[1], [0], [0], [1], [0, 0, 1, 1], [], []>, transpose_lhs_hint = false} : vector<256x128xf32>, vector<128x32xf32>, vector<256x32xf32> -> vector<256x32xf32>
    %slice3A_482 = vector.extract_strided_slice %concatenate3A_12 {offsets = [0, 42], sizes = [256, 128], strides = [1, 1]} : vector<256x1152xf32> to vector<256x128xf32>
    %get3A_483 = arith.constant 15 : index
    %get3A_484 = arith.constant 128 : index
    %get3A_485 = arith.constant 0 : index
    %get3A_486 = vector.load %arg3[%get3A_483, %get3A_484, %get3A_485] : memref<64x256x32xf32, #tpu.memory_space<vmem>>, vector<1x128x32xf32>
    %get3A_487 = vector.shape_cast %get3A_486 : vector<1x128x32xf32> to vector<128x32xf32>
    %dot_general3A_488 = arith.constant dense<0.000000e+00> : vector<256x32xf32>
    %dot_general3A_489 = tpu.matmul %slice3A_482, %get3A_487, %dot_general3A_488 {dimension_numbers = #tpu.dot_dimension_numbers<[1], [0], [0], [1], [0, 0, 1, 1], [], []>, transpose_lhs_hint = false} : vector<256x128xf32>, vector<128x32xf32>, vector<256x32xf32> -> vector<256x32xf32>
    %add3A_490 = arith.addf %dot_general3A_481, %dot_general3A_489 : vector<256x32xf32>
    %get3A_491 = arith.constant 15 : index
    %get3A_492 = arith.constant 0 : index
    %get3A_493 = vector.load %arg4[%get3A_491, %get3A_492] : memref<64x32xf32, #tpu.memory_space<vmem>>, vector<1x32xf32>
    %get3A_494 = vector.shape_cast %get3A_493 : vector<1x32xf32> to vector<32xf32>
    %broadcast_in_dim3A_495 = vector.shape_cast %get3A_494 : vector<32xf32> to vector<1x32xf32>
    %add3A_496 = vector.broadcast %broadcast_in_dim3A_495 : vector<1x32xf32> to vector<256x32xf32>
    %add3A_497 = arith.addf %add3A_490, %add3A_496 : vector<256x32xf32>
    %swap3A_498 = arith.constant 0 : index
    %swap3A_499 = arith.constant 15 : index
    %swap3A_500 = arith.constant 0 : index
    %swap3A_501 = arith.constant 0 : index
    %swap3A_502 = vector.load %arg5[%swap3A_498, %swap3A_499, %swap3A_500, %swap3A_501] : memref<1x64x256x32xf32, #tpu.memory_space<vmem>>, vector<1x1x256x32xf32>
    %swap3A_503 = vector.shape_cast %swap3A_502 : vector<1x1x256x32xf32> to vector<256x32xf32>
    %swap3A_504 = vector.shape_cast %add3A_497 : vector<256x32xf32> to vector<1x1x256x32xf32>
    tpu.vector_store %arg5[%swap3A_498, %swap3A_499, %swap3A_500, %swap3A_501], %swap3A_504 {strides = array<i32>} : memref<1x64x256x32xf32, #tpu.memory_space<vmem>>, vector<1x1x256x32xf32>,
    %slice3A_505 = vector.extract_strided_slice %concatenate3A {offsets = [0, 45], sizes = [256, 128], strides = [1, 1]} : vector<256x1152xf32> to vector<256x128xf32>
    %get3A_506 = arith.constant 16 : index
    %get3A_507 = arith.constant 0 : index
    %get3A_508 = arith.constant 0 : index
    %get3A_509 = vector.load %arg3[%get3A_506, %get3A_507, %get3A_508] : memref<64x256x32xf32, #tpu.memory_space<vmem>>, vector<1x128x32xf32>
    %get3A_510 = vector.shape_cast %get3A_509 : vector<1x128x32xf32> to vector<128x32xf32>
    %dot_general3A_511 = arith.constant dense<0.000000e+00> : vector<256x32xf32>
    %dot_general3A_512 = tpu.matmul %slice3A_505, %get3A_510, %dot_general3A_511 {dimension_numbers = #tpu.dot_dimension_numbers<[1], [0], [0], [1], [0, 0, 1, 1], [], []>, transpose_lhs_hint = false} : vector<256x128xf32>, vector<128x32xf32>, vector<256x32xf32> -> vector<256x32xf32>
    %slice3A_513 = vector.extract_strided_slice %concatenate3A_12 {offsets = [0, 45], sizes = [256, 128], strides = [1, 1]} : vector<256x1152xf32> to vector<256x128xf32>
    %get3A_514 = arith.constant 16 : index
    %get3A_515 = arith.constant 128 : index
    %get3A_516 = arith.constant 0 : index
    %get3A_517 = vector.load %arg3[%get3A_514, %get3A_515, %get3A_516] : memref<64x256x32xf32, #tpu.memory_space<vmem>>, vector<1x128x32xf32>
    %get3A_518 = vector.shape_cast %get3A_517 : vector<1x128x32xf32> to vector<128x32xf32>
    %dot_general3A_519 = arith.constant dense<0.000000e+00> : vector<256x32xf32>
    %dot_general3A_520 = tpu.matmul %slice3A_513, %get3A_518, %dot_general3A_519 {dimension_numbers = #tpu.dot_dimension_numbers<[1], [0], [0], [1], [0, 0, 1, 1], [], []>, transpose_lhs_hint = false} : vector<256x128xf32>, vector<128x32xf32>, vector<256x32xf32> -> vector<256x32xf32>
    %add3A_521 = arith.addf %dot_general3A_512, %dot_general3A_520 : vector<256x32xf32>
    %get3A_522 = arith.constant 16 : index
    %get3A_523 = arith.constant 0 : index
    %get3A_524 = vector.load %arg4[%get3A_522, %get3A_523] : memref<64x32xf32, #tpu.memory_space<vmem>>, vector<1x32xf32>
    %get3A_525 = vector.shape_cast %get3A_524 : vector<1x32xf32> to vector<32xf32>
    %broadcast_in_dim3A_526 = vector.shape_cast %get3A_525 : vector<32xf32> to vector<1x32xf32>
    %add3A_527 = vector.broadcast %broadcast_in_dim3A_526 : vector<1x32xf32> to vector<256x32xf32>
    %add3A_528 = arith.addf %add3A_521, %add3A_527 : vector<256x32xf32>
    %swap3A_529 = arith.constant 0 : index
    %swap3A_530 = arith.constant 16 : index
    %swap3A_531 = arith.constant 0 : index
    %swap3A_532 = arith.constant 0 : index
    %swap3A_533 = vector.load %arg5[%swap3A_529, %swap3A_530, %swap3A_531, %swap3A_532] : memref<1x64x256x32xf32, #tpu.memory_space<vmem>>, vector<1x1x256x32xf32>
    %swap3A_534 = vector.shape_cast %swap3A_533 : vector<1x1x256x32xf32> to vector<256x32xf32>
    %swap3A_535 = vector.shape_cast %add3A_528 : vector<256x32xf32> to vector<1x1x256x32xf32>
    tpu.vector_store %arg5[%swap3A_529, %swap3A_530, %swap3A_531, %swap3A_532], %swap3A_535 {strides = array<i32>} : memref<1x64x256x32xf32, #tpu.memory_space<vmem>>, vector<1x1x256x32xf32>,
    %slice3A_536 = vector.extract_strided_slice %concatenate3A {offsets = [0, 48], sizes = [256, 128], strides = [1, 1]} : vector<256x1152xf32> to vector<256x128xf32>
    %get3A_537 = arith.constant 17 : index
    %get3A_538 = arith.constant 0 : index
    %get3A_539 = arith.constant 0 : index
    %get3A_540 = vector.load %arg3[%get3A_537, %get3A_538, %get3A_539] : memref<64x256x32xf32, #tpu.memory_space<vmem>>, vector<1x128x32xf32>
    %get3A_541 = vector.shape_cast %get3A_540 : vector<1x128x32xf32> to vector<128x32xf32>
    %dot_general3A_542 = arith.constant dense<0.000000e+00> : vector<256x32xf32>
    %dot_general3A_543 = tpu.matmul %slice3A_536, %get3A_541, %dot_general3A_542 {dimension_numbers = #tpu.dot_dimension_numbers<[1], [0], [0], [1], [0, 0, 1, 1], [], []>, transpose_lhs_hint = false} : vector<256x128xf32>, vector<128x32xf32>, vector<256x32xf32> -> vector<256x32xf32>
    %slice3A_544 = vector.extract_strided_slice %concatenate3A_12 {offsets = [0, 48], sizes = [256, 128], strides = [1, 1]} : vector<256x1152xf32> to vector<256x128xf32>
    %get3A_545 = arith.constant 17 : index
    %get3A_546 = arith.constant 128 : index
    %get3A_547 = arith.constant 0 : index
    %get3A_548 = vector.load %arg3[%get3A_545, %get3A_546, %get3A_547] : memref<64x256x32xf32, #tpu.memory_space<vmem>>, vector<1x128x32xf32>
    %get3A_549 = vector.shape_cast %get3A_548 : vector<1x128x32xf32> to vector<128x32xf32>
    %dot_general3A_550 = arith.constant dense<0.000000e+00> : vector<256x32xf32>
    %dot_general3A_551 = tpu.matmul %slice3A_544, %get3A_549, %dot_general3A_550 {dimension_numbers = #tpu.dot_dimension_numbers<[1], [0], [0], [1], [0, 0, 1, 1], [], []>, transpose_lhs_hint = false} : vector<256x128xf32>, vector<128x32xf32>, vector<256x32xf32> -> vector<256x32xf32>
    %add3A_552 = arith.addf %dot_general3A_543, %dot_general3A_551 : vector<256x32xf32>
    %get3A_553 = arith.constant 17 : index
    %get3A_554 = arith.constant 0 : index
    %get3A_555 = vector.load %arg4[%get3A_553, %get3A_554] : memref<64x32xf32, #tpu.memory_space<vmem>>, vector<1x32xf32>
    %get3A_556 = vector.shape_cast %get3A_555 : vector<1x32xf32> to vector<32xf32>
    %broadcast_in_dim3A_557 = vector.shape_cast %get3A_556 : vector<32xf32> to vector<1x32xf32>
    %add3A_558 = vector.broadcast %broadcast_in_dim3A_557 : vector<1x32xf32> to vector<256x32xf32>
    %add3A_559 = arith.addf %add3A_552, %add3A_558 : vector<256x32xf32>
    %swap3A_560 = arith.constant 0 : index
    %swap3A_561 = arith.constant 17 : index
    %swap3A_562 = arith.constant 0 : index
    %swap3A_563 = arith.constant 0 : index
    %swap3A_564 = vector.load %arg5[%swap3A_560, %swap3A_561, %swap3A_562, %swap3A_563] : memref<1x64x256x32xf32, #tpu.memory_space<vmem>>, vector<1x1x256x32xf32>
    %swap3A_565 = vector.shape_cast %swap3A_564 : vector<1x1x256x32xf32> to vector<256x32xf32>
    %swap3A_566 = vector.shape_cast %add3A_559 : vector<256x32xf32> to vector<1x1x256x32xf32>
    tpu.vector_store %arg5[%swap3A_560, %swap3A_561, %swap3A_562, %swap3A_563], %swap3A_566 {strides = array<i32>} : memref<1x64x256x32xf32, #tpu.memory_space<vmem>>, vector<1x1x256x32xf32>,
    %slice3A_567 = vector.extract_strided_slice %concatenate3A {offsets = [0, 51], sizes = [256, 128], strides = [1, 1]} : vector<256x1152xf32> to vector<256x128xf32>
    %get3A_568 = arith.constant 18 : index
    %get3A_569 = arith.constant 0 : index
    %get3A_570 = arith.constant 0 : index
    %get3A_571 = vector.load %arg3[%get3A_568, %get3A_569, %get3A_570] : memref<64x256x32xf32, #tpu.memory_space<vmem>>, vector<1x128x32xf32>
    %get3A_572 = vector.shape_cast %get3A_571 : vector<1x128x32xf32> to vector<128x32xf32>
    %dot_general3A_573 = arith.constant dense<0.000000e+00> : vector<256x32xf32>
    %dot_general3A_574 = tpu.matmul %slice3A_567, %get3A_572, %dot_general3A_573 {dimension_numbers = #tpu.dot_dimension_numbers<[1], [0], [0], [1], [0, 0, 1, 1], [], []>, transpose_lhs_hint = false} : vector<256x128xf32>, vector<128x32xf32>, vector<256x32xf32> -> vector<256x32xf32>
    %slice3A_575 = vector.extract_strided_slice %concatenate3A_12 {offsets = [0, 51], sizes = [256, 128], strides = [1, 1]} : vector<256x1152xf32> to vector<256x128xf32>
    %get3A_576 = arith.constant 18 : index
    %get3A_577 = arith.constant 128 : index
    %get3A_578 = arith.constant 0 : index
    %get3A_579 = vector.load %arg3[%get3A_576, %get3A_577, %get3A_578] : memref<64x256x32xf32, #tpu.memory_space<vmem>>, vector<1x128x32xf32>
    %get3A_580 = vector.shape_cast %get3A_579 : vector<1x128x32xf32> to vector<128x32xf32>
    %dot_general3A_581 = arith.constant dense<0.000000e+00> : vector<256x32xf32>
    %dot_general3A_582 = tpu.matmul %slice3A_575, %get3A_580, %dot_general3A_581 {dimension_numbers = #tpu.dot_dimension_numbers<[1], [0], [0], [1], [0, 0, 1, 1], [], []>, transpose_lhs_hint = false} : vector<256x128xf32>, vector<128x32xf32>, vector<256x32xf32> -> vector<256x32xf32>
    %add3A_583 = arith.addf %dot_general3A_574, %dot_general3A_582 : vector<256x32xf32>
    %get3A_584 = arith.constant 18 : index
    %get3A_585 = arith.constant 0 : index
    %get3A_586 = vector.load %arg4[%get3A_584, %get3A_585] : memref<64x32xf32, #tpu.memory_space<vmem>>, vector<1x32xf32>
    %get3A_587 = vector.shape_cast %get3A_586 : vector<1x32xf32> to vector<32xf32>
    %broadcast_in_dim3A_588 = vector.shape_cast %get3A_587 : vector<32xf32> to vector<1x32xf32>
    %add3A_589 = vector.broadcast %broadcast_in_dim3A_588 : vector<1x32xf32> to vector<256x32xf32>
    %add3A_590 = arith.addf %add3A_583, %add3A_589 : vector<256x32xf32>
    %swap3A_591 = arith.constant 0 : index
    %swap3A_592 = arith.constant 18 : index
    %swap3A_593 = arith.constant 0 : index
    %swap3A_594 = arith.constant 0 : index
    %swap3A_595 = vector.load %arg5[%swap3A_591, %swap3A_592, %swap3A_593, %swap3A_594] : memref<1x64x256x32xf32, #tpu.memory_space<vmem>>, vector<1x1x256x32xf32>
    %swap3A_596 = vector.shape_cast %swap3A_595 : vector<1x1x256x32xf32> to vector<256x32xf32>
    %swap3A_597 = vector.shape_cast %add3A_590 : vector<256x32xf32> to vector<1x1x256x32xf32>
    tpu.vector_store %arg5[%swap3A_591, %swap3A_592, %swap3A_593, %swap3A_594], %swap3A_597 {strides = array<i32>} : memref<1x64x256x32xf32, #tpu.memory_space<vmem>>, vector<1x1x256x32xf32>,
    %slice3A_598 = vector.extract_strided_slice %concatenate3A {offsets = [0, 54], sizes = [256, 128], strides = [1, 1]} : vector<256x1152xf32> to vector<256x128xf32>
    %get3A_599 = arith.constant 19 : index
    %get3A_600 = arith.constant 0 : index
    %get3A_601 = arith.constant 0 : index
    %get3A_602 = vector.load %arg3[%get3A_599, %get3A_600, %get3A_601] : memref<64x256x32xf32, #tpu.memory_space<vmem>>, vector<1x128x32xf32>
    %get3A_603 = vector.shape_cast %get3A_602 : vector<1x128x32xf32> to vector<128x32xf32>
    %dot_general3A_604 = arith.constant dense<0.000000e+00> : vector<256x32xf32>
    %dot_general3A_605 = tpu.matmul %slice3A_598, %get3A_603, %dot_general3A_604 {dimension_numbers = #tpu.dot_dimension_numbers<[1], [0], [0], [1], [0, 0, 1, 1], [], []>, transpose_lhs_hint = false} : vector<256x128xf32>, vector<128x32xf32>, vector<256x32xf32> -> vector<256x32xf32>
    %slice3A_606 = vector.extract_strided_slice %concatenate3A_12 {offsets = [0, 54], sizes = [256, 128], strides = [1, 1]} : vector<256x1152xf32> to vector<256x128xf32>
    %get3A_607 = arith.constant 19 : index
    %get3A_608 = arith.constant 128 : index
    %get3A_609 = arith.constant 0 : index
    %get3A_610 = vector.load %arg3[%get3A_607, %get3A_608, %get3A_609] : memref<64x256x32xf32, #tpu.memory_space<vmem>>, vector<1x128x32xf32>
    %get3A_611 = vector.shape_cast %get3A_610 : vector<1x128x32xf32> to vector<128x32xf32>
    %dot_general3A_612 = arith.constant dense<0.000000e+00> : vector<256x32xf32>
    %dot_general3A_613 = tpu.matmul %slice3A_606, %get3A_611, %dot_general3A_612 {dimension_numbers = #tpu.dot_dimension_numbers<[1], [0], [0], [1], [0, 0, 1, 1], [], []>, transpose_lhs_hint = false} : vector<256x128xf32>, vector<128x32xf32>, vector<256x32xf32> -> vector<256x32xf32>
    %add3A_614 = arith.addf %dot_general3A_605, %dot_general3A_613 : vector<256x32xf32>
    %get3A_615 = arith.constant 19 : index
    %get3A_616 = arith.constant 0 : index
    %get3A_617 = vector.load %arg4[%get3A_615, %get3A_616] : memref<64x32xf32, #tpu.memory_space<vmem>>, vector<1x32xf32>
    %get3A_618 = vector.shape_cast %get3A_617 : vector<1x32xf32> to vector<32xf32>
    %broadcast_in_dim3A_619 = vector.shape_cast %get3A_618 : vector<32xf32> to vector<1x32xf32>
    %add3A_620 = vector.broadcast %broadcast_in_dim3A_619 : vector<1x32xf32> to vector<256x32xf32>
    %add3A_621 = arith.addf %add3A_614, %add3A_620 : vector<256x32xf32>
    %swap3A_622 = arith.constant 0 : index
    %swap3A_623 = arith.constant 19 : index
    %swap3A_624 = arith.constant 0 : index
    %swap3A_625 = arith.constant 0 : index
    %swap3A_626 = vector.load %arg5[%swap3A_622, %swap3A_623, %swap3A_624, %swap3A_625] : memref<1x64x256x32xf32, #tpu.memory_space<vmem>>, vector<1x1x256x32xf32>
    %swap3A_627 = vector.shape_cast %swap3A_626 : vector<1x1x256x32xf32> to vector<256x32xf32>
    %swap3A_628 = vector.shape_cast %add3A_621 : vector<256x32xf32> to vector<1x1x256x32xf32>
    tpu.vector_store %arg5[%swap3A_622, %swap3A_623, %swap3A_624, %swap3A_625], %swap3A_628 {strides = array<i32>} : memref<1x64x256x32xf32, #tpu.memory_space<vmem>>, vector<1x1x256x32xf32>,
    %slice3A_629 = vector.extract_strided_slice %concatenate3A {offsets = [0, 58], sizes = [256, 128], strides = [1, 1]} : vector<256x1152xf32> to vector<256x128xf32>
    %get3A_630 = arith.constant 20 : index
    %get3A_631 = arith.constant 0 : index
    %get3A_632 = arith.constant 0 : index
    %get3A_633 = vector.load %arg3[%get3A_630, %get3A_631, %get3A_632] : memref<64x256x32xf32, #tpu.memory_space<vmem>>, vector<1x128x32xf32>
    %get3A_634 = vector.shape_cast %get3A_633 : vector<1x128x32xf32> to vector<128x32xf32>
    %dot_general3A_635 = arith.constant dense<0.000000e+00> : vector<256x32xf32>
    %dot_general3A_636 = tpu.matmul %slice3A_629, %get3A_634, %dot_general3A_635 {dimension_numbers = #tpu.dot_dimension_numbers<[1], [0], [0], [1], [0, 0, 1, 1], [], []>, transpose_lhs_hint = false} : vector<256x128xf32>, vector<128x32xf32>, vector<256x32xf32> -> vector<256x32xf32>
    %slice3A_637 = vector.extract_strided_slice %concatenate3A_12 {offsets = [0, 58], sizes = [256, 128], strides = [1, 1]} : vector<256x1152xf32> to vector<256x128xf32>
    %get3A_638 = arith.constant 20 : index
    %get3A_639 = arith.constant 128 : index
    %get3A_640 = arith.constant 0 : index
    %get3A_641 = vector.load %arg3[%get3A_638, %get3A_639, %get3A_640] : memref<64x256x32xf32, #tpu.memory_space<vmem>>, vector<1x128x32xf32>
    %get3A_642 = vector.shape_cast %get3A_641 : vector<1x128x32xf32> to vector<128x32xf32>
    %dot_general3A_643 = arith.constant dense<0.000000e+00> : vector<256x32xf32>
    %dot_general3A_644 = tpu.matmul %slice3A_637, %get3A_642, %dot_general3A_643 {dimension_numbers = #tpu.dot_dimension_numbers<[1], [0], [0], [1], [0, 0, 1, 1], [], []>, transpose_lhs_hint = false} : vector<256x128xf32>, vector<128x32xf32>, vector<256x32xf32> -> vector<256x32xf32>
    %add3A_645 = arith.addf %dot_general3A_636, %dot_general3A_644 : vector<256x32xf32>
    %get3A_646 = arith.constant 20 : index
    %get3A_647 = arith.constant 0 : index
    %get3A_648 = vector.load %arg4[%get3A_646, %get3A_647] : memref<64x32xf32, #tpu.memory_space<vmem>>, vector<1x32xf32>
    %get3A_649 = vector.shape_cast %get3A_648 : vector<1x32xf32> to vector<32xf32>
    %broadcast_in_dim3A_650 = vector.shape_cast %get3A_649 : vector<32xf32> to vector<1x32xf32>
    %add3A_651 = vector.broadcast %broadcast_in_dim3A_650 : vector<1x32xf32> to vector<256x32xf32>
    %add3A_652 = arith.addf %add3A_645, %add3A_651 : vector<256x32xf32>
    %swap3A_653 = arith.constant 0 : index
    %swap3A_654 = arith.constant 20 : index
    %swap3A_655 = arith.constant 0 : index
    %swap3A_656 = arith.constant 0 : index
    %swap3A_657 = vector.load %arg5[%swap3A_653, %swap3A_654, %swap3A_655, %swap3A_656] : memref<1x64x256x32xf32, #tpu.memory_space<vmem>>, vector<1x1x256x32xf32>
    %swap3A_658 = vector.shape_cast %swap3A_657 : vector<1x1x256x32xf32> to vector<256x32xf32>
    %swap3A_659 = vector.shape_cast %add3A_652 : vector<256x32xf32> to vector<1x1x256x32xf32>
    tpu.vector_store %arg5[%swap3A_653, %swap3A_654, %swap3A_655, %swap3A_656], %swap3A_659 {strides = array<i32>} : memref<1x64x256x32xf32, #tpu.memory_space<vmem>>, vector<1x1x256x32xf32>,
    %slice3A_660 = vector.extract_strided_slice %concatenate3A {offsets = [0, 62], sizes = [256, 128], strides = [1, 1]} : vector<256x1152xf32> to vector<256x128xf32>
    %get3A_661 = arith.constant 21 : index
    %get3A_662 = arith.constant 0 : index
    %get3A_663 = arith.constant 0 : index
    %get3A_664 = vector.load %arg3[%get3A_661, %get3A_662, %get3A_663] : memref<64x256x32xf32, #tpu.memory_space<vmem>>, vector<1x128x32xf32>
    %get3A_665 = vector.shape_cast %get3A_664 : vector<1x128x32xf32> to vector<128x32xf32>
    %dot_general3A_666 = arith.constant dense<0.000000e+00> : vector<256x32xf32>
    %dot_general3A_667 = tpu.matmul %slice3A_660, %get3A_665, %dot_general3A_666 {dimension_numbers = #tpu.dot_dimension_numbers<[1], [0], [0], [1], [0, 0, 1, 1], [], []>, transpose_lhs_hint = false} : vector<256x128xf32>, vector<128x32xf32>, vector<256x32xf32> -> vector<256x32xf32>
    %slice3A_668 = vector.extract_strided_slice %concatenate3A_12 {offsets = [0, 62], sizes = [256, 128], strides = [1, 1]} : vector<256x1152xf32> to vector<256x128xf32>
    %get3A_669 = arith.constant 21 : index
    %get3A_670 = arith.constant 128 : index
    %get3A_671 = arith.constant 0 : index
    %get3A_672 = vector.load %arg3[%get3A_669, %get3A_670, %get3A_671] : memref<64x256x32xf32, #tpu.memory_space<vmem>>, vector<1x128x32xf32>
    %get3A_673 = vector.shape_cast %get3A_672 : vector<1x128x32xf32> to vector<128x32xf32>
    %dot_general3A_674 = arith.constant dense<0.000000e+00> : vector<256x32xf32>
    %dot_general3A_675 = tpu.matmul %slice3A_668, %get3A_673, %dot_general3A_674 {dimension_numbers = #tpu.dot_dimension_numbers<[1], [0], [0], [1], [0, 0, 1, 1], [], []>, transpose_lhs_hint = false} : vector<256x128xf32>, vector<128x32xf32>, vector<256x32xf32> -> vector<256x32xf32>
    %add3A_676 = arith.addf %dot_general3A_667, %dot_general3A_675 : vector<256x32xf32>
    %get3A_677 = arith.constant 21 : index
    %get3A_678 = arith.constant 0 : index
    %get3A_679 = vector.load %arg4[%get3A_677, %get3A_678] : memref<64x32xf32, #tpu.memory_space<vmem>>, vector<1x32xf32>
    %get3A_680 = vector.shape_cast %get3A_679 : vector<1x32xf32> to vector<32xf32>
    %broadcast_in_dim3A_681 = vector.shape_cast %get3A_680 : vector<32xf32> to vector<1x32xf32>
    %add3A_682 = vector.broadcast %broadcast_in_dim3A_681 : vector<1x32xf32> to vector<256x32xf32>
    %add3A_683 = arith.addf %add3A_676, %add3A_682 : vector<256x32xf32>
    %swap3A_684 = arith.constant 0 : index
    %swap3A_685 = arith.constant 21 : index
    %swap3A_686 = arith.constant 0 : index
    %swap3A_687 = arith.constant 0 : index
    %swap3A_688 = vector.load %arg5[%swap3A_684, %swap3A_685, %swap3A_686, %swap3A_687] : memref<1x64x256x32xf32, #tpu.memory_space<vmem>>, vector<1x1x256x32xf32>
    %swap3A_689 = vector.shape_cast %swap3A_688 : vector<1x1x256x32xf32> to vector<256x32xf32>
    %swap3A_690 = vector.shape_cast %add3A_683 : vector<256x32xf32> to vector<1x1x256x32xf32>
    tpu.vector_store %arg5[%swap3A_684, %swap3A_685, %swap3A_686, %swap3A_687], %swap3A_690 {strides = array<i32>} : memref<1x64x256x32xf32, #tpu.memory_space<vmem>>, vector<1x1x256x32xf32>,
    %slice3A_691 = vector.extract_strided_slice %concatenate3A {offsets = [0, 66], sizes = [256, 128], strides = [1, 1]} : vector<256x1152xf32> to vector<256x128xf32>
    %get3A_692 = arith.constant 22 : index
    %get3A_693 = arith.constant 0 : index
    %get3A_694 = arith.constant 0 : index
    %get3A_695 = vector.load %arg3[%get3A_692, %get3A_693, %get3A_694] : memref<64x256x32xf32, #tpu.memory_space<vmem>>, vector<1x128x32xf32>
    %get3A_696 = vector.shape_cast %get3A_695 : vector<1x128x32xf32> to vector<128x32xf32>
    %dot_general3A_697 = arith.constant dense<0.000000e+00> : vector<256x32xf32>
    %dot_general3A_698 = tpu.matmul %slice3A_691, %get3A_696, %dot_general3A_697 {dimension_numbers = #tpu.dot_dimension_numbers<[1], [0], [0], [1], [0, 0, 1, 1], [], []>, transpose_lhs_hint = false} : vector<256x128xf32>, vector<128x32xf32>, vector<256x32xf32> -> vector<256x32xf32>
    %slice3A_699 = vector.extract_strided_slice %concatenate3A_12 {offsets = [0, 66], sizes = [256, 128], strides = [1, 1]} : vector<256x1152xf32> to vector<256x128xf32>
    %get3A_700 = arith.constant 22 : index
    %get3A_701 = arith.constant 128 : index
    %get3A_702 = arith.constant 0 : index
    %get3A_703 = vector.load %arg3[%get3A_700, %get3A_701, %get3A_702] : memref<64x256x32xf32, #tpu.memory_space<vmem>>, vector<1x128x32xf32>
    %get3A_704 = vector.shape_cast %get3A_703 : vector<1x128x32xf32> to vector<128x32xf32>
    %dot_general3A_705 = arith.constant dense<0.000000e+00> : vector<256x32xf32>
    %dot_general3A_706 = tpu.matmul %slice3A_699, %get3A_704, %dot_general3A_705 {dimension_numbers = #tpu.dot_dimension_numbers<[1], [0], [0], [1], [0, 0, 1, 1], [], []>, transpose_lhs_hint = false} : vector<256x128xf32>, vector<128x32xf32>, vector<256x32xf32> -> vector<256x32xf32>
    %add3A_707 = arith.addf %dot_general3A_698, %dot_general3A_706 : vector<256x32xf32>
    %get3A_708 = arith.constant 22 : index
    %get3A_709 = arith.constant 0 : index
    %get3A_710 = vector.load %arg4[%get3A_708, %get3A_709] : memref<64x32xf32, #tpu.memory_space<vmem>>, vector<1x32xf32>
    %get3A_711 = vector.shape_cast %get3A_710 : vector<1x32xf32> to vector<32xf32>
    %broadcast_in_dim3A_712 = vector.shape_cast %get3A_711 : vector<32xf32> to vector<1x32xf32>
    %add3A_713 = vector.broadcast %broadcast_in_dim3A_712 : vector<1x32xf32> to vector<256x32xf32>
    %add3A_714 = arith.addf %add3A_707, %add3A_713 : vector<256x32xf32>
    %swap3A_715 = arith.constant 0 : index
    %swap3A_716 = arith.constant 22 : index
    %swap3A_717 = arith.constant 0 : index
    %swap3A_718 = arith.constant 0 : index
    %swap3A_719 = vector.load %arg5[%swap3A_715, %swap3A_716, %swap3A_717, %swap3A_718] : memref<1x64x256x32xf32, #tpu.memory_space<vmem>>, vector<1x1x256x32xf32>
    %swap3A_720 = vector.shape_cast %swap3A_719 : vector<1x1x256x32xf32> to vector<256x32xf32>
    %swap3A_721 = vector.shape_cast %add3A_714 : vector<256x32xf32> to vector<1x1x256x32xf32>
    tpu.vector_store %arg5[%swap3A_715, %swap3A_716, %swap3A_717, %swap3A_718], %swap3A_721 {strides = array<i32>} : memref<1x64x256x32xf32, #tpu.memory_space<vmem>>, vector<1x1x256x32xf32>,
    %slice3A_722 = vector.extract_strided_slice %concatenate3A {offsets = [0, 70], sizes = [256, 128], strides = [1, 1]} : vector<256x1152xf32> to vector<256x128xf32>
    %get3A_723 = arith.constant 23 : index
    %get3A_724 = arith.constant 0 : index
    %get3A_725 = arith.constant 0 : index
    %get3A_726 = vector.load %arg3[%get3A_723, %get3A_724, %get3A_725] : memref<64x256x32xf32, #tpu.memory_space<vmem>>, vector<1x128x32xf32>
    %get3A_727 = vector.shape_cast %get3A_726 : vector<1x128x32xf32> to vector<128x32xf32>
    %dot_general3A_728 = arith.constant dense<0.000000e+00> : vector<256x32xf32>
    %dot_general3A_729 = tpu.matmul %slice3A_722, %get3A_727, %dot_general3A_728 {dimension_numbers = #tpu.dot_dimension_numbers<[1], [0], [0], [1], [0, 0, 1, 1], [], []>, transpose_lhs_hint = false} : vector<256x128xf32>, vector<128x32xf32>, vector<256x32xf32> -> vector<256x32xf32>
    %slice3A_730 = vector.extract_strided_slice %concatenate3A_12 {offsets = [0, 70], sizes = [256, 128], strides = [1, 1]} : vector<256x1152xf32> to vector<256x128xf32>
    %get3A_731 = arith.constant 23 : index
    %get3A_732 = arith.constant 128 : index
    %get3A_733 = arith.constant 0 : index
    %get3A_734 = vector.load %arg3[%get3A_731, %get3A_732, %get3A_733] : memref<64x256x32xf32, #tpu.memory_space<vmem>>, vector<1x128x32xf32>
    %get3A_735 = vector.shape_cast %get3A_734 : vector<1x128x32xf32> to vector<128x32xf32>
    %dot_general3A_736 = arith.constant dense<0.000000e+00> : vector<256x32xf32>
    %dot_general3A_737 = tpu.matmul %slice3A_730, %get3A_735, %dot_general3A_736 {dimension_numbers = #tpu.dot_dimension_numbers<[1], [0], [0], [1], [0, 0, 1, 1], [], []>, transpose_lhs_hint = false} : vector<256x128xf32>, vector<128x32xf32>, vector<256x32xf32> -> vector<256x32xf32>
    %add3A_738 = arith.addf %dot_general3A_729, %dot_general3A_737 : vector<256x32xf32>
    %get3A_739 = arith.constant 23 : index
    %get3A_740 = arith.constant 0 : index
    %get3A_741 = vector.load %arg4[%get3A_739, %get3A_740] : memref<64x32xf32, #tpu.memory_space<vmem>>, vector<1x32xf32>
    %get3A_742 = vector.shape_cast %get3A_741 : vector<1x32xf32> to vector<32xf32>
    %broadcast_in_dim3A_743 = vector.shape_cast %get3A_742 : vector<32xf32> to vector<1x32xf32>
    %add3A_744 = vector.broadcast %broadcast_in_dim3A_743 : vector<1x32xf32> to vector<256x32xf32>
    %add3A_745 = arith.addf %add3A_738, %add3A_744 : vector<256x32xf32>
    %swap3A_746 = arith.constant 0 : index
    %swap3A_747 = arith.constant 23 : index
    %swap3A_748 = arith.constant 0 : index
    %swap3A_749 = arith.constant 0 : index
    %swap3A_750 = vector.load %arg5[%swap3A_746, %swap3A_747, %swap3A_748, %swap3A_749] : memref<1x64x256x32xf32, #tpu.memory_space<vmem>>, vector<1x1x256x32xf32>
    %swap3A_751 = vector.shape_cast %swap3A_750 : vector<1x1x256x32xf32> to vector<256x32xf32>
    %swap3A_752 = vector.shape_cast %add3A_745 : vector<256x32xf32> to vector<1x1x256x32xf32>
    tpu.vector_store %arg5[%swap3A_746, %swap3A_747, %swap3A_748, %swap3A_749], %swap3A_752 {strides = array<i32>} : memref<1x64x256x32xf32, #tpu.memory_space<vmem>>, vector<1x1x256x32xf32>,
    %slice3A_753 = vector.extract_strided_slice %concatenate3A {offsets = [0, 75], sizes = [256, 128], strides = [1, 1]} : vector<256x1152xf32> to vector<256x128xf32>
    %get3A_754 = arith.constant 24 : index
    %get3A_755 = arith.constant 0 : index
    %get3A_756 = arith.constant 0 : index
    %get3A_757 = vector.load %arg3[%get3A_754, %get3A_755, %get3A_756] : memref<64x256x32xf32, #tpu.memory_space<vmem>>, vector<1x128x32xf32>
    %get3A_758 = vector.shape_cast %get3A_757 : vector<1x128x32xf32> to vector<128x32xf32>
    %dot_general3A_759 = arith.constant dense<0.000000e+00> : vector<256x32xf32>
    %dot_general3A_760 = tpu.matmul %slice3A_753, %get3A_758, %dot_general3A_759 {dimension_numbers = #tpu.dot_dimension_numbers<[1], [0], [0], [1], [0, 0, 1, 1], [], []>, transpose_lhs_hint = false} : vector<256x128xf32>, vector<128x32xf32>, vector<256x32xf32> -> vector<256x32xf32>
    %slice3A_761 = vector.extract_strided_slice %concatenate3A_12 {offsets = [0, 75], sizes = [256, 128], strides = [1, 1]} : vector<256x1152xf32> to vector<256x128xf32>
    %get3A_762 = arith.constant 24 : index
    %get3A_763 = arith.constant 128 : index
    %get3A_764 = arith.constant 0 : index
    %get3A_765 = vector.load %arg3[%get3A_762, %get3A_763, %get3A_764] : memref<64x256x32xf32, #tpu.memory_space<vmem>>, vector<1x128x32xf32>
    %get3A_766 = vector.shape_cast %get3A_765 : vector<1x128x32xf32> to vector<128x32xf32>
    %dot_general3A_767 = arith.constant dense<0.000000e+00> : vector<256x32xf32>
    %dot_general3A_768 = tpu.matmul %slice3A_761, %get3A_766, %dot_general3A_767 {dimension_numbers = #tpu.dot_dimension_numbers<[1], [0], [0], [1], [0, 0, 1, 1], [], []>, transpose_lhs_hint = false} : vector<256x128xf32>, vector<128x32xf32>, vector<256x32xf32> -> vector<256x32xf32>
    %add3A_769 = arith.addf %dot_general3A_760, %dot_general3A_768 : vector<256x32xf32>
    %get3A_770 = arith.constant 24 : index
    %get3A_771 = arith.constant 0 : index
    %get3A_772 = vector.load %arg4[%get3A_770, %get3A_771] : memref<64x32xf32, #tpu.memory_space<vmem>>, vector<1x32xf32>
    %get3A_773 = vector.shape_cast %get3A_772 : vector<1x32xf32> to vector<32xf32>
    %broadcast_in_dim3A_774 = vector.shape_cast %get3A_773 : vector<32xf32> to vector<1x32xf32>
    %add3A_775 = vector.broadcast %broadcast_in_dim3A_774 : vector<1x32xf32> to vector<256x32xf32>
    %add3A_776 = arith.addf %add3A_769, %add3A_775 : vector<256x32xf32>
    %swap3A_777 = arith.constant 0 : index
    %swap3A_778 = arith.constant 24 : index
    %swap3A_779 = arith.constant 0 : index
    %swap3A_780 = arith.constant 0 : index
    %swap3A_781 = vector.load %arg5[%swap3A_777, %swap3A_778, %swap3A_779, %swap3A_780] : memref<1x64x256x32xf32, #tpu.memory_space<vmem>>, vector<1x1x256x32xf32>
    %swap3A_782 = vector.shape_cast %swap3A_781 : vector<1x1x256x32xf32> to vector<256x32xf32>
    %swap3A_783 = vector.shape_cast %add3A_776 : vector<256x32xf32> to vector<1x1x256x32xf32>
    tpu.vector_store %arg5[%swap3A_777, %swap3A_778, %swap3A_779, %swap3A_780], %swap3A_783 {strides = array<i32>} : memref<1x64x256x32xf32, #tpu.memory_space<vmem>>, vector<1x1x256x32xf32>,
    %slice3A_784 = vector.extract_strided_slice %concatenate3A {offsets = [0, 80], sizes = [256, 128], strides = [1, 1]} : vector<256x1152xf32> to vector<256x128xf32>
    %get3A_785 = arith.constant 25 : index
    %get3A_786 = arith.constant 0 : index
    %get3A_787 = arith.constant 0 : index
    %get3A_788 = vector.load %arg3[%get3A_785, %get3A_786, %get3A_787] : memref<64x256x32xf32, #tpu.memory_space<vmem>>, vector<1x128x32xf32>
    %get3A_789 = vector.shape_cast %get3A_788 : vector<1x128x32xf32> to vector<128x32xf32>
    %dot_general3A_790 = arith.constant dense<0.000000e+00> : vector<256x32xf32>
    %dot_general3A_791 = tpu.matmul %slice3A_784, %get3A_789, %dot_general3A_790 {dimension_numbers = #tpu.dot_dimension_numbers<[1], [0], [0], [1], [0, 0, 1, 1], [], []>, transpose_lhs_hint = false} : vector<256x128xf32>, vector<128x32xf32>, vector<256x32xf32> -> vector<256x32xf32>
    %slice3A_792 = vector.extract_strided_slice %concatenate3A_12 {offsets = [0, 80], sizes = [256, 128], strides = [1, 1]} : vector<256x1152xf32> to vector<256x128xf32>
    %get3A_793 = arith.constant 25 : index
    %get3A_794 = arith.constant 128 : index
    %get3A_795 = arith.constant 0 : index
    %get3A_796 = vector.load %arg3[%get3A_793, %get3A_794, %get3A_795] : memref<64x256x32xf32, #tpu.memory_space<vmem>>, vector<1x128x32xf32>
    %get3A_797 = vector.shape_cast %get3A_796 : vector<1x128x32xf32> to vector<128x32xf32>
    %dot_general3A_798 = arith.constant dense<0.000000e+00> : vector<256x32xf32>
    %dot_general3A_799 = tpu.matmul %slice3A_792, %get3A_797, %dot_general3A_798 {dimension_numbers = #tpu.dot_dimension_numbers<[1], [0], [0], [1], [0, 0, 1, 1], [], []>, transpose_lhs_hint = false} : vector<256x128xf32>, vector<128x32xf32>, vector<256x32xf32> -> vector<256x32xf32>
    %add3A_800 = arith.addf %dot_general3A_791, %dot_general3A_799 : vector<256x32xf32>
    %get3A_801 = arith.constant 25 : index
    %get3A_802 = arith.constant 0 : index
    %get3A_803 = vector.load %arg4[%get3A_801, %get3A_802] : memref<64x32xf32, #tpu.memory_space<vmem>>, vector<1x32xf32>
    %get3A_804 = vector.shape_cast %get3A_803 : vector<1x32xf32> to vector<32xf32>
    %broadcast_in_dim3A_805 = vector.shape_cast %get3A_804 : vector<32xf32> to vector<1x32xf32>
    %add3A_806 = vector.broadcast %broadcast_in_dim3A_805 : vector<1x32xf32> to vector<256x32xf32>
    %add3A_807 = arith.addf %add3A_800, %add3A_806 : vector<256x32xf32>
    %swap3A_808 = arith.constant 0 : index
    %swap3A_809 = arith.constant 25 : index
    %swap3A_810 = arith.constant 0 : index
    %swap3A_811 = arith.constant 0 : index
    %swap3A_812 = vector.load %arg5[%swap3A_808, %swap3A_809, %swap3A_810, %swap3A_811] : memref<1x64x256x32xf32, #tpu.memory_space<vmem>>, vector<1x1x256x32xf32>
    %swap3A_813 = vector.shape_cast %swap3A_812 : vector<1x1x256x32xf32> to vector<256x32xf32>
    %swap3A_814 = vector.shape_cast %add3A_807 : vector<256x32xf32> to vector<1x1x256x32xf32>
    tpu.vector_store %arg5[%swap3A_808, %swap3A_809, %swap3A_810, %swap3A_811], %swap3A_814 {strides = array<i32>} : memref<1x64x256x32xf32, #tpu.memory_space<vmem>>, vector<1x1x256x32xf32>,
    %slice3A_815 = vector.extract_strided_slice %concatenate3A {offsets = [0, 86], sizes = [256, 128], strides = [1, 1]} : vector<256x1152xf32> to vector<256x128xf32>
    %get3A_816 = arith.constant 26 : index
    %get3A_817 = arith.constant 0 : index
    %get3A_818 = arith.constant 0 : index
    %get3A_819 = vector.load %arg3[%get3A_816, %get3A_817, %get3A_818] : memref<64x256x32xf32, #tpu.memory_space<vmem>>, vector<1x128x32xf32>
    %get3A_820 = vector.shape_cast %get3A_819 : vector<1x128x32xf32> to vector<128x32xf32>
    %dot_general3A_821 = arith.constant dense<0.000000e+00> : vector<256x32xf32>
    %dot_general3A_822 = tpu.matmul %slice3A_815, %get3A_820, %dot_general3A_821 {dimension_numbers = #tpu.dot_dimension_numbers<[1], [0], [0], [1], [0, 0, 1, 1], [], []>, transpose_lhs_hint = false} : vector<256x128xf32>, vector<128x32xf32>, vector<256x32xf32> -> vector<256x32xf32>
    %slice3A_823 = vector.extract_strided_slice %concatenate3A_12 {offsets = [0, 86], sizes = [256, 128], strides = [1, 1]} : vector<256x1152xf32> to vector<256x128xf32>
    %get3A_824 = arith.constant 26 : index
    %get3A_825 = arith.constant 128 : index
    %get3A_826 = arith.constant 0 : index
    %get3A_827 = vector.load %arg3[%get3A_824, %get3A_825, %get3A_826] : memref<64x256x32xf32, #tpu.memory_space<vmem>>, vector<1x128x32xf32>
    %get3A_828 = vector.shape_cast %get3A_827 : vector<1x128x32xf32> to vector<128x32xf32>
    %dot_general3A_829 = arith.constant dense<0.000000e+00> : vector<256x32xf32>
    %dot_general3A_830 = tpu.matmul %slice3A_823, %get3A_828, %dot_general3A_829 {dimension_numbers = #tpu.dot_dimension_numbers<[1], [0], [0], [1], [0, 0, 1, 1], [], []>, transpose_lhs_hint = false} : vector<256x128xf32>, vector<128x32xf32>, vector<256x32xf32> -> vector<256x32xf32>
    %add3A_831 = arith.addf %dot_general3A_822, %dot_general3A_830 : vector<256x32xf32>
    %get3A_832 = arith.constant 26 : index
    %get3A_833 = arith.constant 0 : index
    %get3A_834 = vector.load %arg4[%get3A_832, %get3A_833] : memref<64x32xf32, #tpu.memory_space<vmem>>, vector<1x32xf32>
    %get3A_835 = vector.shape_cast %get3A_834 : vector<1x32xf32> to vector<32xf32>
    %broadcast_in_dim3A_836 = vector.shape_cast %get3A_835 : vector<32xf32> to vector<1x32xf32>
    %add3A_837 = vector.broadcast %broadcast_in_dim3A_836 : vector<1x32xf32> to vector<256x32xf32>
    %add3A_838 = arith.addf %add3A_831, %add3A_837 : vector<256x32xf32>
    %swap3A_839 = arith.constant 0 : index
    %swap3A_840 = arith.constant 26 : index
    %swap3A_841 = arith.constant 0 : index
    %swap3A_842 = arith.constant 0 : index
    %swap3A_843 = vector.load %arg5[%swap3A_839, %swap3A_840, %swap3A_841, %swap3A_842] : memref<1x64x256x32xf32, #tpu.memory_space<vmem>>, vector<1x1x256x32xf32>
    %swap3A_844 = vector.shape_cast %swap3A_843 : vector<1x1x256x32xf32> to vector<256x32xf32>
    %swap3A_845 = vector.shape_cast %add3A_838 : vector<256x32xf32> to vector<1x1x256x32xf32>
    tpu.vector_store %arg5[%swap3A_839, %swap3A_840, %swap3A_841, %swap3A_842], %swap3A_845 {strides = array<i32>} : memref<1x64x256x32xf32, #tpu.memory_space<vmem>>, vector<1x1x256x32xf32>,
    %slice3A_846 = vector.extract_strided_slice %concatenate3A {offsets = [0, 91], sizes = [256, 128], strides = [1, 1]} : vector<256x1152xf32> to vector<256x128xf32>
    %get3A_847 = arith.constant 27 : index
    %get3A_848 = arith.constant 0 : index
    %get3A_849 = arith.constant 0 : index
    %get3A_850 = vector.load %arg3[%get3A_847, %get3A_848, %get3A_849] : memref<64x256x32xf32, #tpu.memory_space<vmem>>, vector<1x128x32xf32>
    %get3A_851 = vector.shape_cast %get3A_850 : vector<1x128x32xf32> to vector<128x32xf32>
    %dot_general3A_852 = arith.constant dense<0.000000e+00> : vector<256x32xf32>
    %dot_general3A_853 = tpu.matmul %slice3A_846, %get3A_851, %dot_general3A_852 {dimension_numbers = #tpu.dot_dimension_numbers<[1], [0], [0], [1], [0, 0, 1, 1], [], []>, transpose_lhs_hint = false} : vector<256x128xf32>, vector<128x32xf32>, vector<256x32xf32> -> vector<256x32xf32>
    %slice3A_854 = vector.extract_strided_slice %concatenate3A_12 {offsets = [0, 91], sizes = [256, 128], strides = [1, 1]} : vector<256x1152xf32> to vector<256x128xf32>
    %get3A_855 = arith.constant 27 : index
    %get3A_856 = arith.constant 128 : index
    %get3A_857 = arith.constant 0 : index
    %get3A_858 = vector.load %arg3[%get3A_855, %get3A_856, %get3A_857] : memref<64x256x32xf32, #tpu.memory_space<vmem>>, vector<1x128x32xf32>
    %get3A_859 = vector.shape_cast %get3A_858 : vector<1x128x32xf32> to vector<128x32xf32>
    %dot_general3A_860 = arith.constant dense<0.000000e+00> : vector<256x32xf32>
    %dot_general3A_861 = tpu.matmul %slice3A_854, %get3A_859, %dot_general3A_860 {dimension_numbers = #tpu.dot_dimension_numbers<[1], [0], [0], [1], [0, 0, 1, 1], [], []>, transpose_lhs_hint = false} : vector<256x128xf32>, vector<128x32xf32>, vector<256x32xf32> -> vector<256x32xf32>
    %add3A_862 = arith.addf %dot_general3A_853, %dot_general3A_861 : vector<256x32xf32>
    %get3A_863 = arith.constant 27 : index
    %get3A_864 = arith.constant 0 : index
    %get3A_865 = vector.load %arg4[%get3A_863, %get3A_864] : memref<64x32xf32, #tpu.memory_space<vmem>>, vector<1x32xf32>
    %get3A_866 = vector.shape_cast %get3A_865 : vector<1x32xf32> to vector<32xf32>
    %broadcast_in_dim3A_867 = vector.shape_cast %get3A_866 : vector<32xf32> to vector<1x32xf32>
    %add3A_868 = vector.broadcast %broadcast_in_dim3A_867 : vector<1x32xf32> to vector<256x32xf32>
    %add3A_869 = arith.addf %add3A_862, %add3A_868 : vector<256x32xf32>
    %swap3A_870 = arith.constant 0 : index
    %swap3A_871 = arith.constant 27 : index
    %swap3A_872 = arith.constant 0 : index
    %swap3A_873 = arith.constant 0 : index
    %swap3A_874 = vector.load %arg5[%swap3A_870, %swap3A_871, %swap3A_872, %swap3A_873] : memref<1x64x256x32xf32, #tpu.memory_space<vmem>>, vector<1x1x256x32xf32>
    %swap3A_875 = vector.shape_cast %swap3A_874 : vector<1x1x256x32xf32> to vector<256x32xf32>
    %swap3A_876 = vector.shape_cast %add3A_869 : vector<256x32xf32> to vector<1x1x256x32xf32>
    tpu.vector_store %arg5[%swap3A_870, %swap3A_871, %swap3A_872, %swap3A_873], %swap3A_876 {strides = array<i32>} : memref<1x64x256x32xf32, #tpu.memory_space<vmem>>, vector<1x1x256x32xf32>,
    %slice3A_877 = vector.extract_strided_slice %concatenate3A {offsets = [0, 97], sizes = [256, 128], strides = [1, 1]} : vector<256x1152xf32> to vector<256x128xf32>
    %get3A_878 = arith.constant 28 : index
    %get3A_879 = arith.constant 0 : index
    %get3A_880 = arith.constant 0 : index
    %get3A_881 = vector.load %arg3[%get3A_878, %get3A_879, %get3A_880] : memref<64x256x32xf32, #tpu.memory_space<vmem>>, vector<1x128x32xf32>
    %get3A_882 = vector.shape_cast %get3A_881 : vector<1x128x32xf32> to vector<128x32xf32>
    %dot_general3A_883 = arith.constant dense<0.000000e+00> : vector<256x32xf32>
    %dot_general3A_884 = tpu.matmul %slice3A_877, %get3A_882, %dot_general3A_883 {dimension_numbers = #tpu.dot_dimension_numbers<[1], [0], [0], [1], [0, 0, 1, 1], [], []>, transpose_lhs_hint = false} : vector<256x128xf32>, vector<128x32xf32>, vector<256x32xf32> -> vector<256x32xf32>
    %slice3A_885 = vector.extract_strided_slice %concatenate3A_12 {offsets = [0, 97], sizes = [256, 128], strides = [1, 1]} : vector<256x1152xf32> to vector<256x128xf32>
    %get3A_886 = arith.constant 28 : index
    %get3A_887 = arith.constant 128 : index
    %get3A_888 = arith.constant 0 : index
    %get3A_889 = vector.load %arg3[%get3A_886, %get3A_887, %get3A_888] : memref<64x256x32xf32, #tpu.memory_space<vmem>>, vector<1x128x32xf32>
    %get3A_890 = vector.shape_cast %get3A_889 : vector<1x128x32xf32> to vector<128x32xf32>
    %dot_general3A_891 = arith.constant dense<0.000000e+00> : vector<256x32xf32>
    %dot_general3A_892 = tpu.matmul %slice3A_885, %get3A_890, %dot_general3A_891 {dimension_numbers = #tpu.dot_dimension_numbers<[1], [0], [0], [1], [0, 0, 1, 1], [], []>, transpose_lhs_hint = false} : vector<256x128xf32>, vector<128x32xf32>, vector<256x32xf32> -> vector<256x32xf32>
    %add3A_893 = arith.addf %dot_general3A_884, %dot_general3A_892 : vector<256x32xf32>
    %get3A_894 = arith.constant 28 : index
    %get3A_895 = arith.constant 0 : index
    %get3A_896 = vector.load %arg4[%get3A_894, %get3A_895] : memref<64x32xf32, #tpu.memory_space<vmem>>, vector<1x32xf32>
    %get3A_897 = vector.shape_cast %get3A_896 : vector<1x32xf32> to vector<32xf32>
    %broadcast_in_dim3A_898 = vector.shape_cast %get3A_897 : vector<32xf32> to vector<1x32xf32>
    %add3A_899 = vector.broadcast %broadcast_in_dim3A_898 : vector<1x32xf32> to vector<256x32xf32>
    %add3A_900 = arith.addf %add3A_893, %add3A_899 : vector<256x32xf32>
    %swap3A_901 = arith.constant 0 : index
    %swap3A_902 = arith.constant 28 : index
    %swap3A_903 = arith.constant 0 : index
    %swap3A_904 = arith.constant 0 : index
    %swap3A_905 = vector.load %arg5[%swap3A_901, %swap3A_902, %swap3A_903, %swap3A_904] : memref<1x64x256x32xf32, #tpu.memory_space<vmem>>, vector<1x1x256x32xf32>
    %swap3A_906 = vector.shape_cast %swap3A_905 : vector<1x1x256x32xf32> to vector<256x32xf32>
    %swap3A_907 = vector.shape_cast %add3A_900 : vector<256x32xf32> to vector<1x1x256x32xf32>
    tpu.vector_store %arg5[%swap3A_901, %swap3A_902, %swap3A_903, %swap3A_904], %swap3A_907 {strides = array<i32>} : memref<1x64x256x32xf32, #tpu.memory_space<vmem>>, vector<1x1x256x32xf32>,
    %slice3A_908 = vector.extract_strided_slice %concatenate3A {offsets = [0, 104], sizes = [256, 128], strides = [1, 1]} : vector<256x1152xf32> to vector<256x128xf32>
    %get3A_909 = arith.constant 29 : index
    %get3A_910 = arith.constant 0 : index
    %get3A_911 = arith.constant 0 : index
    %get3A_912 = vector.load %arg3[%get3A_909, %get3A_910, %get3A_911] : memref<64x256x32xf32, #tpu.memory_space<vmem>>, vector<1x128x32xf32>
    %get3A_913 = vector.shape_cast %get3A_912 : vector<1x128x32xf32> to vector<128x32xf32>
    %dot_general3A_914 = arith.constant dense<0.000000e+00> : vector<256x32xf32>
    %dot_general3A_915 = tpu.matmul %slice3A_908, %get3A_913, %dot_general3A_914 {dimension_numbers = #tpu.dot_dimension_numbers<[1], [0], [0], [1], [0, 0, 1, 1], [], []>, transpose_lhs_hint = false} : vector<256x128xf32>, vector<128x32xf32>, vector<256x32xf32> -> vector<256x32xf32>
    %slice3A_916 = vector.extract_strided_slice %concatenate3A_12 {offsets = [0, 104], sizes = [256, 128], strides = [1, 1]} : vector<256x1152xf32> to vector<256x128xf32>
    %get3A_917 = arith.constant 29 : index
    %get3A_918 = arith.constant 128 : index
    %get3A_919 = arith.constant 0 : index
    %get3A_920 = vector.load %arg3[%get3A_917, %get3A_918, %get3A_919] : memref<64x256x32xf32, #tpu.memory_space<vmem>>, vector<1x128x32xf32>
    %get3A_921 = vector.shape_cast %get3A_920 : vector<1x128x32xf32> to vector<128x32xf32>
    %dot_general3A_922 = arith.constant dense<0.000000e+00> : vector<256x32xf32>
    %dot_general3A_923 = tpu.matmul %slice3A_916, %get3A_921, %dot_general3A_922 {dimension_numbers = #tpu.dot_dimension_numbers<[1], [0], [0], [1], [0, 0, 1, 1], [], []>, transpose_lhs_hint = false} : vector<256x128xf32>, vector<128x32xf32>, vector<256x32xf32> -> vector<256x32xf32>
    %add3A_924 = arith.addf %dot_general3A_915, %dot_general3A_923 : vector<256x32xf32>
    %get3A_925 = arith.constant 29 : index
    %get3A_926 = arith.constant 0 : index
    %get3A_927 = vector.load %arg4[%get3A_925, %get3A_926] : memref<64x32xf32, #tpu.memory_space<vmem>>, vector<1x32xf32>
    %get3A_928 = vector.shape_cast %get3A_927 : vector<1x32xf32> to vector<32xf32>
    %broadcast_in_dim3A_929 = vector.shape_cast %get3A_928 : vector<32xf32> to vector<1x32xf32>
    %add3A_930 = vector.broadcast %broadcast_in_dim3A_929 : vector<1x32xf32> to vector<256x32xf32>
    %add3A_931 = arith.addf %add3A_924, %add3A_930 : vector<256x32xf32>
    %swap3A_932 = arith.constant 0 : index
    %swap3A_933 = arith.constant 29 : index
    %swap3A_934 = arith.constant 0 : index
    %swap3A_935 = arith.constant 0 : index
    %swap3A_936 = vector.load %arg5[%swap3A_932, %swap3A_933, %swap3A_934, %swap3A_935] : memref<1x64x256x32xf32, #tpu.memory_space<vmem>>, vector<1x1x256x32xf32>
    %swap3A_937 = vector.shape_cast %swap3A_936 : vector<1x1x256x32xf32> to vector<256x32xf32>
    %swap3A_938 = vector.shape_cast %add3A_931 : vector<256x32xf32> to vector<1x1x256x32xf32>
    tpu.vector_store %arg5[%swap3A_932, %swap3A_933, %swap3A_934, %swap3A_935], %swap3A_938 {strides = array<i32>} : memref<1x64x256x32xf32, #tpu.memory_space<vmem>>, vector<1x1x256x32xf32>,
    %slice3A_939 = vector.extract_strided_slice %concatenate3A {offsets = [0, 111], sizes = [256, 128], strides = [1, 1]} : vector<256x1152xf32> to vector<256x128xf32>
    %get3A_940 = arith.constant 30 : index
    %get3A_941 = arith.constant 0 : index
    %get3A_942 = arith.constant 0 : index
    %get3A_943 = vector.load %arg3[%get3A_940, %get3A_941, %get3A_942] : memref<64x256x32xf32, #tpu.memory_space<vmem>>, vector<1x128x32xf32>
    %get3A_944 = vector.shape_cast %get3A_943 : vector<1x128x32xf32> to vector<128x32xf32>
    %dot_general3A_945 = arith.constant dense<0.000000e+00> : vector<256x32xf32>
    %dot_general3A_946 = tpu.matmul %slice3A_939, %get3A_944, %dot_general3A_945 {dimension_numbers = #tpu.dot_dimension_numbers<[1], [0], [0], [1], [0, 0, 1, 1], [], []>, transpose_lhs_hint = false} : vector<256x128xf32>, vector<128x32xf32>, vector<256x32xf32> -> vector<256x32xf32>
    %slice3A_947 = vector.extract_strided_slice %concatenate3A_12 {offsets = [0, 111], sizes = [256, 128], strides = [1, 1]} : vector<256x1152xf32> to vector<256x128xf32>
    %get3A_948 = arith.constant 30 : index
    %get3A_949 = arith.constant 128 : index
    %get3A_950 = arith.constant 0 : index
    %get3A_951 = vector.load %arg3[%get3A_948, %get3A_949, %get3A_950] : memref<64x256x32xf32, #tpu.memory_space<vmem>>, vector<1x128x32xf32>
    %get3A_952 = vector.shape_cast %get3A_951 : vector<1x128x32xf32> to vector<128x32xf32>
    %dot_general3A_953 = arith.constant dense<0.000000e+00> : vector<256x32xf32>
    %dot_general3A_954 = tpu.matmul %slice3A_947, %get3A_952, %dot_general3A_953 {dimension_numbers = #tpu.dot_dimension_numbers<[1], [0], [0], [1], [0, 0, 1, 1], [], []>, transpose_lhs_hint = false} : vector<256x128xf32>, vector<128x32xf32>, vector<256x32xf32> -> vector<256x32xf32>
    %add3A_955 = arith.addf %dot_general3A_946, %dot_general3A_954 : vector<256x32xf32>
    %get3A_956 = arith.constant 30 : index
    %get3A_957 = arith.constant 0 : index
    %get3A_958 = vector.load %arg4[%get3A_956, %get3A_957] : memref<64x32xf32, #tpu.memory_space<vmem>>, vector<1x32xf32>
    %get3A_959 = vector.shape_cast %get3A_958 : vector<1x32xf32> to vector<32xf32>
    %broadcast_in_dim3A_960 = vector.shape_cast %get3A_959 : vector<32xf32> to vector<1x32xf32>
    %add3A_961 = vector.broadcast %broadcast_in_dim3A_960 : vector<1x32xf32> to vector<256x32xf32>
    %add3A_962 = arith.addf %add3A_955, %add3A_961 : vector<256x32xf32>
    %swap3A_963 = arith.constant 0 : index
    %swap3A_964 = arith.constant 30 : index
    %swap3A_965 = arith.constant 0 : index
    %swap3A_966 = arith.constant 0 : index
    %swap3A_967 = vector.load %arg5[%swap3A_963, %swap3A_964, %swap3A_965, %swap3A_966] : memref<1x64x256x32xf32, #tpu.memory_space<vmem>>, vector<1x1x256x32xf32>
    %swap3A_968 = vector.shape_cast %swap3A_967 : vector<1x1x256x32xf32> to vector<256x32xf32>
    %swap3A_969 = vector.shape_cast %add3A_962 : vector<256x32xf32> to vector<1x1x256x32xf32>
    tpu.vector_store %arg5[%swap3A_963, %swap3A_964, %swap3A_965, %swap3A_966], %swap3A_969 {strides = array<i32>} : memref<1x64x256x32xf32, #tpu.memory_space<vmem>>, vector<1x1x256x32xf32>,
    %slice3A_970 = vector.extract_strided_slice %concatenate3A {offsets = [0, 119], sizes = [256, 128], strides = [1, 1]} : vector<256x1152xf32> to vector<256x128xf32>
    %get3A_971 = arith.constant 31 : index
    %get3A_972 = arith.constant 0 : index
    %get3A_973 = arith.constant 0 : index
    %get3A_974 = vector.load %arg3[%get3A_971, %get3A_972, %get3A_973] : memref<64x256x32xf32, #tpu.memory_space<vmem>>, vector<1x128x32xf32>
    %get3A_975 = vector.shape_cast %get3A_974 : vector<1x128x32xf32> to vector<128x32xf32>
    %dot_general3A_976 = arith.constant dense<0.000000e+00> : vector<256x32xf32>
    %dot_general3A_977 = tpu.matmul %slice3A_970, %get3A_975, %dot_general3A_976 {dimension_numbers = #tpu.dot_dimension_numbers<[1], [0], [0], [1], [0, 0, 1, 1], [], []>, transpose_lhs_hint = false} : vector<256x128xf32>, vector<128x32xf32>, vector<256x32xf32> -> vector<256x32xf32>
    %slice3A_978 = vector.extract_strided_slice %concatenate3A_12 {offsets = [0, 119], sizes = [256, 128], strides = [1, 1]} : vector<256x1152xf32> to vector<256x128xf32>
    %get3A_979 = arith.constant 31 : index
    %get3A_980 = arith.constant 128 : index
    %get3A_981 = arith.constant 0 : index
    %get3A_982 = vector.load %arg3[%get3A_979, %get3A_980, %get3A_981] : memref<64x256x32xf32, #tpu.memory_space<vmem>>, vector<1x128x32xf32>
    %get3A_983 = vector.shape_cast %get3A_982 : vector<1x128x32xf32> to vector<128x32xf32>
    %dot_general3A_984 = arith.constant dense<0.000000e+00> : vector<256x32xf32>
    %dot_general3A_985 = tpu.matmul %slice3A_978, %get3A_983, %dot_general3A_984 {dimension_numbers = #tpu.dot_dimension_numbers<[1], [0], [0], [1], [0, 0, 1, 1], [], []>, transpose_lhs_hint = false} : vector<256x128xf32>, vector<128x32xf32>, vector<256x32xf32> -> vector<256x32xf32>
    %add3A_986 = arith.addf %dot_general3A_977, %dot_general3A_985 : vector<256x32xf32>
    %get3A_987 = arith.constant 31 : index
    %get3A_988 = arith.constant 0 : index
    %get3A_989 = vector.load %arg4[%get3A_987, %get3A_988] : memref<64x32xf32, #tpu.memory_space<vmem>>, vector<1x32xf32>
    %get3A_990 = vector.shape_cast %get3A_989 : vector<1x32xf32> to vector<32xf32>
    %broadcast_in_dim3A_991 = vector.shape_cast %get3A_990 : vector<32xf32> to vector<1x32xf32>
    %add3A_992 = vector.broadcast %broadcast_in_dim3A_991 : vector<1x32xf32> to vector<256x32xf32>
    %add3A_993 = arith.addf %add3A_986, %add3A_992 : vector<256x32xf32>
    %swap3A_994 = arith.constant 0 : index
    %swap3A_995 = arith.constant 31 : index
    %swap3A_996 = arith.constant 0 : index
    %swap3A_997 = arith.constant 0 : index
    %swap3A_998 = vector.load %arg5[%swap3A_994, %swap3A_995, %swap3A_996, %swap3A_997] : memref<1x64x256x32xf32, #tpu.memory_space<vmem>>, vector<1x1x256x32xf32>
    %swap3A_999 = vector.shape_cast %swap3A_998 : vector<1x1x256x32xf32> to vector<256x32xf32>
    %swap3A_1000 = vector.shape_cast %add3A_993 : vector<256x32xf32> to vector<1x1x256x32xf32>
    tpu.vector_store %arg5[%swap3A_994, %swap3A_995, %swap3A_996, %swap3A_997], %swap3A_1000 {strides = array<i32>} : memref<1x64x256x32xf32, #tpu.memory_space<vmem>>, vector<1x1x256x32xf32>,
    %slice3A_1001 = vector.extract_strided_slice %concatenate3A {offsets = [0, 127], sizes = [256, 128], strides = [1, 1]} : vector<256x1152xf32> to vector<256x128xf32>
    %get3A_1002 = arith.constant 32 : index
    %get3A_1003 = arith.constant 0 : index
    %get3A_1004 = arith.constant 0 : index
    %get3A_1005 = vector.load %arg3[%get3A_1002, %get3A_1003, %get3A_1004] : memref<64x256x32xf32, #tpu.memory_space<vmem>>, vector<1x128x32xf32>
    %get3A_1006 = vector.shape_cast %get3A_1005 : vector<1x128x32xf32> to vector<128x32xf32>
    %dot_general3A_1007 = arith.constant dense<0.000000e+00> : vector<256x32xf32>
    %dot_general3A_1008 = tpu.matmul %slice3A_1001, %get3A_1006, %dot_general3A_1007 {dimension_numbers = #tpu.dot_dimension_numbers<[1], [0], [0], [1], [0, 0, 1, 1], [], []>, transpose_lhs_hint = false} : vector<256x128xf32>, vector<128x32xf32>, vector<256x32xf32> -> vector<256x32xf32>
    %slice3A_1009 = vector.extract_strided_slice %concatenate3A_12 {offsets = [0, 127], sizes = [256, 128], strides = [1, 1]} : vector<256x1152xf32> to vector<256x128xf32>
    %get3A_1010 = arith.constant 32 : index
    %get3A_1011 = arith.constant 128 : index
    %get3A_1012 = arith.constant 0 : index
    %get3A_1013 = vector.load %arg3[%get3A_1010, %get3A_1011, %get3A_1012] : memref<64x256x32xf32, #tpu.memory_space<vmem>>, vector<1x128x32xf32>
    %get3A_1014 = vector.shape_cast %get3A_1013 : vector<1x128x32xf32> to vector<128x32xf32>
    %dot_general3A_1015 = arith.constant dense<0.000000e+00> : vector<256x32xf32>
    %dot_general3A_1016 = tpu.matmul %slice3A_1009, %get3A_1014, %dot_general3A_1015 {dimension_numbers = #tpu.dot_dimension_numbers<[1], [0], [0], [1], [0, 0, 1, 1], [], []>, transpose_lhs_hint = false} : vector<256x128xf32>, vector<128x32xf32>, vector<256x32xf32> -> vector<256x32xf32>
    %add3A_1017 = arith.addf %dot_general3A_1008, %dot_general3A_1016 : vector<256x32xf32>
    %get3A_1018 = arith.constant 32 : index
    %get3A_1019 = arith.constant 0 : index
    %get3A_1020 = vector.load %arg4[%get3A_1018, %get3A_1019] : memref<64x32xf32, #tpu.memory_space<vmem>>, vector<1x32xf32>
    %get3A_1021 = vector.shape_cast %get3A_1020 : vector<1x32xf32> to vector<32xf32>
    %broadcast_in_dim3A_1022 = vector.shape_cast %get3A_1021 : vector<32xf32> to vector<1x32xf32>
    %add3A_1023 = vector.broadcast %broadcast_in_dim3A_1022 : vector<1x32xf32> to vector<256x32xf32>
    %add3A_1024 = arith.addf %add3A_1017, %add3A_1023 : vector<256x32xf32>
    %swap3A_1025 = arith.constant 0 : index
    %swap3A_1026 = arith.constant 32 : index
    %swap3A_1027 = arith.constant 0 : index
    %swap3A_1028 = arith.constant 0 : index
    %swap3A_1029 = vector.load %arg5[%swap3A_1025, %swap3A_1026, %swap3A_1027, %swap3A_1028] : memref<1x64x256x32xf32, #tpu.memory_space<vmem>>, vector<1x1x256x32xf32>
    %swap3A_1030 = vector.shape_cast %swap3A_1029 : vector<1x1x256x32xf32> to vector<256x32xf32>
    %swap3A_1031 = vector.shape_cast %add3A_1024 : vector<256x32xf32> to vector<1x1x256x32xf32>
    tpu.vector_store %arg5[%swap3A_1025, %swap3A_1026, %swap3A_1027, %swap3A_1028], %swap3A_1031 {strides = array<i32>} : memref<1x64x256x32xf32, #tpu.memory_space<vmem>>, vector<1x1x256x32xf32>,
    %slice3A_1032 = vector.extract_strided_slice %concatenate3A {offsets = [0, 135], sizes = [256, 128], strides = [1, 1]} : vector<256x1152xf32> to vector<256x128xf32>
    %get3A_1033 = arith.constant 33 : index
    %get3A_1034 = arith.constant 0 : index
    %get3A_1035 = arith.constant 0 : index
    %get3A_1036 = vector.load %arg3[%get3A_1033, %get3A_1034, %get3A_1035] : memref<64x256x32xf32, #tpu.memory_space<vmem>>, vector<1x128x32xf32>
    %get3A_1037 = vector.shape_cast %get3A_1036 : vector<1x128x32xf32> to vector<128x32xf32>
    %dot_general3A_1038 = arith.constant dense<0.000000e+00> : vector<256x32xf32>
    %dot_general3A_1039 = tpu.matmul %slice3A_1032, %get3A_1037, %dot_general3A_1038 {dimension_numbers = #tpu.dot_dimension_numbers<[1], [0], [0], [1], [0, 0, 1, 1], [], []>, transpose_lhs_hint = false} : vector<256x128xf32>, vector<128x32xf32>, vector<256x32xf32> -> vector<256x32xf32>
    %slice3A_1040 = vector.extract_strided_slice %concatenate3A_12 {offsets = [0, 135], sizes = [256, 128], strides = [1, 1]} : vector<256x1152xf32> to vector<256x128xf32>
    %get3A_1041 = arith.constant 33 : index
    %get3A_1042 = arith.constant 128 : index
    %get3A_1043 = arith.constant 0 : index
    %get3A_1044 = vector.load %arg3[%get3A_1041, %get3A_1042, %get3A_1043] : memref<64x256x32xf32, #tpu.memory_space<vmem>>, vector<1x128x32xf32>
    %get3A_1045 = vector.shape_cast %get3A_1044 : vector<1x128x32xf32> to vector<128x32xf32>
    %dot_general3A_1046 = arith.constant dense<0.000000e+00> : vector<256x32xf32>
    %dot_general3A_1047 = tpu.matmul %slice3A_1040, %get3A_1045, %dot_general3A_1046 {dimension_numbers = #tpu.dot_dimension_numbers<[1], [0], [0], [1], [0, 0, 1, 1], [], []>, transpose_lhs_hint = false} : vector<256x128xf32>, vector<128x32xf32>, vector<256x32xf32> -> vector<256x32xf32>
    %add3A_1048 = arith.addf %dot_general3A_1039, %dot_general3A_1047 : vector<256x32xf32>
    %get3A_1049 = arith.constant 33 : index
    %get3A_1050 = arith.constant 0 : index
    %get3A_1051 = vector.load %arg4[%get3A_1049, %get3A_1050] : memref<64x32xf32, #tpu.memory_space<vmem>>, vector<1x32xf32>
    %get3A_1052 = vector.shape_cast %get3A_1051 : vector<1x32xf32> to vector<32xf32>
    %broadcast_in_dim3A_1053 = vector.shape_cast %get3A_1052 : vector<32xf32> to vector<1x32xf32>
    %add3A_1054 = vector.broadcast %broadcast_in_dim3A_1053 : vector<1x32xf32> to vector<256x32xf32>
    %add3A_1055 = arith.addf %add3A_1048, %add3A_1054 : vector<256x32xf32>
    %swap3A_1056 = arith.constant 0 : index
    %swap3A_1057 = arith.constant 33 : index
    %swap3A_1058 = arith.constant 0 : index
    %swap3A_1059 = arith.constant 0 : index
    %swap3A_1060 = vector.load %arg5[%swap3A_1056, %swap3A_1057, %swap3A_1058, %swap3A_1059] : memref<1x64x256x32xf32, #tpu.memory_space<vmem>>, vector<1x1x256x32xf32>
    %swap3A_1061 = vector.shape_cast %swap3A_1060 : vector<1x1x256x32xf32> to vector<256x32xf32>
    %swap3A_1062 = vector.shape_cast %add3A_1055 : vector<256x32xf32> to vector<1x1x256x32xf32>
    tpu.vector_store %arg5[%swap3A_1056, %swap3A_1057, %swap3A_1058, %swap3A_1059], %swap3A_1062 {strides = array<i32>} : memref<1x64x256x32xf32, #tpu.memory_space<vmem>>, vector<1x1x256x32xf32>,
    %slice3A_1063 = vector.extract_strided_slice %concatenate3A {offsets = [0, 144], sizes = [256, 128], strides = [1, 1]} : vector<256x1152xf32> to vector<256x128xf32>
    %get3A_1064 = arith.constant 34 : index
    %get3A_1065 = arith.constant 0 : index
    %get3A_1066 = arith.constant 0 : index
    %get3A_1067 = vector.load %arg3[%get3A_1064, %get3A_1065, %get3A_1066] : memref<64x256x32xf32, #tpu.memory_space<vmem>>, vector<1x128x32xf32>
    %get3A_1068 = vector.shape_cast %get3A_1067 : vector<1x128x32xf32> to vector<128x32xf32>
    %dot_general3A_1069 = arith.constant dense<0.000000e+00> : vector<256x32xf32>
    %dot_general3A_1070 = tpu.matmul %slice3A_1063, %get3A_1068, %dot_general3A_1069 {dimension_numbers = #tpu.dot_dimension_numbers<[1], [0], [0], [1], [0, 0, 1, 1], [], []>, transpose_lhs_hint = false} : vector<256x128xf32>, vector<128x32xf32>, vector<256x32xf32> -> vector<256x32xf32>
    %slice3A_1071 = vector.extract_strided_slice %concatenate3A_12 {offsets = [0, 144], sizes = [256, 128], strides = [1, 1]} : vector<256x1152xf32> to vector<256x128xf32>
    %get3A_1072 = arith.constant 34 : index
    %get3A_1073 = arith.constant 128 : index
    %get3A_1074 = arith.constant 0 : index
    %get3A_1075 = vector.load %arg3[%get3A_1072, %get3A_1073, %get3A_1074] : memref<64x256x32xf32, #tpu.memory_space<vmem>>, vector<1x128x32xf32>
    %get3A_1076 = vector.shape_cast %get3A_1075 : vector<1x128x32xf32> to vector<128x32xf32>
    %dot_general3A_1077 = arith.constant dense<0.000000e+00> : vector<256x32xf32>
    %dot_general3A_1078 = tpu.matmul %slice3A_1071, %get3A_1076, %dot_general3A_1077 {dimension_numbers = #tpu.dot_dimension_numbers<[1], [0], [0], [1], [0, 0, 1, 1], [], []>, transpose_lhs_hint = false} : vector<256x128xf32>, vector<128x32xf32>, vector<256x32xf32> -> vector<256x32xf32>
    %add3A_1079 = arith.addf %dot_general3A_1070, %dot_general3A_1078 : vector<256x32xf32>
    %get3A_1080 = arith.constant 34 : index
    %get3A_1081 = arith.constant 0 : index
    %get3A_1082 = vector.load %arg4[%get3A_1080, %get3A_1081] : memref<64x32xf32, #tpu.memory_space<vmem>>, vector<1x32xf32>
    %get3A_1083 = vector.shape_cast %get3A_1082 : vector<1x32xf32> to vector<32xf32>
    %broadcast_in_dim3A_1084 = vector.shape_cast %get3A_1083 : vector<32xf32> to vector<1x32xf32>
    %add3A_1085 = vector.broadcast %broadcast_in_dim3A_1084 : vector<1x32xf32> to vector<256x32xf32>
    %add3A_1086 = arith.addf %add3A_1079, %add3A_1085 : vector<256x32xf32>
    %swap3A_1087 = arith.constant 0 : index
    %swap3A_1088 = arith.constant 34 : index
    %swap3A_1089 = arith.constant 0 : index
    %swap3A_1090 = arith.constant 0 : index
    %swap3A_1091 = vector.load %arg5[%swap3A_1087, %swap3A_1088, %swap3A_1089, %swap3A_1090] : memref<1x64x256x32xf32, #tpu.memory_space<vmem>>, vector<1x1x256x32xf32>
    %swap3A_1092 = vector.shape_cast %swap3A_1091 : vector<1x1x256x32xf32> to vector<256x32xf32>
    %swap3A_1093 = vector.shape_cast %add3A_1086 : vector<256x32xf32> to vector<1x1x256x32xf32>
    tpu.vector_store %arg5[%swap3A_1087, %swap3A_1088, %swap3A_1089, %swap3A_1090], %swap3A_1093 {strides = array<i32>} : memref<1x64x256x32xf32, #tpu.memory_space<vmem>>, vector<1x1x256x32xf32>,
    %slice3A_1094 = vector.extract_strided_slice %concatenate3A {offsets = [0, 154], sizes = [256, 128], strides = [1, 1]} : vector<256x1152xf32> to vector<256x128xf32>
    %get3A_1095 = arith.constant 35 : index
    %get3A_1096 = arith.constant 0 : index
    %get3A_1097 = arith.constant 0 : index
    %get3A_1098 = vector.load %arg3[%get3A_1095, %get3A_1096, %get3A_1097] : memref<64x256x32xf32, #tpu.memory_space<vmem>>, vector<1x128x32xf32>
    %get3A_1099 = vector.shape_cast %get3A_1098 : vector<1x128x32xf32> to vector<128x32xf32>
    %dot_general3A_1100 = arith.constant dense<0.000000e+00> : vector<256x32xf32>
    %dot_general3A_1101 = tpu.matmul %slice3A_1094, %get3A_1099, %dot_general3A_1100 {dimension_numbers = #tpu.dot_dimension_numbers<[1], [0], [0], [1], [0, 0, 1, 1], [], []>, transpose_lhs_hint = false} : vector<256x128xf32>, vector<128x32xf32>, vector<256x32xf32> -> vector<256x32xf32>
    %slice3A_1102 = vector.extract_strided_slice %concatenate3A_12 {offsets = [0, 154], sizes = [256, 128], strides = [1, 1]} : vector<256x1152xf32> to vector<256x128xf32>
    %get3A_1103 = arith.constant 35 : index
    %get3A_1104 = arith.constant 128 : index
    %get3A_1105 = arith.constant 0 : index
    %get3A_1106 = vector.load %arg3[%get3A_1103, %get3A_1104, %get3A_1105] : memref<64x256x32xf32, #tpu.memory_space<vmem>>, vector<1x128x32xf32>
    %get3A_1107 = vector.shape_cast %get3A_1106 : vector<1x128x32xf32> to vector<128x32xf32>
    %dot_general3A_1108 = arith.constant dense<0.000000e+00> : vector<256x32xf32>
    %dot_general3A_1109 = tpu.matmul %slice3A_1102, %get3A_1107, %dot_general3A_1108 {dimension_numbers = #tpu.dot_dimension_numbers<[1], [0], [0], [1], [0, 0, 1, 1], [], []>, transpose_lhs_hint = false} : vector<256x128xf32>, vector<128x32xf32>, vector<256x32xf32> -> vector<256x32xf32>
    %add3A_1110 = arith.addf %dot_general3A_1101, %dot_general3A_1109 : vector<256x32xf32>
    %get3A_1111 = arith.constant 35 : index
    %get3A_1112 = arith.constant 0 : index
    %get3A_1113 = vector.load %arg4[%get3A_1111, %get3A_1112] : memref<64x32xf32, #tpu.memory_space<vmem>>, vector<1x32xf32>
    %get3A_1114 = vector.shape_cast %get3A_1113 : vector<1x32xf32> to vector<32xf32>
    %broadcast_in_dim3A_1115 = vector.shape_cast %get3A_1114 : vector<32xf32> to vector<1x32xf32>
    %add3A_1116 = vector.broadcast %broadcast_in_dim3A_1115 : vector<1x32xf32> to vector<256x32xf32>
    %add3A_1117 = arith.addf %add3A_1110, %add3A_1116 : vector<256x32xf32>
    %swap3A_1118 = arith.constant 0 : index
    %swap3A_1119 = arith.constant 35 : index
    %swap3A_1120 = arith.constant 0 : index
    %swap3A_1121 = arith.constant 0 : index
    %swap3A_1122 = vector.load %arg5[%swap3A_1118, %swap3A_1119, %swap3A_1120, %swap3A_1121] : memref<1x64x256x32xf32, #tpu.memory_space<vmem>>, vector<1x1x256x32xf32>
    %swap3A_1123 = vector.shape_cast %swap3A_1122 : vector<1x1x256x32xf32> to vector<256x32xf32>
    %swap3A_1124 = vector.shape_cast %add3A_1117 : vector<256x32xf32> to vector<1x1x256x32xf32>
    tpu.vector_store %arg5[%swap3A_1118, %swap3A_1119, %swap3A_1120, %swap3A_1121], %swap3A_1124 {strides = array<i32>} : memref<1x64x256x32xf32, #tpu.memory_space<vmem>>, vector<1x1x256x32xf32>,
    %slice3A_1125 = vector.extract_strided_slice %concatenate3A {offsets = [0, 164], sizes = [256, 128], strides = [1, 1]} : vector<256x1152xf32> to vector<256x128xf32>
    %get3A_1126 = arith.constant 36 : index
    %get3A_1127 = arith.constant 0 : index
    %get3A_1128 = arith.constant 0 : index
    %get3A_1129 = vector.load %arg3[%get3A_1126, %get3A_1127, %get3A_1128] : memref<64x256x32xf32, #tpu.memory_space<vmem>>, vector<1x128x32xf32>
    %get3A_1130 = vector.shape_cast %get3A_1129 : vector<1x128x32xf32> to vector<128x32xf32>
    %dot_general3A_1131 = arith.constant dense<0.000000e+00> : vector<256x32xf32>
    %dot_general3A_1132 = tpu.matmul %slice3A_1125, %get3A_1130, %dot_general3A_1131 {dimension_numbers = #tpu.dot_dimension_numbers<[1], [0], [0], [1], [0, 0, 1, 1], [], []>, transpose_lhs_hint = false} : vector<256x128xf32>, vector<128x32xf32>, vector<256x32xf32> -> vector<256x32xf32>
    %slice3A_1133 = vector.extract_strided_slice %concatenate3A_12 {offsets = [0, 164], sizes = [256, 128], strides = [1, 1]} : vector<256x1152xf32> to vector<256x128xf32>
    %get3A_1134 = arith.constant 36 : index
    %get3A_1135 = arith.constant 128 : index
    %get3A_1136 = arith.constant 0 : index
    %get3A_1137 = vector.load %arg3[%get3A_1134, %get3A_1135, %get3A_1136] : memref<64x256x32xf32, #tpu.memory_space<vmem>>, vector<1x128x32xf32>
    %get3A_1138 = vector.shape_cast %get3A_1137 : vector<1x128x32xf32> to vector<128x32xf32>
    %dot_general3A_1139 = arith.constant dense<0.000000e+00> : vector<256x32xf32>
    %dot_general3A_1140 = tpu.matmul %slice3A_1133, %get3A_1138, %dot_general3A_1139 {dimension_numbers = #tpu.dot_dimension_numbers<[1], [0], [0], [1], [0, 0, 1, 1], [], []>, transpose_lhs_hint = false} : vector<256x128xf32>, vector<128x32xf32>, vector<256x32xf32> -> vector<256x32xf32>
    %add3A_1141 = arith.addf %dot_general3A_1132, %dot_general3A_1140 : vector<256x32xf32>
    %get3A_1142 = arith.constant 36 : index
    %get3A_1143 = arith.constant 0 : index
    %get3A_1144 = vector.load %arg4[%get3A_1142, %get3A_1143] : memref<64x32xf32, #tpu.memory_space<vmem>>, vector<1x32xf32>
    %get3A_1145 = vector.shape_cast %get3A_1144 : vector<1x32xf32> to vector<32xf32>
    %broadcast_in_dim3A_1146 = vector.shape_cast %get3A_1145 : vector<32xf32> to vector<1x32xf32>
    %add3A_1147 = vector.broadcast %broadcast_in_dim3A_1146 : vector<1x32xf32> to vector<256x32xf32>
    %add3A_1148 = arith.addf %add3A_1141, %add3A_1147 : vector<256x32xf32>
    %swap3A_1149 = arith.constant 0 : index
    %swap3A_1150 = arith.constant 36 : index
    %swap3A_1151 = arith.constant 0 : index
    %swap3A_1152 = arith.constant 0 : index
    %swap3A_1153 = vector.load %arg5[%swap3A_1149, %swap3A_1150, %swap3A_1151, %swap3A_1152] : memref<1x64x256x32xf32, #tpu.memory_space<vmem>>, vector<1x1x256x32xf32>
    %swap3A_1154 = vector.shape_cast %swap3A_1153 : vector<1x1x256x32xf32> to vector<256x32xf32>
    %swap3A_1155 = vector.shape_cast %add3A_1148 : vector<256x32xf32> to vector<1x1x256x32xf32>
    tpu.vector_store %arg5[%swap3A_1149, %swap3A_1150, %swap3A_1151, %swap3A_1152], %swap3A_1155 {strides = array<i32>} : memref<1x64x256x32xf32, #tpu.memory_space<vmem>>, vector<1x1x256x32xf32>,
    %slice3A_1156 = vector.extract_strided_slice %concatenate3A {offsets = [0, 175], sizes = [256, 128], strides = [1, 1]} : vector<256x1152xf32> to vector<256x128xf32>
    %get3A_1157 = arith.constant 37 : index
    %get3A_1158 = arith.constant 0 : index
    %get3A_1159 = arith.constant 0 : index
    %get3A_1160 = vector.load %arg3[%get3A_1157, %get3A_1158, %get3A_1159] : memref<64x256x32xf32, #tpu.memory_space<vmem>>, vector<1x128x32xf32>
    %get3A_1161 = vector.shape_cast %get3A_1160 : vector<1x128x32xf32> to vector<128x32xf32>
    %dot_general3A_1162 = arith.constant dense<0.000000e+00> : vector<256x32xf32>
    %dot_general3A_1163 = tpu.matmul %slice3A_1156, %get3A_1161, %dot_general3A_1162 {dimension_numbers = #tpu.dot_dimension_numbers<[1], [0], [0], [1], [0, 0, 1, 1], [], []>, transpose_lhs_hint = false} : vector<256x128xf32>, vector<128x32xf32>, vector<256x32xf32> -> vector<256x32xf32>
    %slice3A_1164 = vector.extract_strided_slice %concatenate3A_12 {offsets = [0, 175], sizes = [256, 128], strides = [1, 1]} : vector<256x1152xf32> to vector<256x128xf32>
    %get3A_1165 = arith.constant 37 : index
    %get3A_1166 = arith.constant 128 : index
    %get3A_1167 = arith.constant 0 : index
    %get3A_1168 = vector.load %arg3[%get3A_1165, %get3A_1166, %get3A_1167] : memref<64x256x32xf32, #tpu.memory_space<vmem>>, vector<1x128x32xf32>
    %get3A_1169 = vector.shape_cast %get3A_1168 : vector<1x128x32xf32> to vector<128x32xf32>
    %dot_general3A_1170 = arith.constant dense<0.000000e+00> : vector<256x32xf32>
    %dot_general3A_1171 = tpu.matmul %slice3A_1164, %get3A_1169, %dot_general3A_1170 {dimension_numbers = #tpu.dot_dimension_numbers<[1], [0], [0], [1], [0, 0, 1, 1], [], []>, transpose_lhs_hint = false} : vector<256x128xf32>, vector<128x32xf32>, vector<256x32xf32> -> vector<256x32xf32>
    %add3A_1172 = arith.addf %dot_general3A_1163, %dot_general3A_1171 : vector<256x32xf32>
    %get3A_1173 = arith.constant 37 : index
    %get3A_1174 = arith.constant 0 : index
    %get3A_1175 = vector.load %arg4[%get3A_1173, %get3A_1174] : memref<64x32xf32, #tpu.memory_space<vmem>>, vector<1x32xf32>
    %get3A_1176 = vector.shape_cast %get3A_1175 : vector<1x32xf32> to vector<32xf32>
    %broadcast_in_dim3A_1177 = vector.shape_cast %get3A_1176 : vector<32xf32> to vector<1x32xf32>
    %add3A_1178 = vector.broadcast %broadcast_in_dim3A_1177 : vector<1x32xf32> to vector<256x32xf32>
    %add3A_1179 = arith.addf %add3A_1172, %add3A_1178 : vector<256x32xf32>
    %swap3A_1180 = arith.constant 0 : index
    %swap3A_1181 = arith.constant 37 : index
    %swap3A_1182 = arith.constant 0 : index
    %swap3A_1183 = arith.constant 0 : index
    %swap3A_1184 = vector.load %arg5[%swap3A_1180, %swap3A_1181, %swap3A_1182, %swap3A_1183] : memref<1x64x256x32xf32, #tpu.memory_space<vmem>>, vector<1x1x256x32xf32>
    %swap3A_1185 = vector.shape_cast %swap3A_1184 : vector<1x1x256x32xf32> to vector<256x32xf32>
    %swap3A_1186 = vector.shape_cast %add3A_1179 : vector<256x32xf32> to vector<1x1x256x32xf32>
    tpu.vector_store %arg5[%swap3A_1180, %swap3A_1181, %swap3A_1182, %swap3A_1183], %swap3A_1186 {strides = array<i32>} : memref<1x64x256x32xf32, #tpu.memory_space<vmem>>, vector<1x1x256x32xf32>,
    %slice3A_1187 = vector.extract_strided_slice %concatenate3A {offsets = [0, 187], sizes = [256, 128], strides = [1, 1]} : vector<256x1152xf32> to vector<256x128xf32>
    %get3A_1188 = arith.constant 38 : index
    %get3A_1189 = arith.constant 0 : index
    %get3A_1190 = arith.constant 0 : index
    %get3A_1191 = vector.load %arg3[%get3A_1188, %get3A_1189, %get3A_1190] : memref<64x256x32xf32, #tpu.memory_space<vmem>>, vector<1x128x32xf32>
    %get3A_1192 = vector.shape_cast %get3A_1191 : vector<1x128x32xf32> to vector<128x32xf32>
    %dot_general3A_1193 = arith.constant dense<0.000000e+00> : vector<256x32xf32>
    %dot_general3A_1194 = tpu.matmul %slice3A_1187, %get3A_1192, %dot_general3A_1193 {dimension_numbers = #tpu.dot_dimension_numbers<[1], [0], [0], [1], [0, 0, 1, 1], [], []>, transpose_lhs_hint = false} : vector<256x128xf32>, vector<128x32xf32>, vector<256x32xf32> -> vector<256x32xf32>
    %slice3A_1195 = vector.extract_strided_slice %concatenate3A_12 {offsets = [0, 187], sizes = [256, 128], strides = [1, 1]} : vector<256x1152xf32> to vector<256x128xf32>
    %get3A_1196 = arith.constant 38 : index
    %get3A_1197 = arith.constant 128 : index
    %get3A_1198 = arith.constant 0 : index
    %get3A_1199 = vector.load %arg3[%get3A_1196, %get3A_1197, %get3A_1198] : memref<64x256x32xf32, #tpu.memory_space<vmem>>, vector<1x128x32xf32>
    %get3A_1200 = vector.shape_cast %get3A_1199 : vector<1x128x32xf32> to vector<128x32xf32>
    %dot_general3A_1201 = arith.constant dense<0.000000e+00> : vector<256x32xf32>
    %dot_general3A_1202 = tpu.matmul %slice3A_1195, %get3A_1200, %dot_general3A_1201 {dimension_numbers = #tpu.dot_dimension_numbers<[1], [0], [0], [1], [0, 0, 1, 1], [], []>, transpose_lhs_hint = false} : vector<256x128xf32>, vector<128x32xf32>, vector<256x32xf32> -> vector<256x32xf32>
    %add3A_1203 = arith.addf %dot_general3A_1194, %dot_general3A_1202 : vector<256x32xf32>
    %get3A_1204 = arith.constant 38 : index
    %get3A_1205 = arith.constant 0 : index
    %get3A_1206 = vector.load %arg4[%get3A_1204, %get3A_1205] : memref<64x32xf32, #tpu.memory_space<vmem>>, vector<1x32xf32>
    %get3A_1207 = vector.shape_cast %get3A_1206 : vector<1x32xf32> to vector<32xf32>
    %broadcast_in_dim3A_1208 = vector.shape_cast %get3A_1207 : vector<32xf32> to vector<1x32xf32>
    %add3A_1209 = vector.broadcast %broadcast_in_dim3A_1208 : vector<1x32xf32> to vector<256x32xf32>
    %add3A_1210 = arith.addf %add3A_1203, %add3A_1209 : vector<256x32xf32>
    %swap3A_1211 = arith.constant 0 : index
    %swap3A_1212 = arith.constant 38 : index
    %swap3A_1213 = arith.constant 0 : index
    %swap3A_1214 = arith.constant 0 : index
    %swap3A_1215 = vector.load %arg5[%swap3A_1211, %swap3A_1212, %swap3A_1213, %swap3A_1214] : memref<1x64x256x32xf32, #tpu.memory_space<vmem>>, vector<1x1x256x32xf32>
    %swap3A_1216 = vector.shape_cast %swap3A_1215 : vector<1x1x256x32xf32> to vector<256x32xf32>
    %swap3A_1217 = vector.shape_cast %add3A_1210 : vector<256x32xf32> to vector<1x1x256x32xf32>
    tpu.vector_store %arg5[%swap3A_1211, %swap3A_1212, %swap3A_1213, %swap3A_1214], %swap3A_1217 {strides = array<i32>} : memref<1x64x256x32xf32, #tpu.memory_space<vmem>>, vector<1x1x256x32xf32>,
    %slice3A_1218 = vector.extract_strided_slice %concatenate3A {offsets = [0, 200], sizes = [256, 128], strides = [1, 1]} : vector<256x1152xf32> to vector<256x128xf32>
    %get3A_1219 = arith.constant 39 : index
    %get3A_1220 = arith.constant 0 : index
    %get3A_1221 = arith.constant 0 : index
    %get3A_1222 = vector.load %arg3[%get3A_1219, %get3A_1220, %get3A_1221] : memref<64x256x32xf32, #tpu.memory_space<vmem>>, vector<1x128x32xf32>
    %get3A_1223 = vector.shape_cast %get3A_1222 : vector<1x128x32xf32> to vector<128x32xf32>
    %dot_general3A_1224 = arith.constant dense<0.000000e+00> : vector<256x32xf32>
    %dot_general3A_1225 = tpu.matmul %slice3A_1218, %get3A_1223, %dot_general3A_1224 {dimension_numbers = #tpu.dot_dimension_numbers<[1], [0], [0], [1], [0, 0, 1, 1], [], []>, transpose_lhs_hint = false} : vector<256x128xf32>, vector<128x32xf32>, vector<256x32xf32> -> vector<256x32xf32>
    %slice3A_1226 = vector.extract_strided_slice %concatenate3A_12 {offsets = [0, 200], sizes = [256, 128], strides = [1, 1]} : vector<256x1152xf32> to vector<256x128xf32>
    %get3A_1227 = arith.constant 39 : index
    %get3A_1228 = arith.constant 128 : index
    %get3A_1229 = arith.constant 0 : index
    %get3A_1230 = vector.load %arg3[%get3A_1227, %get3A_1228, %get3A_1229] : memref<64x256x32xf32, #tpu.memory_space<vmem>>, vector<1x128x32xf32>
    %get3A_1231 = vector.shape_cast %get3A_1230 : vector<1x128x32xf32> to vector<128x32xf32>
    %dot_general3A_1232 = arith.constant dense<0.000000e+00> : vector<256x32xf32>
    %dot_general3A_1233 = tpu.matmul %slice3A_1226, %get3A_1231, %dot_general3A_1232 {dimension_numbers = #tpu.dot_dimension_numbers<[1], [0], [0], [1], [0, 0, 1, 1], [], []>, transpose_lhs_hint = false} : vector<256x128xf32>, vector<128x32xf32>, vector<256x32xf32> -> vector<256x32xf32>
    %add3A_1234 = arith.addf %dot_general3A_1225, %dot_general3A_1233 : vector<256x32xf32>
    %get3A_1235 = arith.constant 39 : index
    %get3A_1236 = arith.constant 0 : index
    %get3A_1237 = vector.load %arg4[%get3A_1235, %get3A_1236] : memref<64x32xf32, #tpu.memory_space<vmem>>, vector<1x32xf32>
    %get3A_1238 = vector.shape_cast %get3A_1237 : vector<1x32xf32> to vector<32xf32>
    %broadcast_in_dim3A_1239 = vector.shape_cast %get3A_1238 : vector<32xf32> to vector<1x32xf32>
    %add3A_1240 = vector.broadcast %broadcast_in_dim3A_1239 : vector<1x32xf32> to vector<256x32xf32>
    %add3A_1241 = arith.addf %add3A_1234, %add3A_1240 : vector<256x32xf32>
    %swap3A_1242 = arith.constant 0 : index
    %swap3A_1243 = arith.constant 39 : index
    %swap3A_1244 = arith.constant 0 : index
    %swap3A_1245 = arith.constant 0 : index
    %swap3A_1246 = vector.load %arg5[%swap3A_1242, %swap3A_1243, %swap3A_1244, %swap3A_1245] : memref<1x64x256x32xf32, #tpu.memory_space<vmem>>, vector<1x1x256x32xf32>
    %swap3A_1247 = vector.shape_cast %swap3A_1246 : vector<1x1x256x32xf32> to vector<256x32xf32>
    %swap3A_1248 = vector.shape_cast %add3A_1241 : vector<256x32xf32> to vector<1x1x256x32xf32>
    tpu.vector_store %arg5[%swap3A_1242, %swap3A_1243, %swap3A_1244, %swap3A_1245], %swap3A_1248 {strides = array<i32>} : memref<1x64x256x32xf32, #tpu.memory_space<vmem>>, vector<1x1x256x32xf32>,
    %slice3A_1249 = vector.extract_strided_slice %concatenate3A {offsets = [0, 213], sizes = [256, 128], strides = [1, 1]} : vector<256x1152xf32> to vector<256x128xf32>
    %get3A_1250 = arith.constant 40 : index
    %get3A_1251 = arith.constant 0 : index
    %get3A_1252 = arith.constant 0 : index
    %get3A_1253 = vector.load %arg3[%get3A_1250, %get3A_1251, %get3A_1252] : memref<64x256x32xf32, #tpu.memory_space<vmem>>, vector<1x128x32xf32>
    %get3A_1254 = vector.shape_cast %get3A_1253 : vector<1x128x32xf32> to vector<128x32xf32>
    %dot_general3A_1255 = arith.constant dense<0.000000e+00> : vector<256x32xf32>
    %dot_general3A_1256 = tpu.matmul %slice3A_1249, %get3A_1254, %dot_general3A_1255 {dimension_numbers = #tpu.dot_dimension_numbers<[1], [0], [0], [1], [0, 0, 1, 1], [], []>, transpose_lhs_hint = false} : vector<256x128xf32>, vector<128x32xf32>, vector<256x32xf32> -> vector<256x32xf32>
    %slice3A_1257 = vector.extract_strided_slice %concatenate3A_12 {offsets = [0, 213], sizes = [256, 128], strides = [1, 1]} : vector<256x1152xf32> to vector<256x128xf32>
    %get3A_1258 = arith.constant 40 : index
    %get3A_1259 = arith.constant 128 : index
    %get3A_1260 = arith.constant 0 : index
    %get3A_1261 = vector.load %arg3[%get3A_1258, %get3A_1259, %get3A_1260] : memref<64x256x32xf32, #tpu.memory_space<vmem>>, vector<1x128x32xf32>
    %get3A_1262 = vector.shape_cast %get3A_1261 : vector<1x128x32xf32> to vector<128x32xf32>
    %dot_general3A_1263 = arith.constant dense<0.000000e+00> : vector<256x32xf32>
    %dot_general3A_1264 = tpu.matmul %slice3A_1257, %get3A_1262, %dot_general3A_1263 {dimension_numbers = #tpu.dot_dimension_numbers<[1], [0], [0], [1], [0, 0, 1, 1], [], []>, transpose_lhs_hint = false} : vector<256x128xf32>, vector<128x32xf32>, vector<256x32xf32> -> vector<256x32xf32>
    %add3A_1265 = arith.addf %dot_general3A_1256, %dot_general3A_1264 : vector<256x32xf32>
    %get3A_1266 = arith.constant 40 : index
    %get3A_1267 = arith.constant 0 : index
    %get3A_1268 = vector.load %arg4[%get3A_1266, %get3A_1267] : memref<64x32xf32, #tpu.memory_space<vmem>>, vector<1x32xf32>
    %get3A_1269 = vector.shape_cast %get3A_1268 : vector<1x32xf32> to vector<32xf32>
    %broadcast_in_dim3A_1270 = vector.shape_cast %get3A_1269 : vector<32xf32> to vector<1x32xf32>
    %add3A_1271 = vector.broadcast %broadcast_in_dim3A_1270 : vector<1x32xf32> to vector<256x32xf32>
    %add3A_1272 = arith.addf %add3A_1265, %add3A_1271 : vector<256x32xf32>
    %swap3A_1273 = arith.constant 0 : index
    %swap3A_1274 = arith.constant 40 : index
    %swap3A_1275 = arith.constant 0 : index
    %swap3A_1276 = arith.constant 0 : index
    %swap3A_1277 = vector.load %arg5[%swap3A_1273, %swap3A_1274, %swap3A_1275, %swap3A_1276] : memref<1x64x256x32xf32, #tpu.memory_space<vmem>>, vector<1x1x256x32xf32>
    %swap3A_1278 = vector.shape_cast %swap3A_1277 : vector<1x1x256x32xf32> to vector<256x32xf32>
    %swap3A_1279 = vector.shape_cast %add3A_1272 : vector<256x32xf32> to vector<1x1x256x32xf32>
    tpu.vector_store %arg5[%swap3A_1273, %swap3A_1274, %swap3A_1275, %swap3A_1276], %swap3A_1279 {strides = array<i32>} : memref<1x64x256x32xf32, #tpu.memory_space<vmem>>, vector<1x1x256x32xf32>,
    %slice3A_1280 = vector.extract_strided_slice %concatenate3A {offsets = [0, 228], sizes = [256, 128], strides = [1, 1]} : vector<256x1152xf32> to vector<256x128xf32>
    %get3A_1281 = arith.constant 41 : index
    %get3A_1282 = arith.constant 0 : index
    %get3A_1283 = arith.constant 0 : index
    %get3A_1284 = vector.load %arg3[%get3A_1281, %get3A_1282, %get3A_1283] : memref<64x256x32xf32, #tpu.memory_space<vmem>>, vector<1x128x32xf32>
    %get3A_1285 = vector.shape_cast %get3A_1284 : vector<1x128x32xf32> to vector<128x32xf32>
    %dot_general3A_1286 = arith.constant dense<0.000000e+00> : vector<256x32xf32>
    %dot_general3A_1287 = tpu.matmul %slice3A_1280, %get3A_1285, %dot_general3A_1286 {dimension_numbers = #tpu.dot_dimension_numbers<[1], [0], [0], [1], [0, 0, 1, 1], [], []>, transpose_lhs_hint = false} : vector<256x128xf32>, vector<128x32xf32>, vector<256x32xf32> -> vector<256x32xf32>
    %slice3A_1288 = vector.extract_strided_slice %concatenate3A_12 {offsets = [0, 228], sizes = [256, 128], strides = [1, 1]} : vector<256x1152xf32> to vector<256x128xf32>
    %get3A_1289 = arith.constant 41 : index
    %get3A_1290 = arith.constant 128 : index
    %get3A_1291 = arith.constant 0 : index
    %get3A_1292 = vector.load %arg3[%get3A_1289, %get3A_1290, %get3A_1291] : memref<64x256x32xf32, #tpu.memory_space<vmem>>, vector<1x128x32xf32>
    %get3A_1293 = vector.shape_cast %get3A_1292 : vector<1x128x32xf32> to vector<128x32xf32>
    %dot_general3A_1294 = arith.constant dense<0.000000e+00> : vector<256x32xf32>
    %dot_general3A_1295 = tpu.matmul %slice3A_1288, %get3A_1293, %dot_general3A_1294 {dimension_numbers = #tpu.dot_dimension_numbers<[1], [0], [0], [1], [0, 0, 1, 1], [], []>, transpose_lhs_hint = false} : vector<256x128xf32>, vector<128x32xf32>, vector<256x32xf32> -> vector<256x32xf32>
    %add3A_1296 = arith.addf %dot_general3A_1287, %dot_general3A_1295 : vector<256x32xf32>
    %get3A_1297 = arith.constant 41 : index
    %get3A_1298 = arith.constant 0 : index
    %get3A_1299 = vector.load %arg4[%get3A_1297, %get3A_1298] : memref<64x32xf32, #tpu.memory_space<vmem>>, vector<1x32xf32>
    %get3A_1300 = vector.shape_cast %get3A_1299 : vector<1x32xf32> to vector<32xf32>
    %broadcast_in_dim3A_1301 = vector.shape_cast %get3A_1300 : vector<32xf32> to vector<1x32xf32>
    %add3A_1302 = vector.broadcast %broadcast_in_dim3A_1301 : vector<1x32xf32> to vector<256x32xf32>
    %add3A_1303 = arith.addf %add3A_1296, %add3A_1302 : vector<256x32xf32>
    %swap3A_1304 = arith.constant 0 : index
    %swap3A_1305 = arith.constant 41 : index
    %swap3A_1306 = arith.constant 0 : index
    %swap3A_1307 = arith.constant 0 : index
    %swap3A_1308 = vector.load %arg5[%swap3A_1304, %swap3A_1305, %swap3A_1306, %swap3A_1307] : memref<1x64x256x32xf32, #tpu.memory_space<vmem>>, vector<1x1x256x32xf32>
    %swap3A_1309 = vector.shape_cast %swap3A_1308 : vector<1x1x256x32xf32> to vector<256x32xf32>
    %swap3A_1310 = vector.shape_cast %add3A_1303 : vector<256x32xf32> to vector<1x1x256x32xf32>
    tpu.vector_store %arg5[%swap3A_1304, %swap3A_1305, %swap3A_1306, %swap3A_1307], %swap3A_1310 {strides = array<i32>} : memref<1x64x256x32xf32, #tpu.memory_space<vmem>>, vector<1x1x256x32xf32>,
    %slice3A_1311 = vector.extract_strided_slice %concatenate3A {offsets = [0, 243], sizes = [256, 128], strides = [1, 1]} : vector<256x1152xf32> to vector<256x128xf32>
    %get3A_1312 = arith.constant 42 : index
    %get3A_1313 = arith.constant 0 : index
    %get3A_1314 = arith.constant 0 : index
    %get3A_1315 = vector.load %arg3[%get3A_1312, %get3A_1313, %get3A_1314] : memref<64x256x32xf32, #tpu.memory_space<vmem>>, vector<1x128x32xf32>
    %get3A_1316 = vector.shape_cast %get3A_1315 : vector<1x128x32xf32> to vector<128x32xf32>
    %dot_general3A_1317 = arith.constant dense<0.000000e+00> : vector<256x32xf32>
    %dot_general3A_1318 = tpu.matmul %slice3A_1311, %get3A_1316, %dot_general3A_1317 {dimension_numbers = #tpu.dot_dimension_numbers<[1], [0], [0], [1], [0, 0, 1, 1], [], []>, transpose_lhs_hint = false} : vector<256x128xf32>, vector<128x32xf32>, vector<256x32xf32> -> vector<256x32xf32>
    %slice3A_1319 = vector.extract_strided_slice %concatenate3A_12 {offsets = [0, 243], sizes = [256, 128], strides = [1, 1]} : vector<256x1152xf32> to vector<256x128xf32>
    %get3A_1320 = arith.constant 42 : index
    %get3A_1321 = arith.constant 128 : index
    %get3A_1322 = arith.constant 0 : index
    %get3A_1323 = vector.load %arg3[%get3A_1320, %get3A_1321, %get3A_1322] : memref<64x256x32xf32, #tpu.memory_space<vmem>>, vector<1x128x32xf32>
    %get3A_1324 = vector.shape_cast %get3A_1323 : vector<1x128x32xf32> to vector<128x32xf32>
    %dot_general3A_1325 = arith.constant dense<0.000000e+00> : vector<256x32xf32>
    %dot_general3A_1326 = tpu.matmul %slice3A_1319, %get3A_1324, %dot_general3A_1325 {dimension_numbers = #tpu.dot_dimension_numbers<[1], [0], [0], [1], [0, 0, 1, 1], [], []>, transpose_lhs_hint = false} : vector<256x128xf32>, vector<128x32xf32>, vector<256x32xf32> -> vector<256x32xf32>
    %add3A_1327 = arith.addf %dot_general3A_1318, %dot_general3A_1326 : vector<256x32xf32>
    %get3A_1328 = arith.constant 42 : index
    %get3A_1329 = arith.constant 0 : index
    %get3A_1330 = vector.load %arg4[%get3A_1328, %get3A_1329] : memref<64x32xf32, #tpu.memory_space<vmem>>, vector<1x32xf32>
    %get3A_1331 = vector.shape_cast %get3A_1330 : vector<1x32xf32> to vector<32xf32>
    %broadcast_in_dim3A_1332 = vector.shape_cast %get3A_1331 : vector<32xf32> to vector<1x32xf32>
    %add3A_1333 = vector.broadcast %broadcast_in_dim3A_1332 : vector<1x32xf32> to vector<256x32xf32>
    %add3A_1334 = arith.addf %add3A_1327, %add3A_1333 : vector<256x32xf32>
    %swap3A_1335 = arith.constant 0 : index
    %swap3A_1336 = arith.constant 42 : index
    %swap3A_1337 = arith.constant 0 : index
    %swap3A_1338 = arith.constant 0 : index
    %swap3A_1339 = vector.load %arg5[%swap3A_1335, %swap3A_1336, %swap3A_1337, %swap3A_1338] : memref<1x64x256x32xf32, #tpu.memory_space<vmem>>, vector<1x1x256x32xf32>
    %swap3A_1340 = vector.shape_cast %swap3A_1339 : vector<1x1x256x32xf32> to vector<256x32xf32>
    %swap3A_1341 = vector.shape_cast %add3A_1334 : vector<256x32xf32> to vector<1x1x256x32xf32>
    tpu.vector_store %arg5[%swap3A_1335, %swap3A_1336, %swap3A_1337, %swap3A_1338], %swap3A_1341 {strides = array<i32>} : memref<1x64x256x32xf32, #tpu.memory_space<vmem>>, vector<1x1x256x32xf32>,
    %slice3A_1342 = vector.extract_strided_slice %concatenate3A {offsets = [0, 259], sizes = [256, 128], strides = [1, 1]} : vector<256x1152xf32> to vector<256x128xf32>
    %get3A_1343 = arith.constant 43 : index
    %get3A_1344 = arith.constant 0 : index
    %get3A_1345 = arith.constant 0 : index
    %get3A_1346 = vector.load %arg3[%get3A_1343, %get3A_1344, %get3A_1345] : memref<64x256x32xf32, #tpu.memory_space<vmem>>, vector<1x128x32xf32>
    %get3A_1347 = vector.shape_cast %get3A_1346 : vector<1x128x32xf32> to vector<128x32xf32>
    %dot_general3A_1348 = arith.constant dense<0.000000e+00> : vector<256x32xf32>
    %dot_general3A_1349 = tpu.matmul %slice3A_1342, %get3A_1347, %dot_general3A_1348 {dimension_numbers = #tpu.dot_dimension_numbers<[1], [0], [0], [1], [0, 0, 1, 1], [], []>, transpose_lhs_hint = false} : vector<256x128xf32>, vector<128x32xf32>, vector<256x32xf32> -> vector<256x32xf32>
    %slice3A_1350 = vector.extract_strided_slice %concatenate3A_12 {offsets = [0, 259], sizes = [256, 128], strides = [1, 1]} : vector<256x1152xf32> to vector<256x128xf32>
    %get3A_1351 = arith.constant 43 : index
    %get3A_1352 = arith.constant 128 : index
    %get3A_1353 = arith.constant 0 : index
    %get3A_1354 = vector.load %arg3[%get3A_1351, %get3A_1352, %get3A_1353] : memref<64x256x32xf32, #tpu.memory_space<vmem>>, vector<1x128x32xf32>
    %get3A_1355 = vector.shape_cast %get3A_1354 : vector<1x128x32xf32> to vector<128x32xf32>
    %dot_general3A_1356 = arith.constant dense<0.000000e+00> : vector<256x32xf32>
    %dot_general3A_1357 = tpu.matmul %slice3A_1350, %get3A_1355, %dot_general3A_1356 {dimension_numbers = #tpu.dot_dimension_numbers<[1], [0], [0], [1], [0, 0, 1, 1], [], []>, transpose_lhs_hint = false} : vector<256x128xf32>, vector<128x32xf32>, vector<256x32xf32> -> vector<256x32xf32>
    %add3A_1358 = arith.addf %dot_general3A_1349, %dot_general3A_1357 : vector<256x32xf32>
    %get3A_1359 = arith.constant 43 : index
    %get3A_1360 = arith.constant 0 : index
    %get3A_1361 = vector.load %arg4[%get3A_1359, %get3A_1360] : memref<64x32xf32, #tpu.memory_space<vmem>>, vector<1x32xf32>
    %get3A_1362 = vector.shape_cast %get3A_1361 : vector<1x32xf32> to vector<32xf32>
    %broadcast_in_dim3A_1363 = vector.shape_cast %get3A_1362 : vector<32xf32> to vector<1x32xf32>
    %add3A_1364 = vector.broadcast %broadcast_in_dim3A_1363 : vector<1x32xf32> to vector<256x32xf32>
    %add3A_1365 = arith.addf %add3A_1358, %add3A_1364 : vector<256x32xf32>
    %swap3A_1366 = arith.constant 0 : index
    %swap3A_1367 = arith.constant 43 : index
    %swap3A_1368 = arith.constant 0 : index
    %swap3A_1369 = arith.constant 0 : index
    %swap3A_1370 = vector.load %arg5[%swap3A_1366, %swap3A_1367, %swap3A_1368, %swap3A_1369] : memref<1x64x256x32xf32, #tpu.memory_space<vmem>>, vector<1x1x256x32xf32>
    %swap3A_1371 = vector.shape_cast %swap3A_1370 : vector<1x1x256x32xf32> to vector<256x32xf32>
    %swap3A_1372 = vector.shape_cast %add3A_1365 : vector<256x32xf32> to vector<1x1x256x32xf32>
    tpu.vector_store %arg5[%swap3A_1366, %swap3A_1367, %swap3A_1368, %swap3A_1369], %swap3A_1372 {strides = array<i32>} : memref<1x64x256x32xf32, #tpu.memory_space<vmem>>, vector<1x1x256x32xf32>,
    %slice3A_1373 = vector.extract_strided_slice %concatenate3A {offsets = [0, 277], sizes = [256, 128], strides = [1, 1]} : vector<256x1152xf32> to vector<256x128xf32>
    %get3A_1374 = arith.constant 44 : index
    %get3A_1375 = arith.constant 0 : index
    %get3A_1376 = arith.constant 0 : index
    %get3A_1377 = vector.load %arg3[%get3A_1374, %get3A_1375, %get3A_1376] : memref<64x256x32xf32, #tpu.memory_space<vmem>>, vector<1x128x32xf32>
    %get3A_1378 = vector.shape_cast %get3A_1377 : vector<1x128x32xf32> to vector<128x32xf32>
    %dot_general3A_1379 = arith.constant dense<0.000000e+00> : vector<256x32xf32>
    %dot_general3A_1380 = tpu.matmul %slice3A_1373, %get3A_1378, %dot_general3A_1379 {dimension_numbers = #tpu.dot_dimension_numbers<[1], [0], [0], [1], [0, 0, 1, 1], [], []>, transpose_lhs_hint = false} : vector<256x128xf32>, vector<128x32xf32>, vector<256x32xf32> -> vector<256x32xf32>
    %slice3A_1381 = vector.extract_strided_slice %concatenate3A_12 {offsets = [0, 277], sizes = [256, 128], strides = [1, 1]} : vector<256x1152xf32> to vector<256x128xf32>
    %get3A_1382 = arith.constant 44 : index
    %get3A_1383 = arith.constant 128 : index
    %get3A_1384 = arith.constant 0 : index
    %get3A_1385 = vector.load %arg3[%get3A_1382, %get3A_1383, %get3A_1384] : memref<64x256x32xf32, #tpu.memory_space<vmem>>, vector<1x128x32xf32>
    %get3A_1386 = vector.shape_cast %get3A_1385 : vector<1x128x32xf32> to vector<128x32xf32>
    %dot_general3A_1387 = arith.constant dense<0.000000e+00> : vector<256x32xf32>
    %dot_general3A_1388 = tpu.matmul %slice3A_1381, %get3A_1386, %dot_general3A_1387 {dimension_numbers = #tpu.dot_dimension_numbers<[1], [0], [0], [1], [0, 0, 1, 1], [], []>, transpose_lhs_hint = false} : vector<256x128xf32>, vector<128x32xf32>, vector<256x32xf32> -> vector<256x32xf32>
    %add3A_1389 = arith.addf %dot_general3A_1380, %dot_general3A_1388 : vector<256x32xf32>
    %get3A_1390 = arith.constant 44 : index
    %get3A_1391 = arith.constant 0 : index
    %get3A_1392 = vector.load %arg4[%get3A_1390, %get3A_1391] : memref<64x32xf32, #tpu.memory_space<vmem>>, vector<1x32xf32>
    %get3A_1393 = vector.shape_cast %get3A_1392 : vector<1x32xf32> to vector<32xf32>
    %broadcast_in_dim3A_1394 = vector.shape_cast %get3A_1393 : vector<32xf32> to vector<1x32xf32>
    %add3A_1395 = vector.broadcast %broadcast_in_dim3A_1394 : vector<1x32xf32> to vector<256x32xf32>
    %add3A_1396 = arith.addf %add3A_1389, %add3A_1395 : vector<256x32xf32>
    %swap3A_1397 = arith.constant 0 : index
    %swap3A_1398 = arith.constant 44 : index
    %swap3A_1399 = arith.constant 0 : index
    %swap3A_1400 = arith.constant 0 : index
    %swap3A_1401 = vector.load %arg5[%swap3A_1397, %swap3A_1398, %swap3A_1399, %swap3A_1400] : memref<1x64x256x32xf32, #tpu.memory_space<vmem>>, vector<1x1x256x32xf32>
    %swap3A_1402 = vector.shape_cast %swap3A_1401 : vector<1x1x256x32xf32> to vector<256x32xf32>
    %swap3A_1403 = vector.shape_cast %add3A_1396 : vector<256x32xf32> to vector<1x1x256x32xf32>
    tpu.vector_store %arg5[%swap3A_1397, %swap3A_1398, %swap3A_1399, %swap3A_1400], %swap3A_1403 {strides = array<i32>} : memref<1x64x256x32xf32, #tpu.memory_space<vmem>>, vector<1x1x256x32xf32>,
    %slice3A_1404 = vector.extract_strided_slice %concatenate3A {offsets = [0, 296], sizes = [256, 128], strides = [1, 1]} : vector<256x1152xf32> to vector<256x128xf32>
    %get3A_1405 = arith.constant 45 : index
    %get3A_1406 = arith.constant 0 : index
    %get3A_1407 = arith.constant 0 : index
    %get3A_1408 = vector.load %arg3[%get3A_1405, %get3A_1406, %get3A_1407] : memref<64x256x32xf32, #tpu.memory_space<vmem>>, vector<1x128x32xf32>
    %get3A_1409 = vector.shape_cast %get3A_1408 : vector<1x128x32xf32> to vector<128x32xf32>
    %dot_general3A_1410 = arith.constant dense<0.000000e+00> : vector<256x32xf32>
    %dot_general3A_1411 = tpu.matmul %slice3A_1404, %get3A_1409, %dot_general3A_1410 {dimension_numbers = #tpu.dot_dimension_numbers<[1], [0], [0], [1], [0, 0, 1, 1], [], []>, transpose_lhs_hint = false} : vector<256x128xf32>, vector<128x32xf32>, vector<256x32xf32> -> vector<256x32xf32>
    %slice3A_1412 = vector.extract_strided_slice %concatenate3A_12 {offsets = [0, 296], sizes = [256, 128], strides = [1, 1]} : vector<256x1152xf32> to vector<256x128xf32>
    %get3A_1413 = arith.constant 45 : index
    %get3A_1414 = arith.constant 128 : index
    %get3A_1415 = arith.constant 0 : index
    %get3A_1416 = vector.load %arg3[%get3A_1413, %get3A_1414, %get3A_1415] : memref<64x256x32xf32, #tpu.memory_space<vmem>>, vector<1x128x32xf32>
    %get3A_1417 = vector.shape_cast %get3A_1416 : vector<1x128x32xf32> to vector<128x32xf32>
    %dot_general3A_1418 = arith.constant dense<0.000000e+00> : vector<256x32xf32>
    %dot_general3A_1419 = tpu.matmul %slice3A_1412, %get3A_1417, %dot_general3A_1418 {dimension_numbers = #tpu.dot_dimension_numbers<[1], [0], [0], [1], [0, 0, 1, 1], [], []>, transpose_lhs_hint = false} : vector<256x128xf32>, vector<128x32xf32>, vector<256x32xf32> -> vector<256x32xf32>
    %add3A_1420 = arith.addf %dot_general3A_1411, %dot_general3A_1419 : vector<256x32xf32>
    %get3A_1421 = arith.constant 45 : index
    %get3A_1422 = arith.constant 0 : index
    %get3A_1423 = vector.load %arg4[%get3A_1421, %get3A_1422] : memref<64x32xf32, #tpu.memory_space<vmem>>, vector<1x32xf32>
    %get3A_1424 = vector.shape_cast %get3A_1423 : vector<1x32xf32> to vector<32xf32>
    %broadcast_in_dim3A_1425 = vector.shape_cast %get3A_1424 : vector<32xf32> to vector<1x32xf32>
    %add3A_1426 = vector.broadcast %broadcast_in_dim3A_1425 : vector<1x32xf32> to vector<256x32xf32>
    %add3A_1427 = arith.addf %add3A_1420, %add3A_1426 : vector<256x32xf32>
    %swap3A_1428 = arith.constant 0 : index
    %swap3A_1429 = arith.constant 45 : index
    %swap3A_1430 = arith.constant 0 : index
    %swap3A_1431 = arith.constant 0 : index
    %swap3A_1432 = vector.load %arg5[%swap3A_1428, %swap3A_1429, %swap3A_1430, %swap3A_1431] : memref<1x64x256x32xf32, #tpu.memory_space<vmem>>, vector<1x1x256x32xf32>
    %swap3A_1433 = vector.shape_cast %swap3A_1432 : vector<1x1x256x32xf32> to vector<256x32xf32>
    %swap3A_1434 = vector.shape_cast %add3A_1427 : vector<256x32xf32> to vector<1x1x256x32xf32>
    tpu.vector_store %arg5[%swap3A_1428, %swap3A_1429, %swap3A_1430, %swap3A_1431], %swap3A_1434 {strides = array<i32>} : memref<1x64x256x32xf32, #tpu.memory_space<vmem>>, vector<1x1x256x32xf32>,
    %slice3A_1435 = vector.extract_strided_slice %concatenate3A {offsets = [0, 316], sizes = [256, 128], strides = [1, 1]} : vector<256x1152xf32> to vector<256x128xf32>
    %get3A_1436 = arith.constant 46 : index
    %get3A_1437 = arith.constant 0 : index
    %get3A_1438 = arith.constant 0 : index
    %get3A_1439 = vector.load %arg3[%get3A_1436, %get3A_1437, %get3A_1438] : memref<64x256x32xf32, #tpu.memory_space<vmem>>, vector<1x128x32xf32>
    %get3A_1440 = vector.shape_cast %get3A_1439 : vector<1x128x32xf32> to vector<128x32xf32>
    %dot_general3A_1441 = arith.constant dense<0.000000e+00> : vector<256x32xf32>
    %dot_general3A_1442 = tpu.matmul %slice3A_1435, %get3A_1440, %dot_general3A_1441 {dimension_numbers = #tpu.dot_dimension_numbers<[1], [0], [0], [1], [0, 0, 1, 1], [], []>, transpose_lhs_hint = false} : vector<256x128xf32>, vector<128x32xf32>, vector<256x32xf32> -> vector<256x32xf32>
    %slice3A_1443 = vector.extract_strided_slice %concatenate3A_12 {offsets = [0, 316], sizes = [256, 128], strides = [1, 1]} : vector<256x1152xf32> to vector<256x128xf32>
    %get3A_1444 = arith.constant 46 : index
    %get3A_1445 = arith.constant 128 : index
    %get3A_1446 = arith.constant 0 : index
    %get3A_1447 = vector.load %arg3[%get3A_1444, %get3A_1445, %get3A_1446] : memref<64x256x32xf32, #tpu.memory_space<vmem>>, vector<1x128x32xf32>
    %get3A_1448 = vector.shape_cast %get3A_1447 : vector<1x128x32xf32> to vector<128x32xf32>
    %dot_general3A_1449 = arith.constant dense<0.000000e+00> : vector<256x32xf32>
    %dot_general3A_1450 = tpu.matmul %slice3A_1443, %get3A_1448, %dot_general3A_1449 {dimension_numbers = #tpu.dot_dimension_numbers<[1], [0], [0], [1], [0, 0, 1, 1], [], []>, transpose_lhs_hint = false} : vector<256x128xf32>, vector<128x32xf32>, vector<256x32xf32> -> vector<256x32xf32>
    %add3A_1451 = arith.addf %dot_general3A_1442, %dot_general3A_1450 : vector<256x32xf32>
    %get3A_1452 = arith.constant 46 : index
    %get3A_1453 = arith.constant 0 : index
    %get3A_1454 = vector.load %arg4[%get3A_1452, %get3A_1453] : memref<64x32xf32, #tpu.memory_space<vmem>>, vector<1x32xf32>
    %get3A_1455 = vector.shape_cast %get3A_1454 : vector<1x32xf32> to vector<32xf32>
    %broadcast_in_dim3A_1456 = vector.shape_cast %get3A_1455 : vector<32xf32> to vector<1x32xf32>
    %add3A_1457 = vector.broadcast %broadcast_in_dim3A_1456 : vector<1x32xf32> to vector<256x32xf32>
    %add3A_1458 = arith.addf %add3A_1451, %add3A_1457 : vector<256x32xf32>
    %swap3A_1459 = arith.constant 0 : index
    %swap3A_1460 = arith.constant 46 : index
    %swap3A_1461 = arith.constant 0 : index
    %swap3A_1462 = arith.constant 0 : index
    %swap3A_1463 = vector.load %arg5[%swap3A_1459, %swap3A_1460, %swap3A_1461, %swap3A_1462] : memref<1x64x256x32xf32, #tpu.memory_space<vmem>>, vector<1x1x256x32xf32>
    %swap3A_1464 = vector.shape_cast %swap3A_1463 : vector<1x1x256x32xf32> to vector<256x32xf32>
    %swap3A_1465 = vector.shape_cast %add3A_1458 : vector<256x32xf32> to vector<1x1x256x32xf32>
    tpu.vector_store %arg5[%swap3A_1459, %swap3A_1460, %swap3A_1461, %swap3A_1462], %swap3A_1465 {strides = array<i32>} : memref<1x64x256x32xf32, #tpu.memory_space<vmem>>, vector<1x1x256x32xf32>,
    %slice3A_1466 = vector.extract_strided_slice %concatenate3A {offsets = [0, 337], sizes = [256, 128], strides = [1, 1]} : vector<256x1152xf32> to vector<256x128xf32>
    %get3A_1467 = arith.constant 47 : index
    %get3A_1468 = arith.constant 0 : index
    %get3A_1469 = arith.constant 0 : index
    %get3A_1470 = vector.load %arg3[%get3A_1467, %get3A_1468, %get3A_1469] : memref<64x256x32xf32, #tpu.memory_space<vmem>>, vector<1x128x32xf32>
    %get3A_1471 = vector.shape_cast %get3A_1470 : vector<1x128x32xf32> to vector<128x32xf32>
    %dot_general3A_1472 = arith.constant dense<0.000000e+00> : vector<256x32xf32>
    %dot_general3A_1473 = tpu.matmul %slice3A_1466, %get3A_1471, %dot_general3A_1472 {dimension_numbers = #tpu.dot_dimension_numbers<[1], [0], [0], [1], [0, 0, 1, 1], [], []>, transpose_lhs_hint = false} : vector<256x128xf32>, vector<128x32xf32>, vector<256x32xf32> -> vector<256x32xf32>
    %slice3A_1474 = vector.extract_strided_slice %concatenate3A_12 {offsets = [0, 337], sizes = [256, 128], strides = [1, 1]} : vector<256x1152xf32> to vector<256x128xf32>
    %get3A_1475 = arith.constant 47 : index
    %get3A_1476 = arith.constant 128 : index
    %get3A_1477 = arith.constant 0 : index
    %get3A_1478 = vector.load %arg3[%get3A_1475, %get3A_1476, %get3A_1477] : memref<64x256x32xf32, #tpu.memory_space<vmem>>, vector<1x128x32xf32>
    %get3A_1479 = vector.shape_cast %get3A_1478 : vector<1x128x32xf32> to vector<128x32xf32>
    %dot_general3A_1480 = arith.constant dense<0.000000e+00> : vector<256x32xf32>
    %dot_general3A_1481 = tpu.matmul %slice3A_1474, %get3A_1479, %dot_general3A_1480 {dimension_numbers = #tpu.dot_dimension_numbers<[1], [0], [0], [1], [0, 0, 1, 1], [], []>, transpose_lhs_hint = false} : vector<256x128xf32>, vector<128x32xf32>, vector<256x32xf32> -> vector<256x32xf32>
    %add3A_1482 = arith.addf %dot_general3A_1473, %dot_general3A_1481 : vector<256x32xf32>
    %get3A_1483 = arith.constant 47 : index
    %get3A_1484 = arith.constant 0 : index
    %get3A_1485 = vector.load %arg4[%get3A_1483, %get3A_1484] : memref<64x32xf32, #tpu.memory_space<vmem>>, vector<1x32xf32>
    %get3A_1486 = vector.shape_cast %get3A_1485 : vector<1x32xf32> to vector<32xf32>
    %broadcast_in_dim3A_1487 = vector.shape_cast %get3A_1486 : vector<32xf32> to vector<1x32xf32>
    %add3A_1488 = vector.broadcast %broadcast_in_dim3A_1487 : vector<1x32xf32> to vector<256x32xf32>
    %add3A_1489 = arith.addf %add3A_1482, %add3A_1488 : vector<256x32xf32>
    %swap3A_1490 = arith.constant 0 : index
    %swap3A_1491 = arith.constant 47 : index
    %swap3A_1492 = arith.constant 0 : index
    %swap3A_1493 = arith.constant 0 : index
    %swap3A_1494 = vector.load %arg5[%swap3A_1490, %swap3A_1491, %swap3A_1492, %swap3A_1493] : memref<1x64x256x32xf32, #tpu.memory_space<vmem>>, vector<1x1x256x32xf32>
    %swap3A_1495 = vector.shape_cast %swap3A_1494 : vector<1x1x256x32xf32> to vector<256x32xf32>
    %swap3A_1496 = vector.shape_cast %add3A_1489 : vector<256x32xf32> to vector<1x1x256x32xf32>
    tpu.vector_store %arg5[%swap3A_1490, %swap3A_1491, %swap3A_1492, %swap3A_1493], %swap3A_1496 {strides = array<i32>} : memref<1x64x256x32xf32, #tpu.memory_space<vmem>>, vector<1x1x256x32xf32>,
    %slice3A_1497 = vector.extract_strided_slice %concatenate3A {offsets = [0, 360], sizes = [256, 128], strides = [1, 1]} : vector<256x1152xf32> to vector<256x128xf32>
    %get3A_1498 = arith.constant 48 : index
    %get3A_1499 = arith.constant 0 : index
    %get3A_1500 = arith.constant 0 : index
    %get3A_1501 = vector.load %arg3[%get3A_1498, %get3A_1499, %get3A_1500] : memref<64x256x32xf32, #tpu.memory_space<vmem>>, vector<1x128x32xf32>
    %get3A_1502 = vector.shape_cast %get3A_1501 : vector<1x128x32xf32> to vector<128x32xf32>
    %dot_general3A_1503 = arith.constant dense<0.000000e+00> : vector<256x32xf32>
    %dot_general3A_1504 = tpu.matmul %slice3A_1497, %get3A_1502, %dot_general3A_1503 {dimension_numbers = #tpu.dot_dimension_numbers<[1], [0], [0], [1], [0, 0, 1, 1], [], []>, transpose_lhs_hint = false} : vector<256x128xf32>, vector<128x32xf32>, vector<256x32xf32> -> vector<256x32xf32>
    %slice3A_1505 = vector.extract_strided_slice %concatenate3A_12 {offsets = [0, 360], sizes = [256, 128], strides = [1, 1]} : vector<256x1152xf32> to vector<256x128xf32>
    %get3A_1506 = arith.constant 48 : index
    %get3A_1507 = arith.constant 128 : index
    %get3A_1508 = arith.constant 0 : index
    %get3A_1509 = vector.load %arg3[%get3A_1506, %get3A_1507, %get3A_1508] : memref<64x256x32xf32, #tpu.memory_space<vmem>>, vector<1x128x32xf32>
    %get3A_1510 = vector.shape_cast %get3A_1509 : vector<1x128x32xf32> to vector<128x32xf32>
    %dot_general3A_1511 = arith.constant dense<0.000000e+00> : vector<256x32xf32>
    %dot_general3A_1512 = tpu.matmul %slice3A_1505, %get3A_1510, %dot_general3A_1511 {dimension_numbers = #tpu.dot_dimension_numbers<[1], [0], [0], [1], [0, 0, 1, 1], [], []>, transpose_lhs_hint = false} : vector<256x128xf32>, vector<128x32xf32>, vector<256x32xf32> -> vector<256x32xf32>
    %add3A_1513 = arith.addf %dot_general3A_1504, %dot_general3A_1512 : vector<256x32xf32>
    %get3A_1514 = arith.constant 48 : index
    %get3A_1515 = arith.constant 0 : index
    %get3A_1516 = vector.load %arg4[%get3A_1514, %get3A_1515] : memref<64x32xf32, #tpu.memory_space<vmem>>, vector<1x32xf32>
    %get3A_1517 = vector.shape_cast %get3A_1516 : vector<1x32xf32> to vector<32xf32>
    %broadcast_in_dim3A_1518 = vector.shape_cast %get3A_1517 : vector<32xf32> to vector<1x32xf32>
    %add3A_1519 = vector.broadcast %broadcast_in_dim3A_1518 : vector<1x32xf32> to vector<256x32xf32>
    %add3A_1520 = arith.addf %add3A_1513, %add3A_1519 : vector<256x32xf32>
    %swap3A_1521 = arith.constant 0 : index
    %swap3A_1522 = arith.constant 48 : index
    %swap3A_1523 = arith.constant 0 : index
    %swap3A_1524 = arith.constant 0 : index
    %swap3A_1525 = vector.load %arg5[%swap3A_1521, %swap3A_1522, %swap3A_1523, %swap3A_1524] : memref<1x64x256x32xf32, #tpu.memory_space<vmem>>, vector<1x1x256x32xf32>
    %swap3A_1526 = vector.shape_cast %swap3A_1525 : vector<1x1x256x32xf32> to vector<256x32xf32>
    %swap3A_1527 = vector.shape_cast %add3A_1520 : vector<256x32xf32> to vector<1x1x256x32xf32>
    tpu.vector_store %arg5[%swap3A_1521, %swap3A_1522, %swap3A_1523, %swap3A_1524], %swap3A_1527 {strides = array<i32>} : memref<1x64x256x32xf32, #tpu.memory_space<vmem>>, vector<1x1x256x32xf32>,
    %slice3A_1528 = vector.extract_strided_slice %concatenate3A {offsets = [0, 384], sizes = [256, 128], strides = [1, 1]} : vector<256x1152xf32> to vector<256x128xf32>
    %get3A_1529 = arith.constant 49 : index
    %get3A_1530 = arith.constant 0 : index
    %get3A_1531 = arith.constant 0 : index
    %get3A_1532 = vector.load %arg3[%get3A_1529, %get3A_1530, %get3A_1531] : memref<64x256x32xf32, #tpu.memory_space<vmem>>, vector<1x128x32xf32>
    %get3A_1533 = vector.shape_cast %get3A_1532 : vector<1x128x32xf32> to vector<128x32xf32>
    %dot_general3A_1534 = arith.constant dense<0.000000e+00> : vector<256x32xf32>
    %dot_general3A_1535 = tpu.matmul %slice3A_1528, %get3A_1533, %dot_general3A_1534 {dimension_numbers = #tpu.dot_dimension_numbers<[1], [0], [0], [1], [0, 0, 1, 1], [], []>, transpose_lhs_hint = false} : vector<256x128xf32>, vector<128x32xf32>, vector<256x32xf32> -> vector<256x32xf32>
    %slice3A_1536 = vector.extract_strided_slice %concatenate3A_12 {offsets = [0, 384], sizes = [256, 128], strides = [1, 1]} : vector<256x1152xf32> to vector<256x128xf32>
    %get3A_1537 = arith.constant 49 : index
    %get3A_1538 = arith.constant 128 : index
    %get3A_1539 = arith.constant 0 : index
    %get3A_1540 = vector.load %arg3[%get3A_1537, %get3A_1538, %get3A_1539] : memref<64x256x32xf32, #tpu.memory_space<vmem>>, vector<1x128x32xf32>
    %get3A_1541 = vector.shape_cast %get3A_1540 : vector<1x128x32xf32> to vector<128x32xf32>
    %dot_general3A_1542 = arith.constant dense<0.000000e+00> : vector<256x32xf32>
    %dot_general3A_1543 = tpu.matmul %slice3A_1536, %get3A_1541, %dot_general3A_1542 {dimension_numbers = #tpu.dot_dimension_numbers<[1], [0], [0], [1], [0, 0, 1, 1], [], []>, transpose_lhs_hint = false} : vector<256x128xf32>, vector<128x32xf32>, vector<256x32xf32> -> vector<256x32xf32>
    %add3A_1544 = arith.addf %dot_general3A_1535, %dot_general3A_1543 : vector<256x32xf32>
    %get3A_1545 = arith.constant 49 : index
    %get3A_1546 = arith.constant 0 : index
    %get3A_1547 = vector.load %arg4[%get3A_1545, %get3A_1546] : memref<64x32xf32, #tpu.memory_space<vmem>>, vector<1x32xf32>
    %get3A_1548 = vector.shape_cast %get3A_1547 : vector<1x32xf32> to vector<32xf32>
    %broadcast_in_dim3A_1549 = vector.shape_cast %get3A_1548 : vector<32xf32> to vector<1x32xf32>
    %add3A_1550 = vector.broadcast %broadcast_in_dim3A_1549 : vector<1x32xf32> to vector<256x32xf32>
    %add3A_1551 = arith.addf %add3A_1544, %add3A_1550 : vector<256x32xf32>
    %swap3A_1552 = arith.constant 0 : index
    %swap3A_1553 = arith.constant 49 : index
    %swap3A_1554 = arith.constant 0 : index
    %swap3A_1555 = arith.constant 0 : index
    %swap3A_1556 = vector.load %arg5[%swap3A_1552, %swap3A_1553, %swap3A_1554, %swap3A_1555] : memref<1x64x256x32xf32, #tpu.memory_space<vmem>>, vector<1x1x256x32xf32>
    %swap3A_1557 = vector.shape_cast %swap3A_1556 : vector<1x1x256x32xf32> to vector<256x32xf32>
    %swap3A_1558 = vector.shape_cast %add3A_1551 : vector<256x32xf32> to vector<1x1x256x32xf32>
    tpu.vector_store %arg5[%swap3A_1552, %swap3A_1553, %swap3A_1554, %swap3A_1555], %swap3A_1558 {strides = array<i32>} : memref<1x64x256x32xf32, #tpu.memory_space<vmem>>, vector<1x1x256x32xf32>,
    %slice3A_1559 = vector.extract_strided_slice %concatenate3A {offsets = [0, 410], sizes = [256, 128], strides = [1, 1]} : vector<256x1152xf32> to vector<256x128xf32>
    %get3A_1560 = arith.constant 50 : index
    %get3A_1561 = arith.constant 0 : index
    %get3A_1562 = arith.constant 0 : index
    %get3A_1563 = vector.load %arg3[%get3A_1560, %get3A_1561, %get3A_1562] : memref<64x256x32xf32, #tpu.memory_space<vmem>>, vector<1x128x32xf32>
    %get3A_1564 = vector.shape_cast %get3A_1563 : vector<1x128x32xf32> to vector<128x32xf32>
    %dot_general3A_1565 = arith.constant dense<0.000000e+00> : vector<256x32xf32>
    %dot_general3A_1566 = tpu.matmul %slice3A_1559, %get3A_1564, %dot_general3A_1565 {dimension_numbers = #tpu.dot_dimension_numbers<[1], [0], [0], [1], [0, 0, 1, 1], [], []>, transpose_lhs_hint = false} : vector<256x128xf32>, vector<128x32xf32>, vector<256x32xf32> -> vector<256x32xf32>
    %slice3A_1567 = vector.extract_strided_slice %concatenate3A_12 {offsets = [0, 410], sizes = [256, 128], strides = [1, 1]} : vector<256x1152xf32> to vector<256x128xf32>
    %get3A_1568 = arith.constant 50 : index
    %get3A_1569 = arith.constant 128 : index
    %get3A_1570 = arith.constant 0 : index
    %get3A_1571 = vector.load %arg3[%get3A_1568, %get3A_1569, %get3A_1570] : memref<64x256x32xf32, #tpu.memory_space<vmem>>, vector<1x128x32xf32>
    %get3A_1572 = vector.shape_cast %get3A_1571 : vector<1x128x32xf32> to vector<128x32xf32>
    %dot_general3A_1573 = arith.constant dense<0.000000e+00> : vector<256x32xf32>
    %dot_general3A_1574 = tpu.matmul %slice3A_1567, %get3A_1572, %dot_general3A_1573 {dimension_numbers = #tpu.dot_dimension_numbers<[1], [0], [0], [1], [0, 0, 1, 1], [], []>, transpose_lhs_hint = false} : vector<256x128xf32>, vector<128x32xf32>, vector<256x32xf32> -> vector<256x32xf32>
    %add3A_1575 = arith.addf %dot_general3A_1566, %dot_general3A_1574 : vector<256x32xf32>
    %get3A_1576 = arith.constant 50 : index
    %get3A_1577 = arith.constant 0 : index
    %get3A_1578 = vector.load %arg4[%get3A_1576, %get3A_1577] : memref<64x32xf32, #tpu.memory_space<vmem>>, vector<1x32xf32>
    %get3A_1579 = vector.shape_cast %get3A_1578 : vector<1x32xf32> to vector<32xf32>
    %broadcast_in_dim3A_1580 = vector.shape_cast %get3A_1579 : vector<32xf32> to vector<1x32xf32>
    %add3A_1581 = vector.broadcast %broadcast_in_dim3A_1580 : vector<1x32xf32> to vector<256x32xf32>
    %add3A_1582 = arith.addf %add3A_1575, %add3A_1581 : vector<256x32xf32>
    %swap3A_1583 = arith.constant 0 : index
    %swap3A_1584 = arith.constant 50 : index
    %swap3A_1585 = arith.constant 0 : index
    %swap3A_1586 = arith.constant 0 : index
    %swap3A_1587 = vector.load %arg5[%swap3A_1583, %swap3A_1584, %swap3A_1585, %swap3A_1586] : memref<1x64x256x32xf32, #tpu.memory_space<vmem>>, vector<1x1x256x32xf32>
    %swap3A_1588 = vector.shape_cast %swap3A_1587 : vector<1x1x256x32xf32> to vector<256x32xf32>
    %swap3A_1589 = vector.shape_cast %add3A_1582 : vector<256x32xf32> to vector<1x1x256x32xf32>
    tpu.vector_store %arg5[%swap3A_1583, %swap3A_1584, %swap3A_1585, %swap3A_1586], %swap3A_1589 {strides = array<i32>} : memref<1x64x256x32xf32, #tpu.memory_space<vmem>>, vector<1x1x256x32xf32>,
    %slice3A_1590 = vector.extract_strided_slice %concatenate3A {offsets = [0, 438], sizes = [256, 128], strides = [1, 1]} : vector<256x1152xf32> to vector<256x128xf32>
    %get3A_1591 = arith.constant 51 : index
    %get3A_1592 = arith.constant 0 : index
    %get3A_1593 = arith.constant 0 : index
    %get3A_1594 = vector.load %arg3[%get3A_1591, %get3A_1592, %get3A_1593] : memref<64x256x32xf32, #tpu.memory_space<vmem>>, vector<1x128x32xf32>
    %get3A_1595 = vector.shape_cast %get3A_1594 : vector<1x128x32xf32> to vector<128x32xf32>
    %dot_general3A_1596 = arith.constant dense<0.000000e+00> : vector<256x32xf32>
    %dot_general3A_1597 = tpu.matmul %slice3A_1590, %get3A_1595, %dot_general3A_1596 {dimension_numbers = #tpu.dot_dimension_numbers<[1], [0], [0], [1], [0, 0, 1, 1], [], []>, transpose_lhs_hint = false} : vector<256x128xf32>, vector<128x32xf32>, vector<256x32xf32> -> vector<256x32xf32>
    %slice3A_1598 = vector.extract_strided_slice %concatenate3A_12 {offsets = [0, 438], sizes = [256, 128], strides = [1, 1]} : vector<256x1152xf32> to vector<256x128xf32>
    %get3A_1599 = arith.constant 51 : index
    %get3A_1600 = arith.constant 128 : index
    %get3A_1601 = arith.constant 0 : index
    %get3A_1602 = vector.load %arg3[%get3A_1599, %get3A_1600, %get3A_1601] : memref<64x256x32xf32, #tpu.memory_space<vmem>>, vector<1x128x32xf32>
    %get3A_1603 = vector.shape_cast %get3A_1602 : vector<1x128x32xf32> to vector<128x32xf32>
    %dot_general3A_1604 = arith.constant dense<0.000000e+00> : vector<256x32xf32>
    %dot_general3A_1605 = tpu.matmul %slice3A_1598, %get3A_1603, %dot_general3A_1604 {dimension_numbers = #tpu.dot_dimension_numbers<[1], [0], [0], [1], [0, 0, 1, 1], [], []>, transpose_lhs_hint = false} : vector<256x128xf32>, vector<128x32xf32>, vector<256x32xf32> -> vector<256x32xf32>
    %add3A_1606 = arith.addf %dot_general3A_1597, %dot_general3A_1605 : vector<256x32xf32>
    %get3A_1607 = arith.constant 51 : index
    %get3A_1608 = arith.constant 0 : index
    %get3A_1609 = vector.load %arg4[%get3A_1607, %get3A_1608] : memref<64x32xf32, #tpu.memory_space<vmem>>, vector<1x32xf32>
    %get3A_1610 = vector.shape_cast %get3A_1609 : vector<1x32xf32> to vector<32xf32>
    %broadcast_in_dim3A_1611 = vector.shape_cast %get3A_1610 : vector<32xf32> to vector<1x32xf32>
    %add3A_1612 = vector.broadcast %broadcast_in_dim3A_1611 : vector<1x32xf32> to vector<256x32xf32>
    %add3A_1613 = arith.addf %add3A_1606, %add3A_1612 : vector<256x32xf32>
    %swap3A_1614 = arith.constant 0 : index
    %swap3A_1615 = arith.constant 51 : index
    %swap3A_1616 = arith.constant 0 : index
    %swap3A_1617 = arith.constant 0 : index
    %swap3A_1618 = vector.load %arg5[%swap3A_1614, %swap3A_1615, %swap3A_1616, %swap3A_1617] : memref<1x64x256x32xf32, #tpu.memory_space<vmem>>, vector<1x1x256x32xf32>
    %swap3A_1619 = vector.shape_cast %swap3A_1618 : vector<1x1x256x32xf32> to vector<256x32xf32>
    %swap3A_1620 = vector.shape_cast %add3A_1613 : vector<256x32xf32> to vector<1x1x256x32xf32>
    tpu.vector_store %arg5[%swap3A_1614, %swap3A_1615, %swap3A_1616, %swap3A_1617], %swap3A_1620 {strides = array<i32>} : memref<1x64x256x32xf32, #tpu.memory_space<vmem>>, vector<1x1x256x32xf32>,
    %slice3A_1621 = vector.extract_strided_slice %concatenate3A {offsets = [0, 467], sizes = [256, 128], strides = [1, 1]} : vector<256x1152xf32> to vector<256x128xf32>
    %get3A_1622 = arith.constant 52 : index
    %get3A_1623 = arith.constant 0 : index
    %get3A_1624 = arith.constant 0 : index
    %get3A_1625 = vector.load %arg3[%get3A_1622, %get3A_1623, %get3A_1624] : memref<64x256x32xf32, #tpu.memory_space<vmem>>, vector<1x128x32xf32>
    %get3A_1626 = vector.shape_cast %get3A_1625 : vector<1x128x32xf32> to vector<128x32xf32>
    %dot_general3A_1627 = arith.constant dense<0.000000e+00> : vector<256x32xf32>
    %dot_general3A_1628 = tpu.matmul %slice3A_1621, %get3A_1626, %dot_general3A_1627 {dimension_numbers = #tpu.dot_dimension_numbers<[1], [0], [0], [1], [0, 0, 1, 1], [], []>, transpose_lhs_hint = false} : vector<256x128xf32>, vector<128x32xf32>, vector<256x32xf32> -> vector<256x32xf32>
    %slice3A_1629 = vector.extract_strided_slice %concatenate3A_12 {offsets = [0, 467], sizes = [256, 128], strides = [1, 1]} : vector<256x1152xf32> to vector<256x128xf32>
    %get3A_1630 = arith.constant 52 : index
    %get3A_1631 = arith.constant 128 : index
    %get3A_1632 = arith.constant 0 : index
    %get3A_1633 = vector.load %arg3[%get3A_1630, %get3A_1631, %get3A_1632] : memref<64x256x32xf32, #tpu.memory_space<vmem>>, vector<1x128x32xf32>
    %get3A_1634 = vector.shape_cast %get3A_1633 : vector<1x128x32xf32> to vector<128x32xf32>
    %dot_general3A_1635 = arith.constant dense<0.000000e+00> : vector<256x32xf32>
    %dot_general3A_1636 = tpu.matmul %slice3A_1629, %get3A_1634, %dot_general3A_1635 {dimension_numbers = #tpu.dot_dimension_numbers<[1], [0], [0], [1], [0, 0, 1, 1], [], []>, transpose_lhs_hint = false} : vector<256x128xf32>, vector<128x32xf32>, vector<256x32xf32> -> vector<256x32xf32>
    %add3A_1637 = arith.addf %dot_general3A_1628, %dot_general3A_1636 : vector<256x32xf32>
    %get3A_1638 = arith.constant 52 : index
    %get3A_1639 = arith.constant 0 : index
    %get3A_1640 = vector.load %arg4[%get3A_1638, %get3A_1639] : memref<64x32xf32, #tpu.memory_space<vmem>>, vector<1x32xf32>
    %get3A_1641 = vector.shape_cast %get3A_1640 : vector<1x32xf32> to vector<32xf32>
    %broadcast_in_dim3A_1642 = vector.shape_cast %get3A_1641 : vector<32xf32> to vector<1x32xf32>
    %add3A_1643 = vector.broadcast %broadcast_in_dim3A_1642 : vector<1x32xf32> to vector<256x32xf32>
    %add3A_1644 = arith.addf %add3A_1637, %add3A_1643 : vector<256x32xf32>
    %swap3A_1645 = arith.constant 0 : index
    %swap3A_1646 = arith.constant 52 : index
    %swap3A_1647 = arith.constant 0 : index
    %swap3A_1648 = arith.constant 0 : index
    %swap3A_1649 = vector.load %arg5[%swap3A_1645, %swap3A_1646, %swap3A_1647, %swap3A_1648] : memref<1x64x256x32xf32, #tpu.memory_space<vmem>>, vector<1x1x256x32xf32>
    %swap3A_1650 = vector.shape_cast %swap3A_1649 : vector<1x1x256x32xf32> to vector<256x32xf32>
    %swap3A_1651 = vector.shape_cast %add3A_1644 : vector<256x32xf32> to vector<1x1x256x32xf32>
    tpu.vector_store %arg5[%swap3A_1645, %swap3A_1646, %swap3A_1647, %swap3A_1648], %swap3A_1651 {strides = array<i32>} : memref<1x64x256x32xf32, #tpu.memory_space<vmem>>, vector<1x1x256x32xf32>,
    %slice3A_1652 = vector.extract_strided_slice %concatenate3A {offsets = [0, 499], sizes = [256, 128], strides = [1, 1]} : vector<256x1152xf32> to vector<256x128xf32>
    %get3A_1653 = arith.constant 53 : index
    %get3A_1654 = arith.constant 0 : index
    %get3A_1655 = arith.constant 0 : index
    %get3A_1656 = vector.load %arg3[%get3A_1653, %get3A_1654, %get3A_1655] : memref<64x256x32xf32, #tpu.memory_space<vmem>>, vector<1x128x32xf32>
    %get3A_1657 = vector.shape_cast %get3A_1656 : vector<1x128x32xf32> to vector<128x32xf32>
    %dot_general3A_1658 = arith.constant dense<0.000000e+00> : vector<256x32xf32>
    %dot_general3A_1659 = tpu.matmul %slice3A_1652, %get3A_1657, %dot_general3A_1658 {dimension_numbers = #tpu.dot_dimension_numbers<[1], [0], [0], [1], [0, 0, 1, 1], [], []>, transpose_lhs_hint = false} : vector<256x128xf32>, vector<128x32xf32>, vector<256x32xf32> -> vector<256x32xf32>
    %slice3A_1660 = vector.extract_strided_slice %concatenate3A_12 {offsets = [0, 499], sizes = [256, 128], strides = [1, 1]} : vector<256x1152xf32> to vector<256x128xf32>
    %get3A_1661 = arith.constant 53 : index
    %get3A_1662 = arith.constant 128 : index
    %get3A_1663 = arith.constant 0 : index
    %get3A_1664 = vector.load %arg3[%get3A_1661, %get3A_1662, %get3A_1663] : memref<64x256x32xf32, #tpu.memory_space<vmem>>, vector<1x128x32xf32>
    %get3A_1665 = vector.shape_cast %get3A_1664 : vector<1x128x32xf32> to vector<128x32xf32>
    %dot_general3A_1666 = arith.constant dense<0.000000e+00> : vector<256x32xf32>
    %dot_general3A_1667 = tpu.matmul %slice3A_1660, %get3A_1665, %dot_general3A_1666 {dimension_numbers = #tpu.dot_dimension_numbers<[1], [0], [0], [1], [0, 0, 1, 1], [], []>, transpose_lhs_hint = false} : vector<256x128xf32>, vector<128x32xf32>, vector<256x32xf32> -> vector<256x32xf32>
    %add3A_1668 = arith.addf %dot_general3A_1659, %dot_general3A_1667 : vector<256x32xf32>
    %get3A_1669 = arith.constant 53 : index
    %get3A_1670 = arith.constant 0 : index
    %get3A_1671 = vector.load %arg4[%get3A_1669, %get3A_1670] : memref<64x32xf32, #tpu.memory_space<vmem>>, vector<1x32xf32>
    %get3A_1672 = vector.shape_cast %get3A_1671 : vector<1x32xf32> to vector<32xf32>
    %broadcast_in_dim3A_1673 = vector.shape_cast %get3A_1672 : vector<32xf32> to vector<1x32xf32>
    %add3A_1674 = vector.broadcast %broadcast_in_dim3A_1673 : vector<1x32xf32> to vector<256x32xf32>
    %add3A_1675 = arith.addf %add3A_1668, %add3A_1674 : vector<256x32xf32>
    %swap3A_1676 = arith.constant 0 : index
    %swap3A_1677 = arith.constant 53 : index
    %swap3A_1678 = arith.constant 0 : index
    %swap3A_1679 = arith.constant 0 : index
    %swap3A_1680 = vector.load %arg5[%swap3A_1676, %swap3A_1677, %swap3A_1678, %swap3A_1679] : memref<1x64x256x32xf32, #tpu.memory_space<vmem>>, vector<1x1x256x32xf32>
    %swap3A_1681 = vector.shape_cast %swap3A_1680 : vector<1x1x256x32xf32> to vector<256x32xf32>
    %swap3A_1682 = vector.shape_cast %add3A_1675 : vector<256x32xf32> to vector<1x1x256x32xf32>
    tpu.vector_store %arg5[%swap3A_1676, %swap3A_1677, %swap3A_1678, %swap3A_1679], %swap3A_1682 {strides = array<i32>} : memref<1x64x256x32xf32, #tpu.memory_space<vmem>>, vector<1x1x256x32xf32>,
    %slice3A_1683 = vector.extract_strided_slice %concatenate3A {offsets = [0, 533], sizes = [256, 128], strides = [1, 1]} : vector<256x1152xf32> to vector<256x128xf32>
    %get3A_1684 = arith.constant 54 : index
    %get3A_1685 = arith.constant 0 : index
    %get3A_1686 = arith.constant 0 : index
    %get3A_1687 = vector.load %arg3[%get3A_1684, %get3A_1685, %get3A_1686] : memref<64x256x32xf32, #tpu.memory_space<vmem>>, vector<1x128x32xf32>
    %get3A_1688 = vector.shape_cast %get3A_1687 : vector<1x128x32xf32> to vector<128x32xf32>
    %dot_general3A_1689 = arith.constant dense<0.000000e+00> : vector<256x32xf32>
    %dot_general3A_1690 = tpu.matmul %slice3A_1683, %get3A_1688, %dot_general3A_1689 {dimension_numbers = #tpu.dot_dimension_numbers<[1], [0], [0], [1], [0, 0, 1, 1], [], []>, transpose_lhs_hint = false} : vector<256x128xf32>, vector<128x32xf32>, vector<256x32xf32> -> vector<256x32xf32>
    %slice3A_1691 = vector.extract_strided_slice %concatenate3A_12 {offsets = [0, 533], sizes = [256, 128], strides = [1, 1]} : vector<256x1152xf32> to vector<256x128xf32>
    %get3A_1692 = arith.constant 54 : index
    %get3A_1693 = arith.constant 128 : index
    %get3A_1694 = arith.constant 0 : index
    %get3A_1695 = vector.load %arg3[%get3A_1692, %get3A_1693, %get3A_1694] : memref<64x256x32xf32, #tpu.memory_space<vmem>>, vector<1x128x32xf32>
    %get3A_1696 = vector.shape_cast %get3A_1695 : vector<1x128x32xf32> to vector<128x32xf32>
    %dot_general3A_1697 = arith.constant dense<0.000000e+00> : vector<256x32xf32>
    %dot_general3A_1698 = tpu.matmul %slice3A_1691, %get3A_1696, %dot_general3A_1697 {dimension_numbers = #tpu.dot_dimension_numbers<[1], [0], [0], [1], [0, 0, 1, 1], [], []>, transpose_lhs_hint = false} : vector<256x128xf32>, vector<128x32xf32>, vector<256x32xf32> -> vector<256x32xf32>
    %add3A_1699 = arith.addf %dot_general3A_1690, %dot_general3A_1698 : vector<256x32xf32>
    %get3A_1700 = arith.constant 54 : index
    %get3A_1701 = arith.constant 0 : index
    %get3A_1702 = vector.load %arg4[%get3A_1700, %get3A_1701] : memref<64x32xf32, #tpu.memory_space<vmem>>, vector<1x32xf32>
    %get3A_1703 = vector.shape_cast %get3A_1702 : vector<1x32xf32> to vector<32xf32>
    %broadcast_in_dim3A_1704 = vector.shape_cast %get3A_1703 : vector<32xf32> to vector<1x32xf32>
    %add3A_1705 = vector.broadcast %broadcast_in_dim3A_1704 : vector<1x32xf32> to vector<256x32xf32>
    %add3A_1706 = arith.addf %add3A_1699, %add3A_1705 : vector<256x32xf32>
    %swap3A_1707 = arith.constant 0 : index
    %swap3A_1708 = arith.constant 54 : index
    %swap3A_1709 = arith.constant 0 : index
    %swap3A_1710 = arith.constant 0 : index
    %swap3A_1711 = vector.load %arg5[%swap3A_1707, %swap3A_1708, %swap3A_1709, %swap3A_1710] : memref<1x64x256x32xf32, #tpu.memory_space<vmem>>, vector<1x1x256x32xf32>
    %swap3A_1712 = vector.shape_cast %swap3A_1711 : vector<1x1x256x32xf32> to vector<256x32xf32>
    %swap3A_1713 = vector.shape_cast %add3A_1706 : vector<256x32xf32> to vector<1x1x256x32xf32>
    tpu.vector_store %arg5[%swap3A_1707, %swap3A_1708, %swap3A_1709, %swap3A_1710], %swap3A_1713 {strides = array<i32>} : memref<1x64x256x32xf32, #tpu.memory_space<vmem>>, vector<1x1x256x32xf32>,
    %slice3A_1714 = vector.extract_strided_slice %concatenate3A {offsets = [0, 569], sizes = [256, 128], strides = [1, 1]} : vector<256x1152xf32> to vector<256x128xf32>
    %get3A_1715 = arith.constant 55 : index
    %get3A_1716 = arith.constant 0 : index
    %get3A_1717 = arith.constant 0 : index
    %get3A_1718 = vector.load %arg3[%get3A_1715, %get3A_1716, %get3A_1717] : memref<64x256x32xf32, #tpu.memory_space<vmem>>, vector<1x128x32xf32>
    %get3A_1719 = vector.shape_cast %get3A_1718 : vector<1x128x32xf32> to vector<128x32xf32>
    %dot_general3A_1720 = arith.constant dense<0.000000e+00> : vector<256x32xf32>
    %dot_general3A_1721 = tpu.matmul %slice3A_1714, %get3A_1719, %dot_general3A_1720 {dimension_numbers = #tpu.dot_dimension_numbers<[1], [0], [0], [1], [0, 0, 1, 1], [], []>, transpose_lhs_hint = false} : vector<256x128xf32>, vector<128x32xf32>, vector<256x32xf32> -> vector<256x32xf32>
    %slice3A_1722 = vector.extract_strided_slice %concatenate3A_12 {offsets = [0, 569], sizes = [256, 128], strides = [1, 1]} : vector<256x1152xf32> to vector<256x128xf32>
    %get3A_1723 = arith.constant 55 : index
    %get3A_1724 = arith.constant 128 : index
    %get3A_1725 = arith.constant 0 : index
    %get3A_1726 = vector.load %arg3[%get3A_1723, %get3A_1724, %get3A_1725] : memref<64x256x32xf32, #tpu.memory_space<vmem>>, vector<1x128x32xf32>
    %get3A_1727 = vector.shape_cast %get3A_1726 : vector<1x128x32xf32> to vector<128x32xf32>
    %dot_general3A_1728 = arith.constant dense<0.000000e+00> : vector<256x32xf32>
    %dot_general3A_1729 = tpu.matmul %slice3A_1722, %get3A_1727, %dot_general3A_1728 {dimension_numbers = #tpu.dot_dimension_numbers<[1], [0], [0], [1], [0, 0, 1, 1], [], []>, transpose_lhs_hint = false} : vector<256x128xf32>, vector<128x32xf32>, vector<256x32xf32> -> vector<256x32xf32>
    %add3A_1730 = arith.addf %dot_general3A_1721, %dot_general3A_1729 : vector<256x32xf32>
    %get3A_1731 = arith.constant 55 : index
    %get3A_1732 = arith.constant 0 : index
    %get3A_1733 = vector.load %arg4[%get3A_1731, %get3A_1732] : memref<64x32xf32, #tpu.memory_space<vmem>>, vector<1x32xf32>
    %get3A_1734 = vector.shape_cast %get3A_1733 : vector<1x32xf32> to vector<32xf32>
    %broadcast_in_dim3A_1735 = vector.shape_cast %get3A_1734 : vector<32xf32> to vector<1x32xf32>
    %add3A_1736 = vector.broadcast %broadcast_in_dim3A_1735 : vector<1x32xf32> to vector<256x32xf32>
    %add3A_1737 = arith.addf %add3A_1730, %add3A_1736 : vector<256x32xf32>
    %swap3A_1738 = arith.constant 0 : index
    %swap3A_1739 = arith.constant 55 : index
    %swap3A_1740 = arith.constant 0 : index
    %swap3A_1741 = arith.constant 0 : index
    %swap3A_1742 = vector.load %arg5[%swap3A_1738, %swap3A_1739, %swap3A_1740, %swap3A_1741] : memref<1x64x256x32xf32, #tpu.memory_space<vmem>>, vector<1x1x256x32xf32>
    %swap3A_1743 = vector.shape_cast %swap3A_1742 : vector<1x1x256x32xf32> to vector<256x32xf32>
    %swap3A_1744 = vector.shape_cast %add3A_1737 : vector<256x32xf32> to vector<1x1x256x32xf32>
    tpu.vector_store %arg5[%swap3A_1738, %swap3A_1739, %swap3A_1740, %swap3A_1741], %swap3A_1744 {strides = array<i32>} : memref<1x64x256x32xf32, #tpu.memory_space<vmem>>, vector<1x1x256x32xf32>,
    %slice3A_1745 = vector.extract_strided_slice %concatenate3A {offsets = [0, 607], sizes = [256, 128], strides = [1, 1]} : vector<256x1152xf32> to vector<256x128xf32>
    %get3A_1746 = arith.constant 56 : index
    %get3A_1747 = arith.constant 0 : index
    %get3A_1748 = arith.constant 0 : index
    %get3A_1749 = vector.load %arg3[%get3A_1746, %get3A_1747, %get3A_1748] : memref<64x256x32xf32, #tpu.memory_space<vmem>>, vector<1x128x32xf32>
    %get3A_1750 = vector.shape_cast %get3A_1749 : vector<1x128x32xf32> to vector<128x32xf32>
    %dot_general3A_1751 = arith.constant dense<0.000000e+00> : vector<256x32xf32>
    %dot_general3A_1752 = tpu.matmul %slice3A_1745, %get3A_1750, %dot_general3A_1751 {dimension_numbers = #tpu.dot_dimension_numbers<[1], [0], [0], [1], [0, 0, 1, 1], [], []>, transpose_lhs_hint = false} : vector<256x128xf32>, vector<128x32xf32>, vector<256x32xf32> -> vector<256x32xf32>
    %slice3A_1753 = vector.extract_strided_slice %concatenate3A_12 {offsets = [0, 607], sizes = [256, 128], strides = [1, 1]} : vector<256x1152xf32> to vector<256x128xf32>
    %get3A_1754 = arith.constant 56 : index
    %get3A_1755 = arith.constant 128 : index
    %get3A_1756 = arith.constant 0 : index
    %get3A_1757 = vector.load %arg3[%get3A_1754, %get3A_1755, %get3A_1756] : memref<64x256x32xf32, #tpu.memory_space<vmem>>, vector<1x128x32xf32>
    %get3A_1758 = vector.shape_cast %get3A_1757 : vector<1x128x32xf32> to vector<128x32xf32>
    %dot_general3A_1759 = arith.constant dense<0.000000e+00> : vector<256x32xf32>
    %dot_general3A_1760 = tpu.matmul %slice3A_1753, %get3A_1758, %dot_general3A_1759 {dimension_numbers = #tpu.dot_dimension_numbers<[1], [0], [0], [1], [0, 0, 1, 1], [], []>, transpose_lhs_hint = false} : vector<256x128xf32>, vector<128x32xf32>, vector<256x32xf32> -> vector<256x32xf32>
    %add3A_1761 = arith.addf %dot_general3A_1752, %dot_general3A_1760 : vector<256x32xf32>
    %get3A_1762 = arith.constant 56 : index
    %get3A_1763 = arith.constant 0 : index
    %get3A_1764 = vector.load %arg4[%get3A_1762, %get3A_1763] : memref<64x32xf32, #tpu.memory_space<vmem>>, vector<1x32xf32>
    %get3A_1765 = vector.shape_cast %get3A_1764 : vector<1x32xf32> to vector<32xf32>
    %broadcast_in_dim3A_1766 = vector.shape_cast %get3A_1765 : vector<32xf32> to vector<1x32xf32>
    %add3A_1767 = vector.broadcast %broadcast_in_dim3A_1766 : vector<1x32xf32> to vector<256x32xf32>
    %add3A_1768 = arith.addf %add3A_1761, %add3A_1767 : vector<256x32xf32>
    %swap3A_1769 = arith.constant 0 : index
    %swap3A_1770 = arith.constant 56 : index
    %swap3A_1771 = arith.constant 0 : index
    %swap3A_1772 = arith.constant 0 : index
    %swap3A_1773 = vector.load %arg5[%swap3A_1769, %swap3A_1770, %swap3A_1771, %swap3A_1772] : memref<1x64x256x32xf32, #tpu.memory_space<vmem>>, vector<1x1x256x32xf32>
    %swap3A_1774 = vector.shape_cast %swap3A_1773 : vector<1x1x256x32xf32> to vector<256x32xf32>
    %swap3A_1775 = vector.shape_cast %add3A_1768 : vector<256x32xf32> to vector<1x1x256x32xf32>
    tpu.vector_store %arg5[%swap3A_1769, %swap3A_1770, %swap3A_1771, %swap3A_1772], %swap3A_1775 {strides = array<i32>} : memref<1x64x256x32xf32, #tpu.memory_space<vmem>>, vector<1x1x256x32xf32>,
    %slice3A_1776 = vector.extract_strided_slice %concatenate3A {offsets = [0, 648], sizes = [256, 128], strides = [1, 1]} : vector<256x1152xf32> to vector<256x128xf32>
    %get3A_1777 = arith.constant 57 : index
    %get3A_1778 = arith.constant 0 : index
    %get3A_1779 = arith.constant 0 : index
    %get3A_1780 = vector.load %arg3[%get3A_1777, %get3A_1778, %get3A_1779] : memref<64x256x32xf32, #tpu.memory_space<vmem>>, vector<1x128x32xf32>
    %get3A_1781 = vector.shape_cast %get3A_1780 : vector<1x128x32xf32> to vector<128x32xf32>
    %dot_general3A_1782 = arith.constant dense<0.000000e+00> : vector<256x32xf32>
    %dot_general3A_1783 = tpu.matmul %slice3A_1776, %get3A_1781, %dot_general3A_1782 {dimension_numbers = #tpu.dot_dimension_numbers<[1], [0], [0], [1], [0, 0, 1, 1], [], []>, transpose_lhs_hint = false} : vector<256x128xf32>, vector<128x32xf32>, vector<256x32xf32> -> vector<256x32xf32>
    %slice3A_1784 = vector.extract_strided_slice %concatenate3A_12 {offsets = [0, 648], sizes = [256, 128], strides = [1, 1]} : vector<256x1152xf32> to vector<256x128xf32>
    %get3A_1785 = arith.constant 57 : index
    %get3A_1786 = arith.constant 128 : index
    %get3A_1787 = arith.constant 0 : index
    %get3A_1788 = vector.load %arg3[%get3A_1785, %get3A_1786, %get3A_1787] : memref<64x256x32xf32, #tpu.memory_space<vmem>>, vector<1x128x32xf32>
    %get3A_1789 = vector.shape_cast %get3A_1788 : vector<1x128x32xf32> to vector<128x32xf32>
    %dot_general3A_1790 = arith.constant dense<0.000000e+00> : vector<256x32xf32>
    %dot_general3A_1791 = tpu.matmul %slice3A_1784, %get3A_1789, %dot_general3A_1790 {dimension_numbers = #tpu.dot_dimension_numbers<[1], [0], [0], [1], [0, 0, 1, 1], [], []>, transpose_lhs_hint = false} : vector<256x128xf32>, vector<128x32xf32>, vector<256x32xf32> -> vector<256x32xf32>
    %add3A_1792 = arith.addf %dot_general3A_1783, %dot_general3A_1791 : vector<256x32xf32>
    %get3A_1793 = arith.constant 57 : index
    %get3A_1794 = arith.constant 0 : index
    %get3A_1795 = vector.load %arg4[%get3A_1793, %get3A_1794] : memref<64x32xf32, #tpu.memory_space<vmem>>, vector<1x32xf32>
    %get3A_1796 = vector.shape_cast %get3A_1795 : vector<1x32xf32> to vector<32xf32>
    %broadcast_in_dim3A_1797 = vector.shape_cast %get3A_1796 : vector<32xf32> to vector<1x32xf32>
    %add3A_1798 = vector.broadcast %broadcast_in_dim3A_1797 : vector<1x32xf32> to vector<256x32xf32>
    %add3A_1799 = arith.addf %add3A_1792, %add3A_1798 : vector<256x32xf32>
    %swap3A_1800 = arith.constant 0 : index
    %swap3A_1801 = arith.constant 57 : index
    %swap3A_1802 = arith.constant 0 : index
    %swap3A_1803 = arith.constant 0 : index
    %swap3A_1804 = vector.load %arg5[%swap3A_1800, %swap3A_1801, %swap3A_1802, %swap3A_1803] : memref<1x64x256x32xf32, #tpu.memory_space<vmem>>, vector<1x1x256x32xf32>
    %swap3A_1805 = vector.shape_cast %swap3A_1804 : vector<1x1x256x32xf32> to vector<256x32xf32>
    %swap3A_1806 = vector.shape_cast %add3A_1799 : vector<256x32xf32> to vector<1x1x256x32xf32>
    tpu.vector_store %arg5[%swap3A_1800, %swap3A_1801, %swap3A_1802, %swap3A_1803], %swap3A_1806 {strides = array<i32>} : memref<1x64x256x32xf32, #tpu.memory_space<vmem>>, vector<1x1x256x32xf32>,
    %slice3A_1807 = vector.extract_strided_slice %concatenate3A {offsets = [0, 692], sizes = [256, 128], strides = [1, 1]} : vector<256x1152xf32> to vector<256x128xf32>
    %get3A_1808 = arith.constant 58 : index
    %get3A_1809 = arith.constant 0 : index
    %get3A_1810 = arith.constant 0 : index
    %get3A_1811 = vector.load %arg3[%get3A_1808, %get3A_1809, %get3A_1810] : memref<64x256x32xf32, #tpu.memory_space<vmem>>, vector<1x128x32xf32>
    %get3A_1812 = vector.shape_cast %get3A_1811 : vector<1x128x32xf32> to vector<128x32xf32>
    %dot_general3A_1813 = arith.constant dense<0.000000e+00> : vector<256x32xf32>
    %dot_general3A_1814 = tpu.matmul %slice3A_1807, %get3A_1812, %dot_general3A_1813 {dimension_numbers = #tpu.dot_dimension_numbers<[1], [0], [0], [1], [0, 0, 1, 1], [], []>, transpose_lhs_hint = false} : vector<256x128xf32>, vector<128x32xf32>, vector<256x32xf32> -> vector<256x32xf32>
    %slice3A_1815 = vector.extract_strided_slice %concatenate3A_12 {offsets = [0, 692], sizes = [256, 128], strides = [1, 1]} : vector<256x1152xf32> to vector<256x128xf32>
    %get3A_1816 = arith.constant 58 : index
    %get3A_1817 = arith.constant 128 : index
    %get3A_1818 = arith.constant 0 : index
    %get3A_1819 = vector.load %arg3[%get3A_1816, %get3A_1817, %get3A_1818] : memref<64x256x32xf32, #tpu.memory_space<vmem>>, vector<1x128x32xf32>
    %get3A_1820 = vector.shape_cast %get3A_1819 : vector<1x128x32xf32> to vector<128x32xf32>
    %dot_general3A_1821 = arith.constant dense<0.000000e+00> : vector<256x32xf32>
    %dot_general3A_1822 = tpu.matmul %slice3A_1815, %get3A_1820, %dot_general3A_1821 {dimension_numbers = #tpu.dot_dimension_numbers<[1], [0], [0], [1], [0, 0, 1, 1], [], []>, transpose_lhs_hint = false} : vector<256x128xf32>, vector<128x32xf32>, vector<256x32xf32> -> vector<256x32xf32>
    %add3A_1823 = arith.addf %dot_general3A_1814, %dot_general3A_1822 : vector<256x32xf32>
    %get3A_1824 = arith.constant 58 : index
    %get3A_1825 = arith.constant 0 : index
    %get3A_1826 = vector.load %arg4[%get3A_1824, %get3A_1825] : memref<64x32xf32, #tpu.memory_space<vmem>>, vector<1x32xf32>
    %get3A_1827 = vector.shape_cast %get3A_1826 : vector<1x32xf32> to vector<32xf32>
    %broadcast_in_dim3A_1828 = vector.shape_cast %get3A_1827 : vector<32xf32> to vector<1x32xf32>
    %add3A_1829 = vector.broadcast %broadcast_in_dim3A_1828 : vector<1x32xf32> to vector<256x32xf32>
    %add3A_1830 = arith.addf %add3A_1823, %add3A_1829 : vector<256x32xf32>
    %swap3A_1831 = arith.constant 0 : index
    %swap3A_1832 = arith.constant 58 : index
    %swap3A_1833 = arith.constant 0 : index
    %swap3A_1834 = arith.constant 0 : index
    %swap3A_1835 = vector.load %arg5[%swap3A_1831, %swap3A_1832, %swap3A_1833, %swap3A_1834] : memref<1x64x256x32xf32, #tpu.memory_space<vmem>>, vector<1x1x256x32xf32>
    %swap3A_1836 = vector.shape_cast %swap3A_1835 : vector<1x1x256x32xf32> to vector<256x32xf32>
    %swap3A_1837 = vector.shape_cast %add3A_1830 : vector<256x32xf32> to vector<1x1x256x32xf32>
    tpu.vector_store %arg5[%swap3A_1831, %swap3A_1832, %swap3A_1833, %swap3A_1834], %swap3A_1837 {strides = array<i32>} : memref<1x64x256x32xf32, #tpu.memory_space<vmem>>, vector<1x1x256x32xf32>,
    %slice3A_1838 = vector.extract_strided_slice %concatenate3A {offsets = [0, 739], sizes = [256, 128], strides = [1, 1]} : vector<256x1152xf32> to vector<256x128xf32>
    %get3A_1839 = arith.constant 59 : index
    %get3A_1840 = arith.constant 0 : index
    %get3A_1841 = arith.constant 0 : index
    %get3A_1842 = vector.load %arg3[%get3A_1839, %get3A_1840, %get3A_1841] : memref<64x256x32xf32, #tpu.memory_space<vmem>>, vector<1x128x32xf32>
    %get3A_1843 = vector.shape_cast %get3A_1842 : vector<1x128x32xf32> to vector<128x32xf32>
    %dot_general3A_1844 = arith.constant dense<0.000000e+00> : vector<256x32xf32>
    %dot_general3A_1845 = tpu.matmul %slice3A_1838, %get3A_1843, %dot_general3A_1844 {dimension_numbers = #tpu.dot_dimension_numbers<[1], [0], [0], [1], [0, 0, 1, 1], [], []>, transpose_lhs_hint = false} : vector<256x128xf32>, vector<128x32xf32>, vector<256x32xf32> -> vector<256x32xf32>
    %slice3A_1846 = vector.extract_strided_slice %concatenate3A_12 {offsets = [0, 739], sizes = [256, 128], strides = [1, 1]} : vector<256x1152xf32> to vector<256x128xf32>
    %get3A_1847 = arith.constant 59 : index
    %get3A_1848 = arith.constant 128 : index
    %get3A_1849 = arith.constant 0 : index
    %get3A_1850 = vector.load %arg3[%get3A_1847, %get3A_1848, %get3A_1849] : memref<64x256x32xf32, #tpu.memory_space<vmem>>, vector<1x128x32xf32>
    %get3A_1851 = vector.shape_cast %get3A_1850 : vector<1x128x32xf32> to vector<128x32xf32>
    %dot_general3A_1852 = arith.constant dense<0.000000e+00> : vector<256x32xf32>
    %dot_general3A_1853 = tpu.matmul %slice3A_1846, %get3A_1851, %dot_general3A_1852 {dimension_numbers = #tpu.dot_dimension_numbers<[1], [0], [0], [1], [0, 0, 1, 1], [], []>, transpose_lhs_hint = false} : vector<256x128xf32>, vector<128x32xf32>, vector<256x32xf32> -> vector<256x32xf32>
    %add3A_1854 = arith.addf %dot_general3A_1845, %dot_general3A_1853 : vector<256x32xf32>
    %get3A_1855 = arith.constant 59 : index
    %get3A_1856 = arith.constant 0 : index
    %get3A_1857 = vector.load %arg4[%get3A_1855, %get3A_1856] : memref<64x32xf32, #tpu.memory_space<vmem>>, vector<1x32xf32>
    %get3A_1858 = vector.shape_cast %get3A_1857 : vector<1x32xf32> to vector<32xf32>
    %broadcast_in_dim3A_1859 = vector.shape_cast %get3A_1858 : vector<32xf32> to vector<1x32xf32>
    %add3A_1860 = vector.broadcast %broadcast_in_dim3A_1859 : vector<1x32xf32> to vector<256x32xf32>
    %add3A_1861 = arith.addf %add3A_1854, %add3A_1860 : vector<256x32xf32>
    %swap3A_1862 = arith.constant 0 : index
    %swap3A_1863 = arith.constant 59 : index
    %swap3A_1864 = arith.constant 0 : index
    %swap3A_1865 = arith.constant 0 : index
    %swap3A_1866 = vector.load %arg5[%swap3A_1862, %swap3A_1863, %swap3A_1864, %swap3A_1865] : memref<1x64x256x32xf32, #tpu.memory_space<vmem>>, vector<1x1x256x32xf32>
    %swap3A_1867 = vector.shape_cast %swap3A_1866 : vector<1x1x256x32xf32> to vector<256x32xf32>
    %swap3A_1868 = vector.shape_cast %add3A_1861 : vector<256x32xf32> to vector<1x1x256x32xf32>
    tpu.vector_store %arg5[%swap3A_1862, %swap3A_1863, %swap3A_1864, %swap3A_1865], %swap3A_1868 {strides = array<i32>} : memref<1x64x256x32xf32, #tpu.memory_space<vmem>>, vector<1x1x256x32xf32>,
    %slice3A_1869 = vector.extract_strided_slice %concatenate3A {offsets = [0, 789], sizes = [256, 128], strides = [1, 1]} : vector<256x1152xf32> to vector<256x128xf32>
    %get3A_1870 = arith.constant 60 : index
    %get3A_1871 = arith.constant 0 : index
    %get3A_1872 = arith.constant 0 : index
    %get3A_1873 = vector.load %arg3[%get3A_1870, %get3A_1871, %get3A_1872] : memref<64x256x32xf32, #tpu.memory_space<vmem>>, vector<1x128x32xf32>
    %get3A_1874 = vector.shape_cast %get3A_1873 : vector<1x128x32xf32> to vector<128x32xf32>
    %dot_general3A_1875 = arith.constant dense<0.000000e+00> : vector<256x32xf32>
    %dot_general3A_1876 = tpu.matmul %slice3A_1869, %get3A_1874, %dot_general3A_1875 {dimension_numbers = #tpu.dot_dimension_numbers<[1], [0], [0], [1], [0, 0, 1, 1], [], []>, transpose_lhs_hint = false} : vector<256x128xf32>, vector<128x32xf32>, vector<256x32xf32> -> vector<256x32xf32>
    %slice3A_1877 = vector.extract_strided_slice %concatenate3A_12 {offsets = [0, 789], sizes = [256, 128], strides = [1, 1]} : vector<256x1152xf32> to vector<256x128xf32>
    %get3A_1878 = arith.constant 60 : index
    %get3A_1879 = arith.constant 128 : index
    %get3A_1880 = arith.constant 0 : index
    %get3A_1881 = vector.load %arg3[%get3A_1878, %get3A_1879, %get3A_1880] : memref<64x256x32xf32, #tpu.memory_space<vmem>>, vector<1x128x32xf32>
    %get3A_1882 = vector.shape_cast %get3A_1881 : vector<1x128x32xf32> to vector<128x32xf32>
    %dot_general3A_1883 = arith.constant dense<0.000000e+00> : vector<256x32xf32>
    %dot_general3A_1884 = tpu.matmul %slice3A_1877, %get3A_1882, %dot_general3A_1883 {dimension_numbers = #tpu.dot_dimension_numbers<[1], [0], [0], [1], [0, 0, 1, 1], [], []>, transpose_lhs_hint = false} : vector<256x128xf32>, vector<128x32xf32>, vector<256x32xf32> -> vector<256x32xf32>
    %add3A_1885 = arith.addf %dot_general3A_1876, %dot_general3A_1884 : vector<256x32xf32>
    %get3A_1886 = arith.constant 60 : index
    %get3A_1887 = arith.constant 0 : index
    %get3A_1888 = vector.load %arg4[%get3A_1886, %get3A_1887] : memref<64x32xf32, #tpu.memory_space<vmem>>, vector<1x32xf32>
    %get3A_1889 = vector.shape_cast %get3A_1888 : vector<1x32xf32> to vector<32xf32>
    %broadcast_in_dim3A_1890 = vector.shape_cast %get3A_1889 : vector<32xf32> to vector<1x32xf32>
    %add3A_1891 = vector.broadcast %broadcast_in_dim3A_1890 : vector<1x32xf32> to vector<256x32xf32>
    %add3A_1892 = arith.addf %add3A_1885, %add3A_1891 : vector<256x32xf32>
    %swap3A_1893 = arith.constant 0 : index
    %swap3A_1894 = arith.constant 60 : index
    %swap3A_1895 = arith.constant 0 : index
    %swap3A_1896 = arith.constant 0 : index
    %swap3A_1897 = vector.load %arg5[%swap3A_1893, %swap3A_1894, %swap3A_1895, %swap3A_1896] : memref<1x64x256x32xf32, #tpu.memory_space<vmem>>, vector<1x1x256x32xf32>
    %swap3A_1898 = vector.shape_cast %swap3A_1897 : vector<1x1x256x32xf32> to vector<256x32xf32>
    %swap3A_1899 = vector.shape_cast %add3A_1892 : vector<256x32xf32> to vector<1x1x256x32xf32>
    tpu.vector_store %arg5[%swap3A_1893, %swap3A_1894, %swap3A_1895, %swap3A_1896], %swap3A_1899 {strides = array<i32>} : memref<1x64x256x32xf32, #tpu.memory_space<vmem>>, vector<1x1x256x32xf32>,
    %slice3A_1900 = vector.extract_strided_slice %concatenate3A {offsets = [0, 842], sizes = [256, 128], strides = [1, 1]} : vector<256x1152xf32> to vector<256x128xf32>
    %get3A_1901 = arith.constant 61 : index
    %get3A_1902 = arith.constant 0 : index
    %get3A_1903 = arith.constant 0 : index
    %get3A_1904 = vector.load %arg3[%get3A_1901, %get3A_1902, %get3A_1903] : memref<64x256x32xf32, #tpu.memory_space<vmem>>, vector<1x128x32xf32>
    %get3A_1905 = vector.shape_cast %get3A_1904 : vector<1x128x32xf32> to vector<128x32xf32>
    %dot_general3A_1906 = arith.constant dense<0.000000e+00> : vector<256x32xf32>
    %dot_general3A_1907 = tpu.matmul %slice3A_1900, %get3A_1905, %dot_general3A_1906 {dimension_numbers = #tpu.dot_dimension_numbers<[1], [0], [0], [1], [0, 0, 1, 1], [], []>, transpose_lhs_hint = false} : vector<256x128xf32>, vector<128x32xf32>, vector<256x32xf32> -> vector<256x32xf32>
    %slice3A_1908 = vector.extract_strided_slice %concatenate3A_12 {offsets = [0, 842], sizes = [256, 128], strides = [1, 1]} : vector<256x1152xf32> to vector<256x128xf32>
    %get3A_1909 = arith.constant 61 : index
    %get3A_1910 = arith.constant 128 : index
    %get3A_1911 = arith.constant 0 : index
    %get3A_1912 = vector.load %arg3[%get3A_1909, %get3A_1910, %get3A_1911] : memref<64x256x32xf32, #tpu.memory_space<vmem>>, vector<1x128x32xf32>
    %get3A_1913 = vector.shape_cast %get3A_1912 : vector<1x128x32xf32> to vector<128x32xf32>
    %dot_general3A_1914 = arith.constant dense<0.000000e+00> : vector<256x32xf32>
    %dot_general3A_1915 = tpu.matmul %slice3A_1908, %get3A_1913, %dot_general3A_1914 {dimension_numbers = #tpu.dot_dimension_numbers<[1], [0], [0], [1], [0, 0, 1, 1], [], []>, transpose_lhs_hint = false} : vector<256x128xf32>, vector<128x32xf32>, vector<256x32xf32> -> vector<256x32xf32>
    %add3A_1916 = arith.addf %dot_general3A_1907, %dot_general3A_1915 : vector<256x32xf32>
    %get3A_1917 = arith.constant 61 : index
    %get3A_1918 = arith.constant 0 : index
    %get3A_1919 = vector.load %arg4[%get3A_1917, %get3A_1918] : memref<64x32xf32, #tpu.memory_space<vmem>>, vector<1x32xf32>
    %get3A_1920 = vector.shape_cast %get3A_1919 : vector<1x32xf32> to vector<32xf32>
    %broadcast_in_dim3A_1921 = vector.shape_cast %get3A_1920 : vector<32xf32> to vector<1x32xf32>
    %add3A_1922 = vector.broadcast %broadcast_in_dim3A_1921 : vector<1x32xf32> to vector<256x32xf32>
    %add3A_1923 = arith.addf %add3A_1916, %add3A_1922 : vector<256x32xf32>
    %swap3A_1924 = arith.constant 0 : index
    %swap3A_1925 = arith.constant 61 : index
    %swap3A_1926 = arith.constant 0 : index
    %swap3A_1927 = arith.constant 0 : index
    %swap3A_1928 = vector.load %arg5[%swap3A_1924, %swap3A_1925, %swap3A_1926, %swap3A_1927] : memref<1x64x256x32xf32, #tpu.memory_space<vmem>>, vector<1x1x256x32xf32>
    %swap3A_1929 = vector.shape_cast %swap3A_1928 : vector<1x1x256x32xf32> to vector<256x32xf32>
    %swap3A_1930 = vector.shape_cast %add3A_1923 : vector<256x32xf32> to vector<1x1x256x32xf32>
    tpu.vector_store %arg5[%swap3A_1924, %swap3A_1925, %swap3A_1926, %swap3A_1927], %swap3A_1930 {strides = array<i32>} : memref<1x64x256x32xf32, #tpu.memory_space<vmem>>, vector<1x1x256x32xf32>,
    %slice3A_1931 = vector.extract_strided_slice %concatenate3A {offsets = [0, 899], sizes = [256, 128], strides = [1, 1]} : vector<256x1152xf32> to vector<256x128xf32>
    %get3A_1932 = arith.constant 62 : index
    %get3A_1933 = arith.constant 0 : index
    %get3A_1934 = arith.constant 0 : index
    %get3A_1935 = vector.load %arg3[%get3A_1932, %get3A_1933, %get3A_1934] : memref<64x256x32xf32, #tpu.memory_space<vmem>>, vector<1x128x32xf32>
    %get3A_1936 = vector.shape_cast %get3A_1935 : vector<1x128x32xf32> to vector<128x32xf32>
    %dot_general3A_1937 = arith.constant dense<0.000000e+00> : vector<256x32xf32>
    %dot_general3A_1938 = tpu.matmul %slice3A_1931, %get3A_1936, %dot_general3A_1937 {dimension_numbers = #tpu.dot_dimension_numbers<[1], [0], [0], [1], [0, 0, 1, 1], [], []>, transpose_lhs_hint = false} : vector<256x128xf32>, vector<128x32xf32>, vector<256x32xf32> -> vector<256x32xf32>
    %slice3A_1939 = vector.extract_strided_slice %concatenate3A_12 {offsets = [0, 899], sizes = [256, 128], strides = [1, 1]} : vector<256x1152xf32> to vector<256x128xf32>
    %get3A_1940 = arith.constant 62 : index
    %get3A_1941 = arith.constant 128 : index
    %get3A_1942 = arith.constant 0 : index
    %get3A_1943 = vector.load %arg3[%get3A_1940, %get3A_1941, %get3A_1942] : memref<64x256x32xf32, #tpu.memory_space<vmem>>, vector<1x128x32xf32>
    %get3A_1944 = vector.shape_cast %get3A_1943 : vector<1x128x32xf32> to vector<128x32xf32>
    %dot_general3A_1945 = arith.constant dense<0.000000e+00> : vector<256x32xf32>
    %dot_general3A_1946 = tpu.matmul %slice3A_1939, %get3A_1944, %dot_general3A_1945 {dimension_numbers = #tpu.dot_dimension_numbers<[1], [0], [0], [1], [0, 0, 1, 1], [], []>, transpose_lhs_hint = false} : vector<256x128xf32>, vector<128x32xf32>, vector<256x32xf32> -> vector<256x32xf32>
    %add3A_1947 = arith.addf %dot_general3A_1938, %dot_general3A_1946 : vector<256x32xf32>
    %get3A_1948 = arith.constant 62 : index
    %get3A_1949 = arith.constant 0 : index
    %get3A_1950 = vector.load %arg4[%get3A_1948, %get3A_1949] : memref<64x32xf32, #tpu.memory_space<vmem>>, vector<1x32xf32>
    %get3A_1951 = vector.shape_cast %get3A_1950 : vector<1x32xf32> to vector<32xf32>
    %broadcast_in_dim3A_1952 = vector.shape_cast %get3A_1951 : vector<32xf32> to vector<1x32xf32>
    %add3A_1953 = vector.broadcast %broadcast_in_dim3A_1952 : vector<1x32xf32> to vector<256x32xf32>
    %add3A_1954 = arith.addf %add3A_1947, %add3A_1953 : vector<256x32xf32>
    %swap3A_1955 = arith.constant 0 : index
    %swap3A_1956 = arith.constant 62 : index
    %swap3A_1957 = arith.constant 0 : index
    %swap3A_1958 = arith.constant 0 : index
    %swap3A_1959 = vector.load %arg5[%swap3A_1955, %swap3A_1956, %swap3A_1957, %swap3A_1958] : memref<1x64x256x32xf32, #tpu.memory_space<vmem>>, vector<1x1x256x32xf32>
    %swap3A_1960 = vector.shape_cast %swap3A_1959 : vector<1x1x256x32xf32> to vector<256x32xf32>
    %swap3A_1961 = vector.shape_cast %add3A_1954 : vector<256x32xf32> to vector<1x1x256x32xf32>
    tpu.vector_store %arg5[%swap3A_1955, %swap3A_1956, %swap3A_1957, %swap3A_1958], %swap3A_1961 {strides = array<i32>} : memref<1x64x256x32xf32, #tpu.memory_space<vmem>>, vector<1x1x256x32xf32>,
    %slice3A_1962 = vector.extract_strided_slice %concatenate3A {offsets = [0, 959], sizes = [256, 128], strides = [1, 1]} : vector<256x1152xf32> to vector<256x128xf32>
    %get3A_1963 = arith.constant 63 : index
    %get3A_1964 = arith.constant 0 : index
    %get3A_1965 = arith.constant 0 : index
    %get3A_1966 = vector.load %arg3[%get3A_1963, %get3A_1964, %get3A_1965] : memref<64x256x32xf32, #tpu.memory_space<vmem>>, vector<1x128x32xf32>
    %get3A_1967 = vector.shape_cast %get3A_1966 : vector<1x128x32xf32> to vector<128x32xf32>
    %dot_general3A_1968 = arith.constant dense<0.000000e+00> : vector<256x32xf32>
    %dot_general3A_1969 = tpu.matmul %slice3A_1962, %get3A_1967, %dot_general3A_1968 {dimension_numbers = #tpu.dot_dimension_numbers<[1], [0], [0], [1], [0, 0, 1, 1], [], []>, transpose_lhs_hint = false} : vector<256x128xf32>, vector<128x32xf32>, vector<256x32xf32> -> vector<256x32xf32>
    %slice3A_1970 = vector.extract_strided_slice %concatenate3A_12 {offsets = [0, 959], sizes = [256, 128], strides = [1, 1]} : vector<256x1152xf32> to vector<256x128xf32>
    %get3A_1971 = arith.constant 63 : index
    %get3A_1972 = arith.constant 128 : index
    %get3A_1973 = arith.constant 0 : index
    %get3A_1974 = vector.load %arg3[%get3A_1971, %get3A_1972, %get3A_1973] : memref<64x256x32xf32, #tpu.memory_space<vmem>>, vector<1x128x32xf32>
    %get3A_1975 = vector.shape_cast %get3A_1974 : vector<1x128x32xf32> to vector<128x32xf32>
    %dot_general3A_1976 = arith.constant dense<0.000000e+00> : vector<256x32xf32>
    %dot_general3A_1977 = tpu.matmul %slice3A_1970, %get3A_1975, %dot_general3A_1976 {dimension_numbers = #tpu.dot_dimension_numbers<[1], [0], [0], [1], [0, 0, 1, 1], [], []>, transpose_lhs_hint = false} : vector<256x128xf32>, vector<128x32xf32>, vector<256x32xf32> -> vector<256x32xf32>
    %add3A_1978 = arith.addf %dot_general3A_1969, %dot_general3A_1977 : vector<256x32xf32>
    %get3A_1979 = arith.constant 63 : index
    %get3A_1980 = arith.constant 0 : index
    %get3A_1981 = vector.load %arg4[%get3A_1979, %get3A_1980] : memref<64x32xf32, #tpu.memory_space<vmem>>, vector<1x32xf32>
    %get3A_1982 = vector.shape_cast %get3A_1981 : vector<1x32xf32> to vector<32xf32>
    %broadcast_in_dim3A_1983 = vector.shape_cast %get3A_1982 : vector<32xf32> to vector<1x32xf32>
    %add3A_1984 = vector.broadcast %broadcast_in_dim3A_1983 : vector<1x32xf32> to vector<256x32xf32>
    %add3A_1985 = arith.addf %add3A_1978, %add3A_1984 : vector<256x32xf32>
    %swap3A_1986 = arith.constant 0 : index
    %swap3A_1987 = arith.constant 63 : index
    %swap3A_1988 = arith.constant 0 : index
    %swap3A_1989 = arith.constant 0 : index
    %swap3A_1990 = vector.load %arg5[%swap3A_1986, %swap3A_1987, %swap3A_1988, %swap3A_1989] : memref<1x64x256x32xf32, #tpu.memory_space<vmem>>, vector<1x1x256x32xf32>
    %swap3A_1991 = vector.shape_cast %swap3A_1990 : vector<1x1x256x32xf32> to vector<256x32xf32>
    %swap3A_1992 = vector.shape_cast %add3A_1985 : vector<256x32xf32> to vector<1x1x256x32xf32>
    tpu.vector_store %arg5[%swap3A_1986, %swap3A_1987, %swap3A_1988, %swap3A_1989], %swap3A_1992 {strides = array<i32>} : memref<1x64x256x32xf32, #tpu.memory_space<vmem>>, vector<1x1x256x32xf32>,
    return
  }
  func.func @transform_0(%arg0: i32, %arg1: i32) -> (i32, i32, i32, i32) {
    %c0_i32 = arith.constant 0 : i32
    %c0_i32_0 = arith.constant 0 : i32
    %c0_i32_1 = arith.constant 0 : i32
    return %arg0, %c0_i32, %arg1, %c0_i32_0 : i32, i32, i32, i32
  }
  func.func @transform_1(%arg0: i32, %arg1: i32) -> (i32, i32, i32) {
    %c0_i32 = arith.constant 0 : i32
    %c0_i32_0 = arith.constant 0 : i32
    %c0_i32_1 = arith.constant 0 : i32
    %c0_i32_2 = arith.constant 0 : i32
    return %c0_i32, %c0_i32_0, %c0_i32_1 : i32, i32, i32
  }
  func.func @transform_2(%arg0: i32, %arg1: i32) -> (i32, i32) {
    %c0_i32 = arith.constant 0 : i32
    %c0_i32_0 = arith.constant 0 : i32
    %c0_i32_1 = arith.constant 0 : i32
    return %c0_i32, %c0_i32_0 : i32, i32
  }
  func.func @transform_3(%arg0: i32, %arg1: i32) -> (i32, i32, i32, i32) {
    %c0_i32 = arith.constant 0 : i32
    %c0_i32_0 = arith.constant 0 : i32
    %c0_i32_1 = arith.constant 0 : i32
    return %arg0, %c0_i32, %arg1, %c0_i32_0 : i32, i32, i32, i32
  }
}

</mosaic_0001>

<sc_bundles>
// kernel: sparse-core-data-format-call.cloned.1.call-start
scs
called_computation_lowered:
.L_overlay_start_0:
0x0: {  	s2 =	sld [smem:$0x3FD9]  }
0x1: {  	s3 =	sld [smem:$0x3FFE];
	_ =	sdelay $0x1  }
0x2: {  	s1 =	srdreg.scid  }
0x3: {  	s0 =	sand.u32 $0x1, s1  }
0x4: {  	s18 =	sshll.u32 s0, $0xA;
	s2 =	sadd.s32 s3, s2  }
0x5: {  	s2 =	sadd.s32 s2, s18  }
0x6: {  	[smem:$0x3F47] =	sst s2  }
0x7: {  	_ = 	snop  }
0x8: {  	s2 =	sld [smem:$0x3FD0];
	(tm) =	ssettm $0x1  }
0x9: {  	s19 =	sld [smem:$0x3FFB];
	_ =	sdelay $0x3  }
0xa: {  	_ =	strace s19  }
0xb: {  	s3 =	sld [smem:$0x3FFC];
	_ =	sdelay $0x3  }
0xc: {  	_ =	strace s3  }
0xd: {  	s3 =	sld [smem:$0x3FFD];
	_ =	sdelay $0x3  }
0xe: {  	_ =	strace s3  }
0xf: {  	_ =	strace $0x8FFFFFFF  }
0x10: {  	s20 =	sld [smem:$0x3FDB];
	_ =	sdelay $0x1  }
0x11: {  	s4 =	simm.s32 $_scs_section_size  }
0x12: {  	s5 =	simm.s32 $_size__tile_overlayer_lowered;
	s6 =	simm.s32 $_tile_overlayer_lowered  }
0x13: {  	s23 =	simm.s32 $0x1BFF;
	s22 =	sshll.u32 s6, $0x1;
	s3 =	sadd.s32 s4, s20  }
0x14: {  	s7 =	simm.s32 $0x0;
	s21 =	sshll.u32 s5, $0x1;
	s5 =	sadd.s32 s22, s3  }
0x15: {  	[timem:s7], [sflag:s23] =	dma.local [hbm:s5], s21  }
0x16: {  	_ =	swait.ge [sflag:s23], s21  }
0x17: {  	s4 =	ssub.s32 $0x0, s21;
	[sflag:s23] =	ssyncset.done $0x0  }
0x18: {  	[sflag:s23] =	ssyncadd.s32 s4;
	_ =	sdelay $0x1  }
0x19: {  	s24 =	simm.s32 $0x1B8B  }
0x1a: {  	_ =	swait.ge [sflag:s24], $0x1  }
0x1b: {  	[sflag:s24] =	ssyncset.done $0x0  }
0x1c: {  	s26 =	simm.s32 $0x1B8E;
	s25 =	sld [smem:$0x3FFE];
	[sflag:s24] =	ssyncadd.s32 $0xFFFFFFFF  }
0x1d: {  	s27 =	simm.s32 $execute0_lowered;
	[smem:$0x3FD2] =	sst s26  }
0x1e: {  	s5 =	sshll.u32 s27, $0x1;
	_ =	strace $0x80000046;
	[dreg:$0x1] =	wrdreg $0xFFFFFFFF  }
0x1f: {  	s28 =	simm.s32 $_size_execute0_lowered;
	s3 =	sadd.s32 s3, s5;
	[dreg:$0x0] =	wrdreg $0x0  }
0x20: {  	s5 =	sshll.u32 s28, $0x1;
	[dreg:$0x2] =	wrdreg s3  }
0x21: {  	[dreg:$0x3] =	wrdreg s5  }
0x22: {  	[dreg:$0x4] =	wrdreg $0xC0  }
0x23: {  	_ =	task [dreg:s7], $0x5FFFF  }
0x24: {  	[dreg:$0x1] =	wrdreg $0xFFFFFFFF  }
0x25: {  	[dreg:$0x0] =	wrdreg $0x60  }
0x26: {  	[dreg:$0x2] =	wrdreg s25  }
0x27: {  	[dreg:$0x3] =	wrdreg s2  }
0x28: {  	[dreg:$0x4] =	wrdreg $0x9  }
0x29: {  	_ =	task.clear_ibuf [dreg:s7], $0x5FFFF;
	_ =	strace $0x90000046  }
0x2a: {  	s29 =	simm.s32 $0x9;
	_ =	strace $0x80000048  }
0x2b: {  	_ =	swait.ge [sflag:s29], $0x1  }
0x2c: {  	[sflag:s29] =	ssyncadd.s32 $0xFFFFFFFF  }
0x2d: {  	_ =	strace $0x90000048  }
0x2e: {  	_ =	sfence  }
0x2f: {  	s30 =	sld [smem:$0x0];
	_ =	sdelay $0x2  }
0x30: {  	s31 =	sshll.u32 s1, $0xD;
	s1 =	sshrl.u32 s1, $0x2  }
0x31: {  	s3 =	sand.u32 $0x4000, s31;
	s1 =	sadd.s32 s1, s30  }
0x32: {  	s0 =	sor.u32 s3, s0;
	s1 =	sshll.u32 s1, $0x11  }
0x33: {  	s0 =	sor.u32 s1, s0  }
0x34: {  	s0 =	sadd.s32 $0x8F2B, s0  }
0x35: {  	[sflag:s0] =	ssyncadd.remote.s32 $0x1  }
0x36: {  	_ =	sfence.sel $0xFFFF  }
0x37: {  	[dreg:$0x0] =	wrdreg $0xFFFFFFFF;
	(pc) =	sbr.abs _section_cstart, $3  }
0x38: {  	[dreg:$0x1] =	wrdreg $0xFFFFFFFF  }
0x39: {  	_ =	task.clear_ibuf [dreg:s7], $0x2FFFF;
	_ =	strace $0x9FFFFFFF  }
0x3a: {  	(tm) =	ssettm $0x7FFFFFFF  }
0x3b: {  	_ =	shalt  }
tec
execute0_lowered:
.L_overlay_start_1:
0x0: {  	(tag) =	ssettag $0x1  }
0x1: {  	s1 =	srdreg.scid;
	s10 =	rddreg [dreg:$0x0]  }
0x2: {  	s0 =	stileid.u32;
	s2 =	rddreg [dreg:$0x1];
	s5 =	simm.s32 $0x1  }
0x3: {  	s8 =	simm.s32 $0x2;
	s17 =	simm.s32 $0x0;
	s1 =	sshll.u32 s1, $0x4  }
0x4: {  	s12 =	simm.s32 $0x10000;
	s19 =	simm.s32 $0x0;
	s1 =	sor.u32 s0, s1  }
0x5: {  	s18 =	simm.s32 $0x0;
	s13 =	simm.s32 $0x0;
	s3 =	sshrl.u32 s1, $0x1  }
0x6: {  	s1 =	rddreg [dreg:$0x2];
	_ =	strace $0x80000047;
	s3 =	sand.u32 $0xC, s3  }
0x7: {  	s16 =	simm.s32 $0x0;
	[sflag:s5] =	ssyncpa.u1 $0x0;
	s6 =	ssub.s32 $0x40, s3  }
0x8: {  	s4 =	sadd.s32 $0x24D200, s10;
	[sflag:s8] =	ssyncpa.u1 $0x0;
	s7 =	sand.u32 $0xC, s6  }
.Ltmp0:
0x9: {  	p0 =	sne.s32 s7, $0x0;
	s7 =	simm.s32 $0x1;
	(pc) =	sbr.rel .LBB1_1-.Ltmp0, $4  }
0xa: {  	s8 =	sadd.s32 $0x251200, s10;
	s9 =	sshrl.u32 s6, $0x4;
	s7 =	simm.s32 @!p0 $0x0  }
0xb: {  	s14 =	smov.u32 s3;
	s6 =	sand.u32 $0x7, s0;
	s7 =	sadd.s32 s7, s9  }
0xc: {  	s15 =	smov.u32 s6;
	p0 =	por $0x0, $0x0;
	s7 =	sshll.u32 s7, $0x3  }
0xd: {  	s9 =	sadd.s32 $0x255200, s10;
	s10 =	sadd.s32 $0x259200, s10;
	s11 =	sor.u32 $0x1, s7  }
.LBB1_7:
0xe: {  	s20 =	sadd.s32 $0x80, s13  }
0xf: {  	s17 =	sadd.s32 $0x10, s14;
	s21 =	smov.u32 s14;
	p2 =	sgt.s32 s20, $0x3FF  }
0x10: {  	s21 =	smov.u32 @p2 s17  }
0x11: {  	s23 =	smov.u32 s15;
	s17 =	sadd.s32 $0x8, s15;
	p3 =	sgt.s32 s21, $0x3F  }
0x12: {  	s23 =	smov.u32 @p3 s17  }
0x13: {  	s20 =	simm.s32 @p2 $0x0;
	p2 =	sgt.s32 s23, $0x7  }
0x14: {  	p1 =	slt.u32 s16, $0x2;
	s23 =	smov.u32 @p2 s6;
	p2 =	sne.s32 s16, s11  }
.Ltmp1:
0x15: {  	s22 =	simm.s32 @!p1 $0x2;
	(pc) =	sbr.rel @!p2 .LBB1_8-.Ltmp1, $4  }
0x16: {  	s19 =	smov.u32 s14;
	s18 =	smov.u32 s15;
	_ =	swait.ge @!p1 [sflag:s22], $0x4000  }
0x17: {  	p0 =	por !p0, !p0;
	[sflag:s22] =	ssyncset.done @!p1 $0x0;
	s21 =	smov.u32 @p3 s3  }
0x18: {  	s17 =	smov.u32 s13;
	[sflag:s22] =	ssyncadd.s32 @!p1 $0xFFFFC000;
	s13 =	smov.u32 s20  }
0x19: {  	s14 =	smov.u32 s21;
	s16 =	sadd.s32 $0x1, s16;
	s15 =	smov.u32 s23  }
.LBB1_1:
0x1a: {  	p1 =	sge.u32 s16, s7  }
0x1b: {  	s20 =	sxor.u32 @!p1 $0xFFFFFFFF, s16;
	s21 =	sshll.u32 @!p1 s15, $0x14;
	s22 =	sshll.u32 @!p1 s14, $0xE  }
0x1c: {  	s24 =	sshll.u32 @!p1 s13, $0x4;
	s25 =	simm.s32 @!p1 $0x20;
	s23 =	sadd.s32 @!p1 s21, s22  }
0x1d: {  	s20 =	sshll.u32 @!p1 s20, $0xE;
	s24 =	sand.u32 @!p1 $0x3FF0, s24;
	s23 =	sadd.s32 @!p1 s4, s23  }
0x1e: {  	s26 =	simm.s32 @!p1 $0x80;
	s20 =	sand.u32 @!p1 $0x4000, s20;
	s23 =	sadd.s32 @!p1 s24, s23  }
0x1f: {  	[tilespmem:s20], [sflag:$0x1] =	stream.strided.gather @!p1 [hbm4b:s23+s25], $0x1000, s26, s25, $0x38;
	[tilespmem:$0x10100] =	vst v63  }
0x20: {  	s23 =	sadd.s32 @!p1 s21, s8  }
0x21: {  	s23 =	sadd.s32 @!p1 s22, s23  }
0x22: {  	s27 =	sor.u32 @!p1 $0x1000, s20;
	s23 =	sadd.s32 @!p1 s24, s23  }
0x23: {  	[tilespmem:s27], [sflag:$0x1] =	stream.strided.gather @!p1 [hbm4b:s23+s25], $0x1000, s26, s25, $0x38;
	[tilespmem:$0x10100] =	vst v63  }
0x24: {  	s23 =	sadd.s32 @!p1 s21, s9  }
0x25: {  	s21 =	sadd.s32 @!p1 s21, s10;
	s23 =	sadd.s32 @!p1 s22, s23  }
0x26: {  	s27 =	sor.u32 @!p1 $0x2000, s20;
	s21 =	sadd.s32 @!p1 s22, s21;
	s23 =	sadd.s32 @!p1 s24, s23  }
0x27: {  	[tilespmem:s27], [sflag:$0x1] =	stream.strided.gather @!p1 [hbm4b:s23+s25], $0x1000, s26, s25, $0x38;
	[tilespmem:$0x10100] =	vst v63  }
0x28: {  	s31 =	sadd.s32 $0xFFFFFFFF, s16;
	s20 =	sor.u32 @!p1 $0x3000, s20;
	s21 =	sadd.s32 @!p1 s24, s21  }
0x29: {  	[tilespmem:s20], [sflag:$0x1] =	stream.strided.gather @!p1 [hbm4b:s21+s25], $0x1000, s26, s25, $0x38;
	[tilespmem:$0x10100] =	vst v63  }
0x2a: {  	p1 =	sge.u32 s31, s7  }
.Ltmp2:
0x2b: {  	_ = 	snop;
	(pc) =	sbr.rel @p1 .LBB1_7-.Ltmp2, $1  }
0x2c: {  	_ =	sdelay $0x3  }
0x2d: {  	s20 =	simm.s32 $0x1;
	s22 =	sand.u32 $0x1, s16  }
0x2e: {  	_ =	swait.ge [sflag:s5], $0x4000;
	s20 =	simm.s32 @!p0 $0x0;
	s23 =	smul.u32 $0x10200, s22  }
0x2f: {  	[sflag:s5] =	ssyncset.done $0x0;
	s21 =	smul.u32 $0x10200, s20  }
0x30: {  	s20 =	sshll.u32 s20, $0xE;
	[sflag:s5] =	ssyncadd.s32 $0xFFFFC000  }
0x31: {  	s22 =	sor.u32 $0x10, s20;
	s31 =	sshrl.u32 s23, $0x2;
	s21 =	sshrl.u32 s21, $0x2  }
0x32: {  	s23 =	simm.s32 $0x0;
	s20 =	sor.u32 $0x8000, s31;
	s21 =	sor.u32 $0x8000, s21  }
.LBB1_3:
0x33: {  	v1 =	vld [tilespmem:s22+$0x0]  }
0x34: {  	v0 =	vld [tilespmem:s22+$0xFFFFFFF0];
	_ =	sdelay $0x2  }
0x35: {  	s26 =	sadd.s32 $0x0, s21  }
0x36: {  	s24 =	simm.s32 $0x4;
	s25 =	sadd.s32 $0x20, s22;
	[tilespmem:s26+$0x2040 ss:$0x204] =	vst.msk $0xffff, v1  }
.LBB1_4:
0x37: {  	v1 =	vld [tilespmem:s25+$0x0];
	p1 =	sne.s32 s24, $0x1FC;
	[tilespmem:s26+$0x0 ss:$0x204] =	vst.msk $0xffff, v0;
	s26 =	smov.u32 s24;
	s24 =	sadd.s32 $0x4, s24  }
.Ltmp3:
0x38: {  	v0 =	vld [tilespmem:s25+$0xFFFFFFF0];
	(pc) =	sbr.rel @p1 .LBB1_4-.Ltmp3, $4  }
0x39: {  	_ = 	snop  }
0x3a: {  	s26 =	sshra.s32 s26, $0x2  }
0x3b: {  	s26 =	sadd.s32 s26, s21  }
0x3c: {  	s25 =	sadd.s32 $0x20, s25;
	[tilespmem:s26+$0x2040 ss:$0x204] =	vst.msk $0xffff, v1  }
0x3d: {  	s23 =	sadd.s32 $0x1, s23  }
0x3e: {  	p1 =	sne.s32 s23, $0x4  }
.Ltmp4:
0x3f: {  	_ = 	snop;
	(pc) =	sbr.rel @p1 .LBB1_3-.Ltmp4, $2  }
0x40: {  	_ =	sdelay $0x2  }
0x41: {  	[tilespmem:s26+$0x0 ss:$0x204] =	vst.msk $0xffff, v0;
	s21 =	sadd.s32 $0x81, s21;
	s22 =	sadd.s32 $0x1000, s22  }
0x42: {  	s19 =	sshll.u32 s19, $0x7;
	s21 =	sand.u32 $0x78, s17  }
0x43: {  	s18 =	sshll.u32 s18, $0x12;
	s31 =	sand.u32 $0x7, s17;
	s22 =	sand.u32 $0x380, s19  }
.Ltmp5:
0x44: {  	s19 =	sand.u32 $0x1C00, s19;
	s21 =	sor.u32 s21, s22;
	(pc) =	sbr.rel .LBB1_7-.Ltmp5, $4  }
0x45: {  	s18 =	sadd.s32 s2, s18;
	s19 =	sadd.s32 s17, s19;
	s21 =	sshrl.u32 s21, $0x3  }
0x46: {  	s17 =	sshll.u32 s31, $0x12;
	s19 =	sand.u32 $0x1F80, s19;
	s18 =	sadd.s32 s21, s18  }
0x47: {  	s17 =	sor.u32 $0x200, s17;
	s18 =	sadd.s32 s19, s18  }
0x48: {  	[hbm4b:s18+s17] =	stream.strided.scatter [tilespmem:s20], [sflag:$0x2], $0x4000, s12, s17, $0x20;
	[tilespmem:$0x10100] =	vst v63  }
.LBB1_8:
0x49: {  	_ =	sfence.sel $0x180000  }
0x4a: {  	s2 =	simm.s32 $0x1;
	[bflag:$0x0] =	sbarrier.arrive $0xFFFF  }
0x4b: {  	s31 =	simm.s32 $0x2;
	[sflag:s2] =	ssyncpa.u1 $0x1  }
0x4c: {  	[sflag:s31] =	ssyncpa.u1 $0x1  }
0x4d: {  	p0 =	sne.s32 s0, $0x0;
	_ =	strace $0x90000047  }
0x4e: {  	s0 =	sadd.s32 @!p0 $0x100000, s1;
	[bflag:$0x2] =	sbarrier.arrive $0xFFFF  }
0x4f: {  	[sflag:s0] =	ssyncadd.tile.s32 @!p0 $0x1;
	_ =	shalt  }
.Lfunc_end1:
_tile_overlayer_lowered:
.L_overlay_start_2:
0x50: {  	(tag) =	ssettag $0x2  }
0x51: {  	s0 =	rddreg [dreg:$0x0];
	s2 =	stileid.u32  }
0x52: {  	s1 =	rddreg [dreg:$0x1];
	p0 =	sne.s32 s2, $0x0  }
0x53: {  	s3 =	rddreg [dreg:$0x2];
	[bflag:$0x3] =	sbarrier.arrive $0xFFFF;
	s2 =	simm.s32 @!p0 $0x1C01  }
0x54: {  	[timem:s3], [sflag:s2] =	dma.local @!p0 [hbm:s0], s1  }
0x55: {  	s0 =	simm.s32 @!p0 $0x1  }
0x56: {  	_ =	swait.ge @!p0 [sflag:s0], s1  }
0x57: {  	s1 =	ssub.s32 @!p0 $0x0, s1;
	[sflag:s0] =	ssyncset.done @!p0 $0x0  }
0x58: {  	[sflag:s0] =	ssyncadd.s32 @!p0 s1  }
0x59: {  	[bflag:$0x3] =	sbarrier.arrive $0xFFFF  }
0x5a: {  	_ =	shalt  }

</sc_bundles>
